<compile_context>
chip_gen: v7x
topology: tpu7x:2x2x1
jax: 0.10.2.dev20260603
libtpu: 0.0.44.dev20260713+nightly
codegen_flags: <defaults>
</compile_context>

<pallas_src>
import functools

import jax
import jax.numpy as jnp
from jax import lax
from jax.experimental import pallas as pl
from jax.experimental.pallas import tpu as pltpu
from jax.experimental.pallas import tpu_sc as plsc

N = 10000
NP = 10240
D = 128
DO = 64
NC, NS, L = 2, 16, 16
NW = NC * NS
NB = 81
EPW = NB * 128
E_PAD = EPW * NW
E_AUG = 320000 + N
RPT = NP // NS
AP_STRIDE = 82944
AP = NS * AP_STRIDE

_mesh = plsc.VectorSubcoreMesh(core_axis_name="c", subcore_axis_name="s")


def _fill(ref, n_vregs, value, dtype):
    def body(i, _):
        ref[pl.ds(i * L, L)] = jnp.full((L,), value, dtype)
        return 0
    lax.fori_loop(0, n_vregs, body, 0)


@functools.partial(
    pl.kernel,
    out_type=jax.ShapeDtypeStruct((NC, NP), jnp.float32),
    mesh=_mesh,
    scratch_types=[
        pltpu.VMEM((NB, 128), jnp.int32),
        pltpu.VMEM((128,), jnp.float32),
        pltpu.VMEM((RPT,), jnp.float32),
        pltpu.VMEM_SHARED((NP,), jnp.float32),
        pltpu.SemaphoreType.DMA,
    ],
)
def _deg_kernel(dst_hbm, out_hbm, idx_v, ones_v, z_v, acc_sh, sem):
    c = lax.axis_index("c")
    s = lax.axis_index("s")
    wid = s * NC + c
    pltpu.sync_copy(dst_hbm.at[wid], idx_v)
    _fill(ones_v, 128 // L, 1.0, jnp.float32)
    _fill(z_v, RPT // L, 0.0, jnp.float32)
    pltpu.sync_copy(z_v, acc_sh.at[pl.ds(s * RPT, RPT)])
    plsc.subcore_barrier()

    def fire(j, _):
        pltpu.async_copy(ones_v, acc_sh.at[idx_v.at[j]], sem, add=True)
        return 0
    lax.fori_loop(0, NB, fire, 0)

    def drain(j, _):
        pltpu.make_async_copy(ones_v, acc_sh.at[idx_v.at[0]], sem).wait()
        return 0
    lax.fori_loop(0, NB, drain, 0)
    plsc.subcore_barrier()
    pltpu.sync_copy(acc_sh.at[pl.ds(s * RPT, RPT)],
                    out_hbm.at[c, pl.ds(s * RPT, RPT)])


NBP = 27
ZB = 2560


@functools.partial(
    pl.kernel,
    out_type=jax.ShapeDtypeStruct((NC, NP * D), jnp.float32),
    mesh=_mesh,
    scratch_types=[
        pltpu.VMEM((NBP * 128,), jnp.int32),
        pltpu.VMEM((NBP * 128,), jnp.int32),
        pltpu.VMEM((NP,), jnp.float32),
        pltpu.VMEM((NP,), jnp.int32),
        pltpu.VMEM((NBP, 128), jnp.float32),
        pltpu.VMEM((NBP, 128), jnp.int32),
        pltpu.VMEM((NBP, 128), jnp.float32),
        pltpu.VMEM((NBP, 128), jnp.int32),
        pltpu.VMEM((ZB,), jnp.float32),
        pltpu.VMEM_SHARED((NP * D,), jnp.float32),
        pltpu.SemaphoreType.DMA,
        pltpu.SemaphoreType.DMA,
    ],
    compiler_params=pltpu.CompilerParams(needs_layout_passes=False),
)
def _label_kernel(src_hbm, dst_hbm, dis_hbm, x_hbm, out_hbm,
                  src_v, dst_v, dis_v, x_v, val0, fidx0, val1, fidx1,
                  z_v, a_sh, sem0, sem1):
    c = lax.axis_index("c")
    s = lax.axis_index("s")
    wid = s * NC + c
    pltpu.sync_copy(dis_hbm, dis_v)
    pltpu.sync_copy(x_hbm, x_v)

    _fill(z_v, ZB // L, 0.0, jnp.float32)
    sl = RPT * D

    def zcopy(q, _):
        pltpu.sync_copy(z_v, a_sh.at[pl.ds(s * sl + q * ZB, ZB)])
        return 0
    lax.fori_loop(0, sl // ZB, zcopy, 0)
    plsc.subcore_barrier()

    def drain(val_v, fidx_v, sem):
        def dbody(j, _):
            pltpu.make_async_copy(val_v.at[0], a_sh.at[fidx_v.at[0]],
                                  sem).wait()
            return 0
        lax.fori_loop(0, NBP, dbody, 0)

    bufs = ((val0, fidx0, sem0), (val1, fidx1, sem1))
    for p in range(NB // NBP):
        val_v, fidx_v, sem = bufs[p % 2]
        if p >= 2:
            drain(val_v, fidx_v, sem)
        base = wid * EPW + p * (NBP * 128)
        pltpu.sync_copy(src_hbm.at[pl.ds(base, NBP * 128)], src_v)
        pltpu.sync_copy(dst_hbm.at[pl.ds(base, NBP * 128)], dst_v)

        def cbody(i, _):
            row, col = i // 8, (i % 8) * L
            s16 = src_v[pl.ds(i * L, L)]
            d16 = dst_v[pl.ds(i * L, L)]
            dv = plsc.load_gather(dis_v, [s16])
            lb = plsc.load_gather(x_v, [s16])
            val_v[row, pl.ds(col, L)] = dv
            fidx_v[row, pl.ds(col, L)] = d16 * D + lb
            return 0
        lax.fori_loop(0, NBP * 8, cbody, 0)

        def fbody(j, _):
            pltpu.async_copy(val_v.at[j], a_sh.at[fidx_v.at[j]], sem,
                             add=True)
            return 0
        lax.fori_loop(0, NBP, fbody, 0)
    drain(val1, fidx1, sem1)
    drain(val0, fidx0, sem0)
    plsc.subcore_barrier()
    pltpu.sync_copy(a_sh.at[pl.ds(s * sl, sl)],
                    out_hbm.at[c, pl.ds(s * sl, sl)])


SEG = 32


@functools.partial(
    pl.kernel,
    out_type=jax.ShapeDtypeStruct((NC, NP, D), jnp.float32),
    mesh=_mesh,
    scratch_types=[
        pltpu.VMEM((NB, 128), jnp.int32),
        pltpu.VMEM((SEG, 128), jnp.int32),
        pltpu.VMEM((128, D), jnp.float32),
        pltpu.VMEM((128, D), jnp.float32),
        pltpu.VMEM_SHARED((NP, D), jnp.float32),
        pltpu.SemaphoreType.DMA,
        pltpu.SemaphoreType.DMA,
    ],
    compiler_params=pltpu.CompilerParams(needs_layout_passes=False),
)
def _segsum_kernel(src_hbm, dst_hbm, g1_hbm, out_hbm,
                   src_v, dst_v, rows0, rows1, s_sh, sem0, sem1):
    c = lax.axis_index("c")
    s = lax.axis_index("s")
    wid = s * NC + c
    pltpu.sync_copy(src_hbm.at[wid], src_v)
    pltpu.sync_copy(dst_hbm.at[wid, pl.ds(0, SEG)], dst_v)

    def zbody(i, _):
        rows0[i // 8, pl.ds((i % 8) * L, L)] = jnp.zeros((L,), jnp.float32)
        return 0
    lax.fori_loop(0, 128 * 8, zbody, 0)

    def zcopy(q, _):
        pltpu.sync_copy(rows0, s_sh.at[pl.ds(s * RPT + q * 128, 128)])
        return 0
    lax.fori_loop(0, RPT // 128, zcopy, 0)
    plsc.subcore_barrier()

    pltpu.async_copy(g1_hbm.at[src_v.at[0]], rows0, sem0)

    def pair(jj, _):
        j0 = 2 * jj

        @pl.when(jj == SEG // 2)
        def _():
            pltpu.sync_copy(dst_hbm.at[wid, pl.ds(SEG, SEG)], dst_v)

        @pl.when(jj == SEG)
        def _():
            pltpu.sync_copy(dst_hbm.at[wid, pl.ds(2 * SEG, NB - 2 * SEG)],
                            dst_v.at[pl.ds(0, NB - 2 * SEG)])
        r0 = j0 % SEG
        pltpu.make_async_copy(g1_hbm.at[src_v.at[j0]], rows0, sem0).wait()
        pltpu.async_copy(g1_hbm.at[src_v.at[j0 + 1]], rows1, sem1)
        pltpu.sync_copy(rows0, s_sh.at[dst_v.at[r0]], add=True)
        pltpu.make_async_copy(g1_hbm.at[src_v.at[j0 + 1]], rows1,
                              sem1).wait()
        pltpu.async_copy(g1_hbm.at[src_v.at[j0 + 2]], rows0, sem0)
        pltpu.sync_copy(rows1, s_sh.at[dst_v.at[r0 + 1]], add=True)
        return 0
    lax.fori_loop(0, (NB - 1) // 2, pair, 0)
    pltpu.make_async_copy(g1_hbm.at[src_v.at[NB - 1]], rows0, sem0).wait()
    pltpu.sync_copy(rows0, s_sh.at[dst_v.at[(NB - 1) % SEG]], add=True)
    plsc.subcore_barrier()
    pltpu.sync_copy(s_sh.at[pl.ds(s * RPT, RPT)],
                    out_hbm.at[c, pl.ds(s * RPT, RPT)])


def _dis_body(deg_ref, out_ref):
    d = deg_ref[0] + deg_ref[1]
    out_ref[...] = lax.rsqrt(jnp.maximum(d, 1.0))


def _l1_body(a0_ref, a1_ref, dis_ref, w1_ref, b1_ref, out_ref):
    a = a0_ref[...] + a1_ref[...]
    t = jnp.dot(a, w1_ref[...], preferred_element_type=jnp.float32)
    dis = dis_ref[...]
    h = jnp.maximum(dis * t + b1_ref[...], 0.0)
    out_ref[...] = dis * h


def _l2_body(s0_ref, s1_ref, dis_ref, w2_ref, b2_ref, fcw_ref, fcb_ref,
             out_ref):
    p = dis_ref[...] * (s0_ref[...] + s1_ref[...])
    h = jnp.maximum(
        jnp.dot(p, w2_ref[...], preferred_element_type=jnp.float32)
        + b2_ref[...], 0.0)
    out_ref[...] = (
        jnp.dot(h, fcw_ref[...], preferred_element_type=jnp.float32)
        + fcb_ref[...])


RB = 256


def kernel(x, edge_index, W1, b1, W2, b2, fc_W, fc_b):
    x = x.astype(jnp.int32)
    ei = edge_index.astype(jnp.int32)
    iota_n = jnp.arange(N, dtype=jnp.int32)
    pad = jnp.full((E_PAD - E_AUG,), NP - 1, jnp.int32)
    src = jnp.concatenate([ei[0], iota_n, pad]).reshape(NW, NB, 128)
    dst = jnp.concatenate([ei[1], iota_n, pad]).reshape(NW, NB, 128)
    xp = jnp.pad(x, (0, NP - N))

    deg2 = _deg_kernel(dst)

    dis2d = pl.pallas_call(
        _dis_body,
        out_shape=jax.ShapeDtypeStruct((NP // 128, 128), jnp.float32),
        in_specs=[pl.BlockSpec((NC, NP // 128, 128), lambda: (0, 0, 0))],
        out_specs=pl.BlockSpec((NP // 128, 128), lambda: (0, 0)),
    )(deg2.reshape(NC, NP // 128, 128))
    dis = dis2d.reshape(NP)

    a2 = _label_kernel(src.reshape(E_PAD), dst.reshape(E_PAD), dis, xp)

    g1 = pl.pallas_call(
        _l1_body,
        grid=(NP // RB,),
        out_shape=jax.ShapeDtypeStruct((NP, D), jnp.float32),
        in_specs=[
            pl.BlockSpec((RB, D), lambda i: (i, 0)),
            pl.BlockSpec((RB, D), lambda i: (i, 0)),
            pl.BlockSpec((RB, 1), lambda i: (i, 0)),
            pl.BlockSpec((D, D), lambda i: (0, 0)),
            pl.BlockSpec((1, D), lambda i: (0, 0)),
        ],
        out_specs=pl.BlockSpec((RB, D), lambda i: (i, 0)),
    )(a2[0].reshape(NP, D), a2[1].reshape(NP, D), dis.reshape(NP, 1),
      W1, b1.reshape(1, D))

    s2 = _segsum_kernel(src, dst, g1)

    out = pl.pallas_call(
        _l2_body,
        grid=(NP // RB,),
        out_shape=jax.ShapeDtypeStruct((NP, DO), jnp.float32),
        in_specs=[
            pl.BlockSpec((RB, D), lambda i: (i, 0)),
            pl.BlockSpec((RB, D), lambda i: (i, 0)),
            pl.BlockSpec((RB, 1), lambda i: (i, 0)),
            pl.BlockSpec((D, D), lambda i: (0, 0)),
            pl.BlockSpec((1, D), lambda i: (0, 0)),
            pl.BlockSpec((D, DO), lambda i: (0, 0)),
            pl.BlockSpec((1, DO), lambda i: (0, 0)),
        ],
        out_specs=pl.BlockSpec((RB, DO), lambda i: (i, 0)),
    )(s2[0], s2[1], dis.reshape(NP, 1), W2, b2.reshape(1, D),
      fc_W, fc_b.reshape(1, DO))

    return out[:N]

# --- scband reference (transcript-rebuilt; emitter-appended) ---
"""Pipeline reference for scband-graph2-vec-20529943675180 (READ-ONLY COPY).

The authoritative reference and input builder live on the scoring server;
editing this copy changes nothing except your own understanding.
"""

import jax, jax.numpy as jnp
import numpy as np

N_NODES = 10000
N_EDGES = 320000
D_FEAT = 128
D_HID = 128
D_OUT = 64


def gcn_conv(x, edge_index, W, b, num_nodes):
    # GCNConv: add self-loops, symmetric normalization, then linear transform + aggregate
    self_loop = jnp.arange(num_nodes, dtype=edge_index.dtype)
    src = jnp.concatenate([edge_index[0], self_loop])
    dst = jnp.concatenate([edge_index[1], self_loop])
    deg = jnp.zeros((num_nodes,), dtype=x.dtype).at[dst].add(1.0)
    deg_inv_sqrt = jnp.where(deg > 0, 1.0 / jnp.sqrt(deg), 0.0)
    norm = deg_inv_sqrt[src] * deg_inv_sqrt[dst]
    h = x @ W
    msg = h[src] * norm[:, None]
    out = jnp.zeros((num_nodes, W.shape[1]), dtype=x.dtype).at[dst].add(msg)
    return out + b


def setup_inputs(seed: int = 0) -> dict:
    key = jax.random.key(seed)
    k1, k2, k3, k4, k5 = jax.random.split(key, 5)
    x = jax.random.randint(k1, (N_NODES,), 0, D_FEAT, dtype=jnp.int64 if jax.config.jax_enable_x64 else jnp.int32)
    edge_index = jax.random.randint(k2, (2, N_EDGES), 0, N_NODES, dtype=jnp.int64 if jax.config.jax_enable_x64 else jnp.int32)
    s = 1.0 / np.sqrt(D_FEAT)
    W1 = jax.random.uniform(k3, (D_FEAT, D_HID), minval=-s, maxval=s, dtype=jnp.float32)
    b1 = jnp.zeros((D_HID,), dtype=jnp.float32)
    s2 = 1.0 / np.sqrt(D_HID)
    W2 = jax.random.uniform(k4, (D_HID, D_HID), minval=-s2, maxval=s2, dtype=jnp.float32)
    b2 = jnp.zeros((D_HID,), dtype=jnp.float32)
    fc_W = jax.random.uniform(k5, (D_HID, D_OUT), minval=-s2, maxval=s2, dtype=jnp.float32)
    fc_b = jnp.zeros((D_OUT,), dtype=jnp.float32)
    return {"x": x, "edge_index": edge_index, "W1": W1, "b1": b1, "W2": W2, "b2": b2, "fc_W": fc_W, "fc_b": fc_b}


def reference(x, edge_index, W1, b1, W2, b2, fc_W, fc_b):
    # GRAPH2VEC.embed_node: one-hot node labels -> stacked GCN convs with ReLU
    # (dropout p=0.0 per config, so identity) -> final linear layer
    h = jax.nn.one_hot(x, D_FEAT, dtype=jnp.float32)
    h = jax.nn.relu(gcn_conv(h, edge_index, W1, b1, N_NODES))
    h = jax.nn.relu(gcn_conv(h, edge_index, W2, b2, N_NODES))
    out = h @ fc_W + fc_b
    return out

if __name__ == "__main__":
    import jax
    _d = setup_inputs()
    print(jax.jit(kernel)(*tuple(_d.values())))

</pallas_src>

<mosaic_0001>
#map = affine_map<(d0, d1) -> (0, 0, 0)>
#map1 = affine_map<(d0, d1) -> (0, 0)>
module attributes {stable_mosaic.version = 14 : i64} {
  func.func @_deg_kernel(%arg0: i32, %arg1: i32, %arg2: memref<32x81x128xi32, #tpu.memory_space<hbm>>, %arg3: memref<2x10240xf32, #tpu.memory_space<hbm>>, %arg4: memref<81x128xi32, #tpu.memory_space<vmem>>, %arg5: memref<128xf32, #tpu.memory_space<vmem>>, %arg6: memref<640xf32, #tpu.memory_space<vmem>>, %arg7: memref<10240xf32, #tpu.memory_space<vmem_shared>>, %arg8: memref<!tpu.dma_semaphore, #tpu.memory_space<semaphore_mem>>) attributes {dimension_semantics = [#tpu.dimension_semantics<core_parallel>, #tpu.dimension_semantics<subcore_parallel>], iteration_bounds = array<i64: 2, 16>, scalar_prefetch = 0 : i64, scratch_operands = 5 : i64, tpu.core_type = #tpu.core_type<sc_vector_subcore>, window_params = [{transform_indices = #map}, {transform_indices = #map1}]} {
    %mul3A = arith.constant 2 : i32
    %mul3A_0 = arith.muli %arg1, %mul3A : i32
    %add3A = arith.addi %mul3A_0, %arg0 : i32
    "tpu.region"() ({
      %run_scoped3A = tpu.sem_alloc : memref<!tpu.dma_semaphore, #tpu.memory_space<semaphore_mem>>
      %dma_start3A = arith.constant 0 : i32
      %dma_start3A_35 = arith.constant 0 : i32
      %dma_start3A_36 = tpu.memref_slice %arg2[%add3A, %dma_start3A, %dma_start3A_35] : memref<32x81x128xi32, #tpu.memory_space<hbm>> -> memref<1x81x128xi32, #tpu.memory_space<hbm>>
      %dma_start3A_37 = tpu.memref_squeeze %dma_start3A_36 : memref<1x81x128xi32, #tpu.memory_space<hbm>> -> memref<81x128xi32, #tpu.memory_space<hbm>>
      %dma_start3A_38 = arith.constant 0 : i32
      %dma_start3A_39 = arith.constant 0 : i32
      %dma_start3A_40 = tpu.memref_slice %arg2[%add3A, %dma_start3A_38, %dma_start3A_39] : memref<32x81x128xi32, #tpu.memory_space<hbm>> -> memref<1x81x128xi32, #tpu.memory_space<hbm>>
      %dma_start3A_41 = tpu.memref_squeeze %dma_start3A_40 : memref<1x81x128xi32, #tpu.memory_space<hbm>> -> memref<81x128xi32, #tpu.memory_space<hbm>>
      tpu.enqueue_dma source(%dma_start3A_41 : memref<81x128xi32, #tpu.memory_space<hbm>>) target(%arg4 : memref<81x128xi32, #tpu.memory_space<vmem>>) target_semaphore(%run_scoped3A : memref<!tpu.dma_semaphore, #tpu.memory_space<semaphore_mem>>)
      %dma_wait3A = arith.constant 0 : i32
      %dma_wait3A_42 = arith.constant 0 : i32
      %dma_wait3A_43 = tpu.memref_slice %arg2[%add3A, %dma_wait3A, %dma_wait3A_42] : memref<32x81x128xi32, #tpu.memory_space<hbm>> -> memref<1x81x128xi32, #tpu.memory_space<hbm>>
      %dma_wait3A_44 = tpu.memref_squeeze %dma_wait3A_43 : memref<1x81x128xi32, #tpu.memory_space<hbm>> -> memref<81x128xi32, #tpu.memory_space<hbm>>
      %dma_wait3A_45 = arith.constant 0 : i32
      %dma_wait3A_46 = arith.constant 0 : i32
      %dma_wait3A_47 = tpu.memref_slice %arg2[%add3A, %dma_wait3A_45, %dma_wait3A_46] : memref<32x81x128xi32, #tpu.memory_space<hbm>> -> memref<1x81x128xi32, #tpu.memory_space<hbm>>
      %dma_wait3A_48 = tpu.memref_squeeze %dma_wait3A_47 : memref<1x81x128xi32, #tpu.memory_space<hbm>> -> memref<81x128xi32, #tpu.memory_space<hbm>>
      tpu.wait_dma2 semaphore(%run_scoped3A : memref<!tpu.dma_semaphore, #tpu.memory_space<semaphore_mem>>) src(%dma_wait3A_48 : memref<81x128xi32, #tpu.memory_space<hbm>>) dst(%arg4 : memref<81x128xi32, #tpu.memory_space<vmem>>)
      tpu.yield
    }) : () -> ()
    %scan3A = arith.constant 0 : i32
    %scan3A_1 = arith.constant 0 : i32
    %scan3A_2 = arith.constant 8 : i32
    %scan3A_3 = arith.addi %scan3A_1, %scan3A_2 : i32
    %scan3A_4 = arith.constant 1 : i32
    %scan3A_5 = scf.for %scan3A_35 = %scan3A_1 to %scan3A_3 step %scan3A_4 iter_args(%scan3A_36 = %scan3A) -> (i32)  : i32 {
      %broadcast_in_dim3A = arith.constant 1.000000e+00 : f32
      %broadcast_in_dim3A_37 = vector.broadcast %broadcast_in_dim3A : f32 to vector<16xf32>
      %mul3A_38 = arith.constant 16 : i32
      %mul3A_39 = arith.muli %scan3A_35, %mul3A_38 : i32
      %swap3A = arith.index_cast %mul3A_39 : i32 to index
      %swap3A_40 = tpu.vector_load %arg5[%swap3A] {strides = array<i32>} : memref<128xf32, #tpu.memory_space<vmem>>, vector<16xf32>,
      %swap3A_41 = vector.shape_cast %swap3A_40 : vector<16xf32> to vector<16xf32>
      %swap3A_42 = vector.shape_cast %broadcast_in_dim3A_37 : vector<16xf32> to vector<16xf32>
      tpu.vector_store %arg5[%swap3A], %swap3A_42 {strides = array<i32>} : memref<128xf32, #tpu.memory_space<vmem>>, vector<16xf32>,
      %scan3A_43 = arith.constant 0 : i32
      scf.yield %scan3A_43 : i32
    }
    %scan3A_6 = arith.constant 8 : i32
    %scan3A_7 = arith.constant 0 : i32
    %scan3A_8 = arith.constant 0 : i32
    %scan3A_9 = arith.constant 40 : i32
    %scan3A_10 = arith.addi %scan3A_8, %scan3A_9 : i32
    %scan3A_11 = arith.constant 1 : i32
    %scan3A_12 = scf.for %scan3A_35 = %scan3A_8 to %scan3A_10 step %scan3A_11 iter_args(%scan3A_36 = %scan3A_7) -> (i32)  : i32 {
      %broadcast_in_dim3A = arith.constant 0.000000e+00 : f32
      %broadcast_in_dim3A_37 = vector.broadcast %broadcast_in_dim3A : f32 to vector<16xf32>
      %mul3A_38 = arith.constant 16 : i32
      %mul3A_39 = arith.muli %scan3A_35, %mul3A_38 : i32
      %swap3A = arith.index_cast %mul3A_39 : i32 to index
      %swap3A_40 = tpu.vector_load %arg6[%swap3A] {strides = array<i32>} : memref<640xf32, #tpu.memory_space<vmem>>, vector<16xf32>,
      %swap3A_41 = vector.shape_cast %swap3A_40 : vector<16xf32> to vector<16xf32>
      %swap3A_42 = vector.shape_cast %broadcast_in_dim3A_37 : vector<16xf32> to vector<16xf32>
      tpu.vector_store %arg6[%swap3A], %swap3A_42 {strides = array<i32>} : memref<640xf32, #tpu.memory_space<vmem>>, vector<16xf32>,
      %scan3A_43 = arith.constant 0 : i32
      scf.yield %scan3A_43 : i32
    }
    %scan3A_13 = arith.constant 40 : i32
    %mul3A_14 = arith.constant 640 : i32
    %mul3A_15 = arith.muli %arg1, %mul3A_14 : i32
    "tpu.region"() ({
      %run_scoped3A = tpu.sem_alloc : memref<!tpu.dma_semaphore, #tpu.memory_space<semaphore_mem>>
      %dma_start3A = tpu.memref_slice %arg7[%mul3A_15] : memref<10240xf32, #tpu.memory_space<vmem_shared>> -> memref<640xf32, #tpu.memory_space<vmem_shared>>
      %dma_start3A_35 = tpu.memref_slice %arg7[%mul3A_15] : memref<10240xf32, #tpu.memory_space<vmem_shared>> -> memref<640xf32, #tpu.memory_space<vmem_shared>>
      tpu.enqueue_dma source(%arg6 : memref<640xf32, #tpu.memory_space<vmem>>) target(%dma_start3A_35 : memref<640xf32, #tpu.memory_space<vmem_shared>>) target_semaphore(%run_scoped3A : memref<!tpu.dma_semaphore, #tpu.memory_space<semaphore_mem>>)
      %dma_wait3A = tpu.memref_slice %arg7[%mul3A_15] : memref<10240xf32, #tpu.memory_space<vmem_shared>> -> memref<640xf32, #tpu.memory_space<vmem_shared>>
      %dma_wait3A_36 = tpu.memref_slice %arg7[%mul3A_15] : memref<10240xf32, #tpu.memory_space<vmem_shared>> -> memref<640xf32, #tpu.memory_space<vmem_shared>>
      tpu.wait_dma2 semaphore(%run_scoped3A : memref<!tpu.dma_semaphore, #tpu.memory_space<semaphore_mem>>) src(%arg6 : memref<640xf32, #tpu.memory_space<vmem>>) dst(%dma_wait3A_36 : memref<640xf32, #tpu.memory_space<vmem_shared>>)
      tpu.yield
    }) : () -> ()
    %barrier3A = arith.constant 0 : index
    tpu.barrier barrier_id(%barrier3A)
    %scan3A_16 = arith.constant 0 : i32
    %scan3A_17 = arith.constant 0 : i32
    %scan3A_18 = arith.constant 81 : i32
    %scan3A_19 = arith.addi %scan3A_17, %scan3A_18 : i32
    %scan3A_20 = arith.constant 1 : i32
    %scan3A_21 = scf.for %scan3A_35 = %scan3A_17 to %scan3A_19 step %scan3A_20 iter_args(%scan3A_36 = %scan3A_16) -> (i32)  : i32 {
      %dma_start3A = arith.constant 0 : i32
      %dma_start3A_37 = tpu.memref_slice %arg4[%scan3A_35, %dma_start3A] : memref<81x128xi32, #tpu.memory_space<vmem>> -> memref<1x128xi32, #tpu.memory_space<vmem>>
      %dma_start3A_38 = tpu.memref_squeeze %dma_start3A_37 : memref<1x128xi32, #tpu.memory_space<vmem>> -> memref<128xi32, #tpu.memory_space<vmem>>
      %dma_start3A_39 = arith.constant 0 : i32
      %dma_start3A_40 = tpu.memref_slice %arg7[%dma_start3A_39] : memref<10240xf32, #tpu.memory_space<vmem_shared>> -> memref<10240xf32, #tpu.memory_space<vmem_shared>>
      tpu.enqueue_indirect_dma source(%arg5 : memref<128xf32, #tpu.memory_space<vmem>>) target(%dma_start3A_40 : memref<10240xf32, #tpu.memory_space<vmem_shared>>) offsets(%dma_start3A_38 : memref<128xi32, #tpu.memory_space<vmem>>) semaphore(%arg8 : memref<!tpu.dma_semaphore, #tpu.memory_space<semaphore_mem>>) {add = true}
      %scan3A_41 = arith.constant 0 : i32
      scf.yield %scan3A_41 : i32
    }
    %scan3A_22 = arith.constant 81 : i32
    %scan3A_23 = arith.constant 0 : i32
    %scan3A_24 = arith.constant 0 : i32
    %scan3A_25 = arith.constant 81 : i32
    %scan3A_26 = arith.addi %scan3A_24, %scan3A_25 : i32
    %scan3A_27 = arith.constant 1 : i32
    %scan3A_28 = scf.for %scan3A_35 = %scan3A_24 to %scan3A_26 step %scan3A_27 iter_args(%scan3A_36 = %scan3A_23) -> (i32)  : i32 {
      %dma_wait3A = arith.constant 0 : i32
      %dma_wait3A_37 = arith.constant 0 : i32
      %dma_wait3A_38 = tpu.memref_slice %arg4[%dma_wait3A, %dma_wait3A_37] : memref<81x128xi32, #tpu.memory_space<vmem>> -> memref<1x128xi32, #tpu.memory_space<vmem>>
      %dma_wait3A_39 = tpu.memref_squeeze %dma_wait3A_38 : memref<1x128xi32, #tpu.memory_space<vmem>> -> memref<128xi32, #tpu.memory_space<vmem>>
      %dma_wait3A_40 = arith.constant 0 : i32
      %dma_wait3A_41 = tpu.memref_slice %arg7[%dma_wait3A_40] : memref<10240xf32, #tpu.memory_space<vmem_shared>> -> memref<10240xf32, #tpu.memory_space<vmem_shared>>
      tpu.wait_indirect_dma semaphore(%arg8 : memref<!tpu.dma_semaphore, #tpu.memory_space<semaphore_mem>>) src(%arg5 : memref<128xf32, #tpu.memory_space<vmem>>) dst(%dma_wait3A_41 : memref<10240xf32, #tpu.memory_space<vmem_shared>>)
      %scan3A_42 = arith.constant 0 : i32
      scf.yield %scan3A_42 : i32
    }
    %scan3A_29 = arith.constant 81 : i32
    %barrier3A_30 = arith.constant 0 : index
    tpu.barrier barrier_id(%barrier3A_30)
    %mul3A_31 = arith.constant 640 : i32
    %mul3A_32 = arith.muli %arg1, %mul3A_31 : i32
    %mul3A_33 = arith.constant 640 : i32
    %mul3A_34 = arith.muli %arg1, %mul3A_33 : i32
    "tpu.region"() ({
      %run_scoped3A = tpu.sem_alloc : memref<!tpu.dma_semaphore, #tpu.memory_space<semaphore_mem>>
      %dma_start3A = tpu.memref_slice %arg3[%arg0, %mul3A_34] : memref<2x10240xf32, #tpu.memory_space<hbm>> -> memref<1x640xf32, #tpu.memory_space<hbm>>
      %dma_start3A_35 = tpu.memref_squeeze %dma_start3A : memref<1x640xf32, #tpu.memory_space<hbm>> -> memref<640xf32, #tpu.memory_space<hbm>>
      %dma_start3A_36 = tpu.memref_slice %arg7[%mul3A_32] : memref<10240xf32, #tpu.memory_space<vmem_shared>> -> memref<640xf32, #tpu.memory_space<vmem_shared>>
      tpu.enqueue_dma source(%dma_start3A_36 : memref<640xf32, #tpu.memory_space<vmem_shared>>) target(%dma_start3A_35 : memref<640xf32, #tpu.memory_space<hbm>>) target_semaphore(%run_scoped3A : memref<!tpu.dma_semaphore, #tpu.memory_space<semaphore_mem>>)
      %dma_wait3A = tpu.memref_slice %arg3[%arg0, %mul3A_34] : memref<2x10240xf32, #tpu.memory_space<hbm>> -> memref<1x640xf32, #tpu.memory_space<hbm>>
      %dma_wait3A_37 = tpu.memref_squeeze %dma_wait3A : memref<1x640xf32, #tpu.memory_space<hbm>> -> memref<640xf32, #tpu.memory_space<hbm>>
      %dma_wait3A_38 = tpu.memref_slice %arg7[%mul3A_32] : memref<10240xf32, #tpu.memory_space<vmem_shared>> -> memref<640xf32, #tpu.memory_space<vmem_shared>>
      tpu.wait_dma2 semaphore(%run_scoped3A : memref<!tpu.dma_semaphore, #tpu.memory_space<semaphore_mem>>) src(%dma_wait3A_38 : memref<640xf32, #tpu.memory_space<vmem_shared>>) dst(%dma_wait3A_37 : memref<640xf32, #tpu.memory_space<hbm>>)
      tpu.yield
    }) : () -> ()
    return
  }
}

#map = affine_map<(d0, d1) -> (0)>
#map1 = affine_map<(d0, d1) -> (0, 0)>
module attributes {stable_mosaic.version = 14 : i64} {
  func.func @_label_kernel(%arg0: i32, %arg1: i32, %arg2: memref<331776xi32, #tpu.memory_space<hbm>>, %arg3: memref<331776xi32, #tpu.memory_space<hbm>>, %arg4: memref<10240xf32, #tpu.memory_space<hbm>>, %arg5: memref<10240xi32, #tpu.memory_space<hbm>>, %arg6: memref<2x1310720xf32, #tpu.memory_space<hbm>>, %arg7: memref<3456xi32, #tpu.memory_space<vmem>>, %arg8: memref<3456xi32, #tpu.memory_space<vmem>>, %arg9: memref<10240xf32, #tpu.memory_space<vmem>>, %arg10: memref<10240xi32, #tpu.memory_space<vmem>>, %arg11: memref<27x128xf32, #tpu.memory_space<vmem>>, %arg12: memref<27x128xi32, #tpu.memory_space<vmem>>, %arg13: memref<27x128xf32, #tpu.memory_space<vmem>>, %arg14: memref<27x128xi32, #tpu.memory_space<vmem>>, %arg15: memref<2560xf32, #tpu.memory_space<vmem>>, %arg16: memref<1310720xf32, #tpu.memory_space<vmem_shared>>, %arg17: memref<!tpu.dma_semaphore, #tpu.memory_space<semaphore_mem>>, %arg18: memref<!tpu.dma_semaphore, #tpu.memory_space<semaphore_mem>>) attributes {dimension_semantics = [#tpu.dimension_semantics<core_parallel>, #tpu.dimension_semantics<subcore_parallel>], iteration_bounds = array<i64: 2, 16>, scalar_prefetch = 0 : i64, scratch_operands = 12 : i64, tpu.core_type = #tpu.core_type<sc_vector_subcore>, window_params = [{transform_indices = #map}, {transform_indices = #map}, {transform_indices = #map}, {transform_indices = #map}, {transform_indices = #map1}]} {
    %mul3A = arith.constant 2 : i32
    %mul3A_0 = arith.muli %arg1, %mul3A : i32
    %add3A = arith.addi %mul3A_0, %arg0 : i32
    "tpu.region"() ({
      %run_scoped3A = tpu.sem_alloc : memref<!tpu.dma_semaphore, #tpu.memory_space<semaphore_mem>>
      tpu.enqueue_dma source(%arg4 : memref<10240xf32, #tpu.memory_space<hbm>>) target(%arg9 : memref<10240xf32, #tpu.memory_space<vmem>>) target_semaphore(%run_scoped3A : memref<!tpu.dma_semaphore, #tpu.memory_space<semaphore_mem>>)
      tpu.wait_dma2 semaphore(%run_scoped3A : memref<!tpu.dma_semaphore, #tpu.memory_space<semaphore_mem>>) src(%arg4 : memref<10240xf32, #tpu.memory_space<hbm>>) dst(%arg9 : memref<10240xf32, #tpu.memory_space<vmem>>)
      tpu.yield
    }) : () -> ()
    "tpu.region"() ({
      %run_scoped3A = tpu.sem_alloc : memref<!tpu.dma_semaphore, #tpu.memory_space<semaphore_mem>>
      tpu.enqueue_dma source(%arg5 : memref<10240xi32, #tpu.memory_space<hbm>>) target(%arg10 : memref<10240xi32, #tpu.memory_space<vmem>>) target_semaphore(%run_scoped3A : memref<!tpu.dma_semaphore, #tpu.memory_space<semaphore_mem>>)
      tpu.wait_dma2 semaphore(%run_scoped3A : memref<!tpu.dma_semaphore, #tpu.memory_space<semaphore_mem>>) src(%arg5 : memref<10240xi32, #tpu.memory_space<hbm>>) dst(%arg10 : memref<10240xi32, #tpu.memory_space<vmem>>)
      tpu.yield
    }) : () -> ()
    %scan3A = arith.constant 0 : i32
    %scan3A_1 = arith.constant 0 : i32
    %scan3A_2 = arith.constant 160 : i32
    %scan3A_3 = arith.addi %scan3A_1, %scan3A_2 : i32
    %scan3A_4 = arith.constant 1 : i32
    %scan3A_5 = scf.for %scan3A_94 = %scan3A_1 to %scan3A_3 step %scan3A_4 iter_args(%scan3A_95 = %scan3A) -> (i32)  : i32 {
      %broadcast_in_dim3A = arith.constant 0.000000e+00 : f32
      %broadcast_in_dim3A_96 = vector.broadcast %broadcast_in_dim3A : f32 to vector<16xf32>
      %mul3A_97 = arith.constant 16 : i32
      %mul3A_98 = arith.muli %scan3A_94, %mul3A_97 : i32
      %swap3A = arith.index_cast %mul3A_98 : i32 to index
      %swap3A_99 = tpu.vector_load %arg15[%swap3A] {strides = array<i32>} : memref<2560xf32, #tpu.memory_space<vmem>>, vector<16xf32>,
      tpu.vector_store %arg15[%swap3A], %broadcast_in_dim3A_96 {strides = array<i32>} : memref<2560xf32, #tpu.memory_space<vmem>>, vector<16xf32>,
      %scan3A_100 = arith.constant 0 : i32
      scf.yield %scan3A_100 : i32
    }
    %scan3A_6 = arith.constant 160 : i32
    %scan3A_7 = arith.constant 0 : i32
    %scan3A_8 = arith.constant 0 : i32
    %scan3A_9 = arith.constant 32 : i32
    %scan3A_10 = arith.addi %scan3A_8, %scan3A_9 : i32
    %scan3A_11 = arith.constant 1 : i32
    %scan3A_12 = scf.for %scan3A_94 = %scan3A_8 to %scan3A_10 step %scan3A_11 iter_args(%scan3A_95 = %scan3A_7) -> (i32)  : i32 {
      %mul3A_96 = arith.constant 81920 : i32
      %mul3A_97 = arith.muli %arg1, %mul3A_96 : i32
      %mul3A_98 = arith.constant 2560 : i32
      %mul3A_99 = arith.muli %scan3A_94, %mul3A_98 : i32
      %add3A_100 = arith.addi %mul3A_97, %mul3A_99 : i32
      "tpu.region"() ({
        %run_scoped3A = tpu.sem_alloc : memref<!tpu.dma_semaphore, #tpu.memory_space<semaphore_mem>>
        %dma_start3A = tpu.memref_slice %arg16[%add3A_100] : memref<1310720xf32, #tpu.memory_space<vmem_shared>> -> memref<2560xf32, #tpu.memory_space<vmem_shared>>
        %dma_start3A_102 = tpu.memref_slice %arg16[%add3A_100] : memref<1310720xf32, #tpu.memory_space<vmem_shared>> -> memref<2560xf32, #tpu.memory_space<vmem_shared>>
        tpu.enqueue_dma source(%arg15 : memref<2560xf32, #tpu.memory_space<vmem>>) target(%dma_start3A_102 : memref<2560xf32, #tpu.memory_space<vmem_shared>>) target_semaphore(%run_scoped3A : memref<!tpu.dma_semaphore, #tpu.memory_space<semaphore_mem>>)
        %dma_wait3A = tpu.memref_slice %arg16[%add3A_100] : memref<1310720xf32, #tpu.memory_space<vmem_shared>> -> memref<2560xf32, #tpu.memory_space<vmem_shared>>
        %dma_wait3A_103 = tpu.memref_slice %arg16[%add3A_100] : memref<1310720xf32, #tpu.memory_space<vmem_shared>> -> memref<2560xf32, #tpu.memory_space<vmem_shared>>
        tpu.wait_dma2 semaphore(%run_scoped3A : memref<!tpu.dma_semaphore, #tpu.memory_space<semaphore_mem>>) src(%arg15 : memref<2560xf32, #tpu.memory_space<vmem>>) dst(%dma_wait3A_103 : memref<2560xf32, #tpu.memory_space<vmem_shared>>)
        tpu.yield
      }) : () -> ()
      %scan3A_101 = arith.constant 0 : i32
      scf.yield %scan3A_101 : i32
    }
    %scan3A_13 = arith.constant 32 : i32
    %barrier3A = arith.constant 0 : index
    tpu.barrier barrier_id(%barrier3A)
    %mul3A_14 = arith.constant 10368 : i32
    %mul3A_15 = arith.muli %add3A, %mul3A_14 : i32
    %add3A_16 = arith.constant 0 : i32
    %add3A_17 = arith.addi %mul3A_15, %add3A_16 : i32
    "tpu.region"() ({
      %run_scoped3A = tpu.sem_alloc : memref<!tpu.dma_semaphore, #tpu.memory_space<semaphore_mem>>
      %dma_start3A = tpu.memref_slice %arg2[%add3A_17] : memref<331776xi32, #tpu.memory_space<hbm>> -> memref<3456xi32, #tpu.memory_space<hbm>>
      %dma_start3A_94 = tpu.memref_slice %arg2[%add3A_17] : memref<331776xi32, #tpu.memory_space<hbm>> -> memref<3456xi32, #tpu.memory_space<hbm>>
      tpu.enqueue_dma source(%dma_start3A_94 : memref<3456xi32, #tpu.memory_space<hbm>>) target(%arg7 : memref<3456xi32, #tpu.memory_space<vmem>>) target_semaphore(%run_scoped3A : memref<!tpu.dma_semaphore, #tpu.memory_space<semaphore_mem>>)
      %dma_wait3A = tpu.memref_slice %arg2[%add3A_17] : memref<331776xi32, #tpu.memory_space<hbm>> -> memref<3456xi32, #tpu.memory_space<hbm>>
      %dma_wait3A_95 = tpu.memref_slice %arg2[%add3A_17] : memref<331776xi32, #tpu.memory_space<hbm>> -> memref<3456xi32, #tpu.memory_space<hbm>>
      tpu.wait_dma2 semaphore(%run_scoped3A : memref<!tpu.dma_semaphore, #tpu.memory_space<semaphore_mem>>) src(%dma_wait3A_95 : memref<3456xi32, #tpu.memory_space<hbm>>) dst(%arg7 : memref<3456xi32, #tpu.memory_space<vmem>>)
      tpu.yield
    }) : () -> ()
    "tpu.region"() ({
      %run_scoped3A = tpu.sem_alloc : memref<!tpu.dma_semaphore, #tpu.memory_space<semaphore_mem>>
      %dma_start3A = tpu.memref_slice %arg3[%add3A_17] : memref<331776xi32, #tpu.memory_space<hbm>> -> memref<3456xi32, #tpu.memory_space<hbm>>
      %dma_start3A_94 = tpu.memref_slice %arg3[%add3A_17] : memref<331776xi32, #tpu.memory_space<hbm>> -> memref<3456xi32, #tpu.memory_space<hbm>>
      tpu.enqueue_dma source(%dma_start3A_94 : memref<3456xi32, #tpu.memory_space<hbm>>) target(%arg8 : memref<3456xi32, #tpu.memory_space<vmem>>) target_semaphore(%run_scoped3A : memref<!tpu.dma_semaphore, #tpu.memory_space<semaphore_mem>>)
      %dma_wait3A = tpu.memref_slice %arg3[%add3A_17] : memref<331776xi32, #tpu.memory_space<hbm>> -> memref<3456xi32, #tpu.memory_space<hbm>>
      %dma_wait3A_95 = tpu.memref_slice %arg3[%add3A_17] : memref<331776xi32, #tpu.memory_space<hbm>> -> memref<3456xi32, #tpu.memory_space<hbm>>
      tpu.wait_dma2 semaphore(%run_scoped3A : memref<!tpu.dma_semaphore, #tpu.memory_space<semaphore_mem>>) src(%dma_wait3A_95 : memref<3456xi32, #tpu.memory_space<hbm>>) dst(%arg8 : memref<3456xi32, #tpu.memory_space<vmem>>)
      tpu.yield
    }) : () -> ()
    %scan3A_18 = arith.constant 0 : i32
    %scan3A_19 = arith.constant 0 : i32
    %scan3A_20 = arith.constant 216 : i32
    %scan3A_21 = arith.addi %scan3A_19, %scan3A_20 : i32
    %scan3A_22 = arith.constant 1 : i32
    %scan3A_23 = scf.for %scan3A_94 = %scan3A_19 to %scan3A_21 step %scan3A_22 iter_args(%scan3A_95 = %scan3A_18) -> (i32)  : i32 {
      %jit3A = arith.constant 8 : i32
      %div3A = arith.divsi %scan3A_94, %jit3A : i32
      %sign3A = arith.constant 0 : i32
      %sign3A_96 = arith.cmpi sgt, %scan3A_94, %sign3A : i32
      %sign3A_97 = arith.extui %sign3A_96 : i1 to i32
      %sign3A_98 = arith.constant 0 : i32
      %sign3A_99 = arith.cmpi slt, %scan3A_94, %sign3A_98 : i32
      %sign3A_100 = arith.extui %sign3A_99 : i1 to i32
      %sign3A_101 = arith.subi %sign3A_97, %sign3A_100 : i32
      %sign3A_102 = arith.constant 0 : i32
      %sign3A_103 = arith.cmpi sgt, %jit3A, %sign3A_102 : i32
      %sign3A_104 = arith.extui %sign3A_103 : i1 to i32
      %sign3A_105 = arith.constant 0 : i32
      %sign3A_106 = arith.cmpi slt, %jit3A, %sign3A_105 : i32
      %sign3A_107 = arith.extui %sign3A_106 : i1 to i32
      %sign3A_108 = arith.subi %sign3A_104, %sign3A_107 : i32
      %ne3A = arith.cmpi ne, %sign3A_101, %sign3A_108 : i32
      %rem3A = arith.remsi %scan3A_94, %jit3A : i32
      %ne3A_109 = arith.constant 0 : i32
      %ne3A_110 = arith.cmpi ne, %rem3A, %ne3A_109 : i32
      %and3A = arith.andi %ne3A, %ne3A_110 : i1
      %sub3A = arith.constant 1 : i32
      %sub3A_111 = arith.subi %div3A, %sub3A : i32
      %select_n3A = arith.select %and3A, %sub3A_111, %div3A : i32
      %jit3A_112 = arith.constant 8 : i32
      %eq3A = arith.constant 0 : i32
      %eq3A_113 = arith.cmpi eq, %jit3A_112, %eq3A : i32
      %jit3A_114 = arith.constant 1 : i32
      %select_n3A_115 = arith.select %eq3A_113, %jit3A_114, %jit3A_112 : i32
      %rem3A_116 = arith.remsi %scan3A_94, %select_n3A_115 : i32
      %ne3A_117 = arith.constant 0 : i32
      %ne3A_118 = arith.cmpi ne, %rem3A_116, %ne3A_117 : i32
      %lt3A = arith.constant 0 : i32
      %lt3A_119 = arith.cmpi slt, %rem3A_116, %lt3A : i32
      %lt3A_120 = arith.constant 0 : i32
      %lt3A_121 = arith.cmpi slt, %select_n3A_115, %lt3A_120 : i32
      %ne3A_122 = arith.xori %lt3A_119, %lt3A_121 : i1
      %and3A_123 = arith.andi %ne3A_122, %ne3A_118 : i1
      %add3A_124 = arith.addi %rem3A_116, %select_n3A_115 : i32
      %select_n3A_125 = arith.select %and3A_123, %add3A_124, %rem3A_116 : i32
      %mul3A_126 = arith.constant 16 : i32
      %mul3A_127 = arith.muli %select_n3A_125, %mul3A_126 : i32
      %mul3A_128 = arith.constant 16 : i32
      %mul3A_129 = arith.muli %scan3A_94, %mul3A_128 : i32
      %get3A = arith.index_cast %mul3A_129 : i32 to index
      %get3A_130 = tpu.vector_load %arg7[%get3A] {strides = array<i32>} : memref<3456xi32, #tpu.memory_space<vmem>>, vector<16xi32>,
      %mul3A_131 = arith.constant 16 : i32
      %mul3A_132 = arith.muli %scan3A_94, %mul3A_131 : i32
      %get3A_133 = arith.index_cast %mul3A_132 : i32 to index
      %get3A_134 = tpu.vector_load %arg8[%get3A_133] {strides = array<i32>} : memref<3456xi32, #tpu.memory_space<vmem>>, vector<16xi32>,
      %gather3A = tpu.vector_load_idx %arg9[%get3A_130] : memref<10240xf32, #tpu.memory_space<vmem>>[vector<16xi32>], vector<16xf32>,
      %gather3A_135 = tpu.vector_load_idx %arg10[%get3A_130] : memref<10240xi32, #tpu.memory_space<vmem>>[vector<16xi32>], vector<16xi32>,
      %swap3A = arith.index_cast %select_n3A : i32 to index
      %swap3A_136 = arith.index_cast %mul3A_127 : i32 to index
      %swap3A_137 = tpu.vector_load %arg11[%swap3A, %swap3A_136] {strides = array<i32>} : memref<27x128xf32, #tpu.memory_space<vmem>>, vector<16xf32>,
      tpu.vector_store %arg11[%swap3A, %swap3A_136], %gather3A {strides = array<i32>} : memref<27x128xf32, #tpu.memory_space<vmem>>, vector<16xf32>,
      %mul3A_138 = arith.constant 128 : i32
      %mul3A_139 = vector.broadcast %mul3A_138 : i32 to vector<16xi32>
      %mul3A_140 = arith.muli %get3A_134, %mul3A_139 : vector<16xi32>
      %add3A_141 = arith.addi %mul3A_140, %gather3A_135 : vector<16xi32>
      %swap3A_142 = arith.index_cast %select_n3A : i32 to index
      %swap3A_143 = arith.index_cast %mul3A_127 : i32 to index
      %swap3A_144 = tpu.vector_load %arg12[%swap3A_142, %swap3A_143] {strides = array<i32>} : memref<27x128xi32, #tpu.memory_space<vmem>>, vector<16xi32>,
      tpu.vector_store %arg12[%swap3A_142, %swap3A_143], %add3A_141 {strides = array<i32>} : memref<27x128xi32, #tpu.memory_space<vmem>>, vector<16xi32>,
      %scan3A_145 = arith.constant 0 : i32
      scf.yield %scan3A_145 : i32
    }
    %scan3A_24 = arith.constant 216 : i32
    %scan3A_25 = arith.constant 0 : i32
    %scan3A_26 = arith.constant 0 : i32
    %scan3A_27 = arith.constant 27 : i32
    %scan3A_28 = arith.addi %scan3A_26, %scan3A_27 : i32
    %scan3A_29 = arith.constant 1 : i32
    %scan3A_30 = scf.for %scan3A_94 = %scan3A_26 to %scan3A_28 step %scan3A_29 iter_args(%scan3A_95 = %scan3A_25) -> (i32)  : i32 {
      %dma_start3A = arith.constant 0 : i32
      %dma_start3A_96 = tpu.memref_slice %arg11[%scan3A_94, %dma_start3A] : memref<27x128xf32, #tpu.memory_space<vmem>> -> memref<1x128xf32, #tpu.memory_space<vmem>>
      %dma_start3A_97 = tpu.memref_squeeze %dma_start3A_96 : memref<1x128xf32, #tpu.memory_space<vmem>> -> memref<128xf32, #tpu.memory_space<vmem>>
      %dma_start3A_98 = arith.constant 0 : i32
      %dma_start3A_99 = tpu.memref_slice %arg12[%scan3A_94, %dma_start3A_98] : memref<27x128xi32, #tpu.memory_space<vmem>> -> memref<1x128xi32, #tpu.memory_space<vmem>>
      %dma_start3A_100 = tpu.memref_squeeze %dma_start3A_99 : memref<1x128xi32, #tpu.memory_space<vmem>> -> memref<128xi32, #tpu.memory_space<vmem>>
      %dma_start3A_101 = arith.constant 0 : i32
      %dma_start3A_102 = tpu.memref_slice %arg16[%dma_start3A_101] : memref<1310720xf32, #tpu.memory_space<vmem_shared>> -> memref<1310720xf32, #tpu.memory_space<vmem_shared>>
      tpu.enqueue_indirect_dma source(%dma_start3A_97 : memref<128xf32, #tpu.memory_space<vmem>>) target(%dma_start3A_102 : memref<1310720xf32, #tpu.memory_space<vmem_shared>>) offsets(%dma_start3A_100 : memref<128xi32, #tpu.memory_space<vmem>>) semaphore(%arg17 : memref<!tpu.dma_semaphore, #tpu.memory_space<semaphore_mem>>) {add = true}
      %scan3A_103 = arith.constant 0 : i32
      scf.yield %scan3A_103 : i32
    }
    %scan3A_31 = arith.constant 27 : i32
    %mul3A_32 = arith.constant 10368 : i32
    %mul3A_33 = arith.muli %add3A, %mul3A_32 : i32
    %add3A_34 = arith.constant 3456 : i32
    %add3A_35 = arith.addi %mul3A_33, %add3A_34 : i32
    "tpu.region"() ({
      %run_scoped3A = tpu.sem_alloc : memref<!tpu.dma_semaphore, #tpu.memory_space<semaphore_mem>>
      %dma_start3A = tpu.memref_slice %arg2[%add3A_35] : memref<331776xi32, #tpu.memory_space<hbm>> -> memref<3456xi32, #tpu.memory_space<hbm>>
      %dma_start3A_94 = tpu.memref_slice %arg2[%add3A_35] : memref<331776xi32, #tpu.memory_space<hbm>> -> memref<3456xi32, #tpu.memory_space<hbm>>
      tpu.enqueue_dma source(%dma_start3A_94 : memref<3456xi32, #tpu.memory_space<hbm>>) target(%arg7 : memref<3456xi32, #tpu.memory_space<vmem>>) target_semaphore(%run_scoped3A : memref<!tpu.dma_semaphore, #tpu.memory_space<semaphore_mem>>)
      %dma_wait3A = tpu.memref_slice %arg2[%add3A_35] : memref<331776xi32, #tpu.memory_space<hbm>> -> memref<3456xi32, #tpu.memory_space<hbm>>
      %dma_wait3A_95 = tpu.memref_slice %arg2[%add3A_35] : memref<331776xi32, #tpu.memory_space<hbm>> -> memref<3456xi32, #tpu.memory_space<hbm>>
      tpu.wait_dma2 semaphore(%run_scoped3A : memref<!tpu.dma_semaphore, #tpu.memory_space<semaphore_mem>>) src(%dma_wait3A_95 : memref<3456xi32, #tpu.memory_space<hbm>>) dst(%arg7 : memref<3456xi32, #tpu.memory_space<vmem>>)
      tpu.yield
    }) : () -> ()
    "tpu.region"() ({
      %run_scoped3A = tpu.sem_alloc : memref<!tpu.dma_semaphore, #tpu.memory_space<semaphore_mem>>
      %dma_start3A = tpu.memref_slice %arg3[%add3A_35] : memref<331776xi32, #tpu.memory_space<hbm>> -> memref<3456xi32, #tpu.memory_space<hbm>>
      %dma_start3A_94 = tpu.memref_slice %arg3[%add3A_35] : memref<331776xi32, #tpu.memory_space<hbm>> -> memref<3456xi32, #tpu.memory_space<hbm>>
      tpu.enqueue_dma source(%dma_start3A_94 : memref<3456xi32, #tpu.memory_space<hbm>>) target(%arg8 : memref<3456xi32, #tpu.memory_space<vmem>>) target_semaphore(%run_scoped3A : memref<!tpu.dma_semaphore, #tpu.memory_space<semaphore_mem>>)
      %dma_wait3A = tpu.memref_slice %arg3[%add3A_35] : memref<331776xi32, #tpu.memory_space<hbm>> -> memref<3456xi32, #tpu.memory_space<hbm>>
      %dma_wait3A_95 = tpu.memref_slice %arg3[%add3A_35] : memref<331776xi32, #tpu.memory_space<hbm>> -> memref<3456xi32, #tpu.memory_space<hbm>>
      tpu.wait_dma2 semaphore(%run_scoped3A : memref<!tpu.dma_semaphore, #tpu.memory_space<semaphore_mem>>) src(%dma_wait3A_95 : memref<3456xi32, #tpu.memory_space<hbm>>) dst(%arg8 : memref<3456xi32, #tpu.memory_space<vmem>>)
      tpu.yield
    }) : () -> ()
    %scan3A_36 = arith.constant 0 : i32
    %scan3A_37 = arith.constant 0 : i32
    %scan3A_38 = arith.constant 216 : i32
    %scan3A_39 = arith.addi %scan3A_37, %scan3A_38 : i32
    %scan3A_40 = arith.constant 1 : i32
    %scan3A_41 = scf.for %scan3A_94 = %scan3A_37 to %scan3A_39 step %scan3A_40 iter_args(%scan3A_95 = %scan3A_36) -> (i32)  : i32 {
      %jit3A = arith.constant 8 : i32
      %div3A = arith.divsi %scan3A_94, %jit3A : i32
      %sign3A = arith.constant 0 : i32
      %sign3A_96 = arith.cmpi sgt, %scan3A_94, %sign3A : i32
      %sign3A_97 = arith.extui %sign3A_96 : i1 to i32
      %sign3A_98 = arith.constant 0 : i32
      %sign3A_99 = arith.cmpi slt, %scan3A_94, %sign3A_98 : i32
      %sign3A_100 = arith.extui %sign3A_99 : i1 to i32
      %sign3A_101 = arith.subi %sign3A_97, %sign3A_100 : i32
      %sign3A_102 = arith.constant 0 : i32
      %sign3A_103 = arith.cmpi sgt, %jit3A, %sign3A_102 : i32
      %sign3A_104 = arith.extui %sign3A_103 : i1 to i32
      %sign3A_105 = arith.constant 0 : i32
      %sign3A_106 = arith.cmpi slt, %jit3A, %sign3A_105 : i32
      %sign3A_107 = arith.extui %sign3A_106 : i1 to i32
      %sign3A_108 = arith.subi %sign3A_104, %sign3A_107 : i32
      %ne3A = arith.cmpi ne, %sign3A_101, %sign3A_108 : i32
      %rem3A = arith.remsi %scan3A_94, %jit3A : i32
      %ne3A_109 = arith.constant 0 : i32
      %ne3A_110 = arith.cmpi ne, %rem3A, %ne3A_109 : i32
      %and3A = arith.andi %ne3A, %ne3A_110 : i1
      %sub3A = arith.constant 1 : i32
      %sub3A_111 = arith.subi %div3A, %sub3A : i32
      %select_n3A = arith.select %and3A, %sub3A_111, %div3A : i32
      %jit3A_112 = arith.constant 8 : i32
      %eq3A = arith.constant 0 : i32
      %eq3A_113 = arith.cmpi eq, %jit3A_112, %eq3A : i32
      %jit3A_114 = arith.constant 1 : i32
      %select_n3A_115 = arith.select %eq3A_113, %jit3A_114, %jit3A_112 : i32
      %rem3A_116 = arith.remsi %scan3A_94, %select_n3A_115 : i32
      %ne3A_117 = arith.constant 0 : i32
      %ne3A_118 = arith.cmpi ne, %rem3A_116, %ne3A_117 : i32
      %lt3A = arith.constant 0 : i32
      %lt3A_119 = arith.cmpi slt, %rem3A_116, %lt3A : i32
      %lt3A_120 = arith.constant 0 : i32
      %lt3A_121 = arith.cmpi slt, %select_n3A_115, %lt3A_120 : i32
      %ne3A_122 = arith.xori %lt3A_119, %lt3A_121 : i1
      %and3A_123 = arith.andi %ne3A_122, %ne3A_118 : i1
      %add3A_124 = arith.addi %rem3A_116, %select_n3A_115 : i32
      %select_n3A_125 = arith.select %and3A_123, %add3A_124, %rem3A_116 : i32
      %mul3A_126 = arith.constant 16 : i32
      %mul3A_127 = arith.muli %select_n3A_125, %mul3A_126 : i32
      %mul3A_128 = arith.constant 16 : i32
      %mul3A_129 = arith.muli %scan3A_94, %mul3A_128 : i32
      %get3A = arith.index_cast %mul3A_129 : i32 to index
      %get3A_130 = tpu.vector_load %arg7[%get3A] {strides = array<i32>} : memref<3456xi32, #tpu.memory_space<vmem>>, vector<16xi32>,
      %mul3A_131 = arith.constant 16 : i32
      %mul3A_132 = arith.muli %scan3A_94, %mul3A_131 : i32
      %get3A_133 = arith.index_cast %mul3A_132 : i32 to index
      %get3A_134 = tpu.vector_load %arg8[%get3A_133] {strides = array<i32>} : memref<3456xi32, #tpu.memory_space<vmem>>, vector<16xi32>,
      %gather3A = tpu.vector_load_idx %arg9[%get3A_130] : memref<10240xf32, #tpu.memory_space<vmem>>[vector<16xi32>], vector<16xf32>,
      %gather3A_135 = tpu.vector_load_idx %arg10[%get3A_130] : memref<10240xi32, #tpu.memory_space<vmem>>[vector<16xi32>], vector<16xi32>,
      %swap3A = arith.index_cast %select_n3A : i32 to index
      %swap3A_136 = arith.index_cast %mul3A_127 : i32 to index
      %swap3A_137 = tpu.vector_load %arg13[%swap3A, %swap3A_136] {strides = array<i32>} : memref<27x128xf32, #tpu.memory_space<vmem>>, vector<16xf32>,
      tpu.vector_store %arg13[%swap3A, %swap3A_136], %gather3A {strides = array<i32>} : memref<27x128xf32, #tpu.memory_space<vmem>>, vector<16xf32>,
      %mul3A_138 = arith.constant 128 : i32
      %mul3A_139 = vector.broadcast %mul3A_138 : i32 to vector<16xi32>
      %mul3A_140 = arith.muli %get3A_134, %mul3A_139 : vector<16xi32>
      %add3A_141 = arith.addi %mul3A_140, %gather3A_135 : vector<16xi32>
      %swap3A_142 = arith.index_cast %select_n3A : i32 to index
      %swap3A_143 = arith.index_cast %mul3A_127 : i32 to index
      %swap3A_144 = tpu.vector_load %arg14[%swap3A_142, %swap3A_143] {strides = array<i32>} : memref<27x128xi32, #tpu.memory_space<vmem>>, vector<16xi32>,
      tpu.vector_store %arg14[%swap3A_142, %swap3A_143], %add3A_141 {strides = array<i32>} : memref<27x128xi32, #tpu.memory_space<vmem>>, vector<16xi32>,
      %scan3A_145 = arith.constant 0 : i32
      scf.yield %scan3A_145 : i32
    }
    %scan3A_42 = arith.constant 216 : i32
    %scan3A_43 = arith.constant 0 : i32
    %scan3A_44 = arith.constant 0 : i32
    %scan3A_45 = arith.constant 27 : i32
    %scan3A_46 = arith.addi %scan3A_44, %scan3A_45 : i32
    %scan3A_47 = arith.constant 1 : i32
    %scan3A_48 = scf.for %scan3A_94 = %scan3A_44 to %scan3A_46 step %scan3A_47 iter_args(%scan3A_95 = %scan3A_43) -> (i32)  : i32 {
      %dma_start3A = arith.constant 0 : i32
      %dma_start3A_96 = tpu.memref_slice %arg13[%scan3A_94, %dma_start3A] : memref<27x128xf32, #tpu.memory_space<vmem>> -> memref<1x128xf32, #tpu.memory_space<vmem>>
      %dma_start3A_97 = tpu.memref_squeeze %dma_start3A_96 : memref<1x128xf32, #tpu.memory_space<vmem>> -> memref<128xf32, #tpu.memory_space<vmem>>
      %dma_start3A_98 = arith.constant 0 : i32
      %dma_start3A_99 = tpu.memref_slice %arg14[%scan3A_94, %dma_start3A_98] : memref<27x128xi32, #tpu.memory_space<vmem>> -> memref<1x128xi32, #tpu.memory_space<vmem>>
      %dma_start3A_100 = tpu.memref_squeeze %dma_start3A_99 : memref<1x128xi32, #tpu.memory_space<vmem>> -> memref<128xi32, #tpu.memory_space<vmem>>
      %dma_start3A_101 = arith.constant 0 : i32
      %dma_start3A_102 = tpu.memref_slice %arg16[%dma_start3A_101] : memref<1310720xf32, #tpu.memory_space<vmem_shared>> -> memref<1310720xf32, #tpu.memory_space<vmem_shared>>
      tpu.enqueue_indirect_dma source(%dma_start3A_97 : memref<128xf32, #tpu.memory_space<vmem>>) target(%dma_start3A_102 : memref<1310720xf32, #tpu.memory_space<vmem_shared>>) offsets(%dma_start3A_100 : memref<128xi32, #tpu.memory_space<vmem>>) semaphore(%arg18 : memref<!tpu.dma_semaphore, #tpu.memory_space<semaphore_mem>>) {add = true}
      %scan3A_103 = arith.constant 0 : i32
      scf.yield %scan3A_103 : i32
    }
    %scan3A_49 = arith.constant 27 : i32
    %scan3A_50 = arith.constant 0 : i32
    %scan3A_51 = arith.constant 0 : i32
    %scan3A_52 = arith.constant 27 : i32
    %scan3A_53 = arith.addi %scan3A_51, %scan3A_52 : i32
    %scan3A_54 = arith.constant 1 : i32
    %scan3A_55 = scf.for %scan3A_94 = %scan3A_51 to %scan3A_53 step %scan3A_54 iter_args(%scan3A_95 = %scan3A_50) -> (i32)  : i32 {
      %dma_wait3A = arith.constant 0 : i32
      %dma_wait3A_96 = arith.constant 0 : i32
      %dma_wait3A_97 = arith.constant 0 : i32
      %dma_wait3A_98 = tpu.memref_slice %arg11[%dma_wait3A, %dma_wait3A_97] : memref<27x128xf32, #tpu.memory_space<vmem>> -> memref<1x128xf32, #tpu.memory_space<vmem>>
      %dma_wait3A_99 = tpu.memref_squeeze %dma_wait3A_98 : memref<1x128xf32, #tpu.memory_space<vmem>> -> memref<128xf32, #tpu.memory_space<vmem>>
      %dma_wait3A_100 = arith.constant 0 : i32
      %dma_wait3A_101 = tpu.memref_slice %arg12[%dma_wait3A_96, %dma_wait3A_100] : memref<27x128xi32, #tpu.memory_space<vmem>> -> memref<1x128xi32, #tpu.memory_space<vmem>>
      %dma_wait3A_102 = tpu.memref_squeeze %dma_wait3A_101 : memref<1x128xi32, #tpu.memory_space<vmem>> -> memref<128xi32, #tpu.memory_space<vmem>>
      %dma_wait3A_103 = arith.constant 0 : i32
      %dma_wait3A_104 = tpu.memref_slice %arg16[%dma_wait3A_103] : memref<1310720xf32, #tpu.memory_space<vmem_shared>> -> memref<1310720xf32, #tpu.memory_space<vmem_shared>>
      tpu.wait_indirect_dma semaphore(%arg17 : memref<!tpu.dma_semaphore, #tpu.memory_space<semaphore_mem>>) src(%dma_wait3A_99 : memref<128xf32, #tpu.memory_space<vmem>>) dst(%dma_wait3A_104 : memref<1310720xf32, #tpu.memory_space<vmem_shared>>)
      %scan3A_105 = arith.constant 0 : i32
      scf.yield %scan3A_105 : i32
    }
    %scan3A_56 = arith.constant 27 : i32
    %mul3A_57 = arith.constant 10368 : i32
    %mul3A_58 = arith.muli %add3A, %mul3A_57 : i32
    %add3A_59 = arith.constant 6912 : i32
    %add3A_60 = arith.addi %mul3A_58, %add3A_59 : i32
    "tpu.region"() ({
      %run_scoped3A = tpu.sem_alloc : memref<!tpu.dma_semaphore, #tpu.memory_space<semaphore_mem>>
      %dma_start3A = tpu.memref_slice %arg2[%add3A_60] : memref<331776xi32, #tpu.memory_space<hbm>> -> memref<3456xi32, #tpu.memory_space<hbm>>
      %dma_start3A_94 = tpu.memref_slice %arg2[%add3A_60] : memref<331776xi32, #tpu.memory_space<hbm>> -> memref<3456xi32, #tpu.memory_space<hbm>>
      tpu.enqueue_dma source(%dma_start3A_94 : memref<3456xi32, #tpu.memory_space<hbm>>) target(%arg7 : memref<3456xi32, #tpu.memory_space<vmem>>) target_semaphore(%run_scoped3A : memref<!tpu.dma_semaphore, #tpu.memory_space<semaphore_mem>>)
      %dma_wait3A = tpu.memref_slice %arg2[%add3A_60] : memref<331776xi32, #tpu.memory_space<hbm>> -> memref<3456xi32, #tpu.memory_space<hbm>>
      %dma_wait3A_95 = tpu.memref_slice %arg2[%add3A_60] : memref<331776xi32, #tpu.memory_space<hbm>> -> memref<3456xi32, #tpu.memory_space<hbm>>
      tpu.wait_dma2 semaphore(%run_scoped3A : memref<!tpu.dma_semaphore, #tpu.memory_space<semaphore_mem>>) src(%dma_wait3A_95 : memref<3456xi32, #tpu.memory_space<hbm>>) dst(%arg7 : memref<3456xi32, #tpu.memory_space<vmem>>)
      tpu.yield
    }) : () -> ()
    "tpu.region"() ({
      %run_scoped3A = tpu.sem_alloc : memref<!tpu.dma_semaphore, #tpu.memory_space<semaphore_mem>>
      %dma_start3A = tpu.memref_slice %arg3[%add3A_60] : memref<331776xi32, #tpu.memory_space<hbm>> -> memref<3456xi32, #tpu.memory_space<hbm>>
      %dma_start3A_94 = tpu.memref_slice %arg3[%add3A_60] : memref<331776xi32, #tpu.memory_space<hbm>> -> memref<3456xi32, #tpu.memory_space<hbm>>
      tpu.enqueue_dma source(%dma_start3A_94 : memref<3456xi32, #tpu.memory_space<hbm>>) target(%arg8 : memref<3456xi32, #tpu.memory_space<vmem>>) target_semaphore(%run_scoped3A : memref<!tpu.dma_semaphore, #tpu.memory_space<semaphore_mem>>)
      %dma_wait3A = tpu.memref_slice %arg3[%add3A_60] : memref<331776xi32, #tpu.memory_space<hbm>> -> memref<3456xi32, #tpu.memory_space<hbm>>
      %dma_wait3A_95 = tpu.memref_slice %arg3[%add3A_60] : memref<331776xi32, #tpu.memory_space<hbm>> -> memref<3456xi32, #tpu.memory_space<hbm>>
      tpu.wait_dma2 semaphore(%run_scoped3A : memref<!tpu.dma_semaphore, #tpu.memory_space<semaphore_mem>>) src(%dma_wait3A_95 : memref<3456xi32, #tpu.memory_space<hbm>>) dst(%arg8 : memref<3456xi32, #tpu.memory_space<vmem>>)
      tpu.yield
    }) : () -> ()
    %scan3A_61 = arith.constant 0 : i32
    %scan3A_62 = arith.constant 0 : i32
    %scan3A_63 = arith.constant 216 : i32
    %scan3A_64 = arith.addi %scan3A_62, %scan3A_63 : i32
    %scan3A_65 = arith.constant 1 : i32
    %scan3A_66 = scf.for %scan3A_94 = %scan3A_62 to %scan3A_64 step %scan3A_65 iter_args(%scan3A_95 = %scan3A_61) -> (i32)  : i32 {
      %jit3A = arith.constant 8 : i32
      %div3A = arith.divsi %scan3A_94, %jit3A : i32
      %sign3A = arith.constant 0 : i32
      %sign3A_96 = arith.cmpi sgt, %scan3A_94, %sign3A : i32
      %sign3A_97 = arith.extui %sign3A_96 : i1 to i32
      %sign3A_98 = arith.constant 0 : i32
      %sign3A_99 = arith.cmpi slt, %scan3A_94, %sign3A_98 : i32
      %sign3A_100 = arith.extui %sign3A_99 : i1 to i32
      %sign3A_101 = arith.subi %sign3A_97, %sign3A_100 : i32
      %sign3A_102 = arith.constant 0 : i32
      %sign3A_103 = arith.cmpi sgt, %jit3A, %sign3A_102 : i32
      %sign3A_104 = arith.extui %sign3A_103 : i1 to i32
      %sign3A_105 = arith.constant 0 : i32
      %sign3A_106 = arith.cmpi slt, %jit3A, %sign3A_105 : i32
      %sign3A_107 = arith.extui %sign3A_106 : i1 to i32
      %sign3A_108 = arith.subi %sign3A_104, %sign3A_107 : i32
      %ne3A = arith.cmpi ne, %sign3A_101, %sign3A_108 : i32
      %rem3A = arith.remsi %scan3A_94, %jit3A : i32
      %ne3A_109 = arith.constant 0 : i32
      %ne3A_110 = arith.cmpi ne, %rem3A, %ne3A_109 : i32
      %and3A = arith.andi %ne3A, %ne3A_110 : i1
      %sub3A = arith.constant 1 : i32
      %sub3A_111 = arith.subi %div3A, %sub3A : i32
      %select_n3A = arith.select %and3A, %sub3A_111, %div3A : i32
      %jit3A_112 = arith.constant 8 : i32
      %eq3A = arith.constant 0 : i32
      %eq3A_113 = arith.cmpi eq, %jit3A_112, %eq3A : i32
      %jit3A_114 = arith.constant 1 : i32
      %select_n3A_115 = arith.select %eq3A_113, %jit3A_114, %jit3A_112 : i32
      %rem3A_116 = arith.remsi %scan3A_94, %select_n3A_115 : i32
      %ne3A_117 = arith.constant 0 : i32
      %ne3A_118 = arith.cmpi ne, %rem3A_116, %ne3A_117 : i32
      %lt3A = arith.constant 0 : i32
      %lt3A_119 = arith.cmpi slt, %rem3A_116, %lt3A : i32
      %lt3A_120 = arith.constant 0 : i32
      %lt3A_121 = arith.cmpi slt, %select_n3A_115, %lt3A_120 : i32
      %ne3A_122 = arith.xori %lt3A_119, %lt3A_121 : i1
      %and3A_123 = arith.andi %ne3A_122, %ne3A_118 : i1
      %add3A_124 = arith.addi %rem3A_116, %select_n3A_115 : i32
      %select_n3A_125 = arith.select %and3A_123, %add3A_124, %rem3A_116 : i32
      %mul3A_126 = arith.constant 16 : i32
      %mul3A_127 = arith.muli %select_n3A_125, %mul3A_126 : i32
      %mul3A_128 = arith.constant 16 : i32
      %mul3A_129 = arith.muli %scan3A_94, %mul3A_128 : i32
      %get3A = arith.index_cast %mul3A_129 : i32 to index
      %get3A_130 = tpu.vector_load %arg7[%get3A] {strides = array<i32>} : memref<3456xi32, #tpu.memory_space<vmem>>, vector<16xi32>,
      %mul3A_131 = arith.constant 16 : i32
      %mul3A_132 = arith.muli %scan3A_94, %mul3A_131 : i32
      %get3A_133 = arith.index_cast %mul3A_132 : i32 to index
      %get3A_134 = tpu.vector_load %arg8[%get3A_133] {strides = array<i32>} : memref<3456xi32, #tpu.memory_space<vmem>>, vector<16xi32>,
      %gather3A = tpu.vector_load_idx %arg9[%get3A_130] : memref<10240xf32, #tpu.memory_space<vmem>>[vector<16xi32>], vector<16xf32>,
      %gather3A_135 = tpu.vector_load_idx %arg10[%get3A_130] : memref<10240xi32, #tpu.memory_space<vmem>>[vector<16xi32>], vector<16xi32>,
      %swap3A = arith.index_cast %select_n3A : i32 to index
      %swap3A_136 = arith.index_cast %mul3A_127 : i32 to index
      %swap3A_137 = tpu.vector_load %arg11[%swap3A, %swap3A_136] {strides = array<i32>} : memref<27x128xf32, #tpu.memory_space<vmem>>, vector<16xf32>,
      tpu.vector_store %arg11[%swap3A, %swap3A_136], %gather3A {strides = array<i32>} : memref<27x128xf32, #tpu.memory_space<vmem>>, vector<16xf32>,
      %mul3A_138 = arith.constant 128 : i32
      %mul3A_139 = vector.broadcast %mul3A_138 : i32 to vector<16xi32>
      %mul3A_140 = arith.muli %get3A_134, %mul3A_139 : vector<16xi32>
      %add3A_141 = arith.addi %mul3A_140, %gather3A_135 : vector<16xi32>
      %swap3A_142 = arith.index_cast %select_n3A : i32 to index
      %swap3A_143 = arith.index_cast %mul3A_127 : i32 to index
      %swap3A_144 = tpu.vector_load %arg12[%swap3A_142, %swap3A_143] {strides = array<i32>} : memref<27x128xi32, #tpu.memory_space<vmem>>, vector<16xi32>,
      tpu.vector_store %arg12[%swap3A_142, %swap3A_143], %add3A_141 {strides = array<i32>} : memref<27x128xi32, #tpu.memory_space<vmem>>, vector<16xi32>,
      %scan3A_145 = arith.constant 0 : i32
      scf.yield %scan3A_145 : i32
    }
    %scan3A_67 = arith.constant 216 : i32
    %scan3A_68 = arith.constant 0 : i32
    %scan3A_69 = arith.constant 0 : i32
    %scan3A_70 = arith.constant 27 : i32
    %scan3A_71 = arith.addi %scan3A_69, %scan3A_70 : i32
    %scan3A_72 = arith.constant 1 : i32
    %scan3A_73 = scf.for %scan3A_94 = %scan3A_69 to %scan3A_71 step %scan3A_72 iter_args(%scan3A_95 = %scan3A_68) -> (i32)  : i32 {
      %dma_start3A = arith.constant 0 : i32
      %dma_start3A_96 = tpu.memref_slice %arg11[%scan3A_94, %dma_start3A] : memref<27x128xf32, #tpu.memory_space<vmem>> -> memref<1x128xf32, #tpu.memory_space<vmem>>
      %dma_start3A_97 = tpu.memref_squeeze %dma_start3A_96 : memref<1x128xf32, #tpu.memory_space<vmem>> -> memref<128xf32, #tpu.memory_space<vmem>>
      %dma_start3A_98 = arith.constant 0 : i32
      %dma_start3A_99 = tpu.memref_slice %arg12[%scan3A_94, %dma_start3A_98] : memref<27x128xi32, #tpu.memory_space<vmem>> -> memref<1x128xi32, #tpu.memory_space<vmem>>
      %dma_start3A_100 = tpu.memref_squeeze %dma_start3A_99 : memref<1x128xi32, #tpu.memory_space<vmem>> -> memref<128xi32, #tpu.memory_space<vmem>>
      %dma_start3A_101 = arith.constant 0 : i32
      %dma_start3A_102 = tpu.memref_slice %arg16[%dma_start3A_101] : memref<1310720xf32, #tpu.memory_space<vmem_shared>> -> memref<1310720xf32, #tpu.memory_space<vmem_shared>>
      tpu.enqueue_indirect_dma source(%dma_start3A_97 : memref<128xf32, #tpu.memory_space<vmem>>) target(%dma_start3A_102 : memref<1310720xf32, #tpu.memory_space<vmem_shared>>) offsets(%dma_start3A_100 : memref<128xi32, #tpu.memory_space<vmem>>) semaphore(%arg17 : memref<!tpu.dma_semaphore, #tpu.memory_space<semaphore_mem>>) {add = true}
      %scan3A_103 = arith.constant 0 : i32
      scf.yield %scan3A_103 : i32
    }
    %scan3A_74 = arith.constant 27 : i32
    %scan3A_75 = arith.constant 0 : i32
    %scan3A_76 = arith.constant 0 : i32
    %scan3A_77 = arith.constant 27 : i32
    %scan3A_78 = arith.addi %scan3A_76, %scan3A_77 : i32
    %scan3A_79 = arith.constant 1 : i32
    %scan3A_80 = scf.for %scan3A_94 = %scan3A_76 to %scan3A_78 step %scan3A_79 iter_args(%scan3A_95 = %scan3A_75) -> (i32)  : i32 {
      %dma_wait3A = arith.constant 0 : i32
      %dma_wait3A_96 = arith.constant 0 : i32
      %dma_wait3A_97 = arith.constant 0 : i32
      %dma_wait3A_98 = tpu.memref_slice %arg13[%dma_wait3A, %dma_wait3A_97] : memref<27x128xf32, #tpu.memory_space<vmem>> -> memref<1x128xf32, #tpu.memory_space<vmem>>
      %dma_wait3A_99 = tpu.memref_squeeze %dma_wait3A_98 : memref<1x128xf32, #tpu.memory_space<vmem>> -> memref<128xf32, #tpu.memory_space<vmem>>
      %dma_wait3A_100 = arith.constant 0 : i32
      %dma_wait3A_101 = tpu.memref_slice %arg14[%dma_wait3A_96, %dma_wait3A_100] : memref<27x128xi32, #tpu.memory_space<vmem>> -> memref<1x128xi32, #tpu.memory_space<vmem>>
      %dma_wait3A_102 = tpu.memref_squeeze %dma_wait3A_101 : memref<1x128xi32, #tpu.memory_space<vmem>> -> memref<128xi32, #tpu.memory_space<vmem>>
      %dma_wait3A_103 = arith.constant 0 : i32
      %dma_wait3A_104 = tpu.memref_slice %arg16[%dma_wait3A_103] : memref<1310720xf32, #tpu.memory_space<vmem_shared>> -> memref<1310720xf32, #tpu.memory_space<vmem_shared>>
      tpu.wait_indirect_dma semaphore(%arg18 : memref<!tpu.dma_semaphore, #tpu.memory_space<semaphore_mem>>) src(%dma_wait3A_99 : memref<128xf32, #tpu.memory_space<vmem>>) dst(%dma_wait3A_104 : memref<1310720xf32, #tpu.memory_space<vmem_shared>>)
      %scan3A_105 = arith.constant 0 : i32
      scf.yield %scan3A_105 : i32
    }
    %scan3A_81 = arith.constant 27 : i32
    %scan3A_82 = arith.constant 0 : i32
    %scan3A_83 = arith.constant 0 : i32
    %scan3A_84 = arith.constant 27 : i32
    %scan3A_85 = arith.addi %scan3A_83, %scan3A_84 : i32
    %scan3A_86 = arith.constant 1 : i32
    %scan3A_87 = scf.for %scan3A_94 = %scan3A_83 to %scan3A_85 step %scan3A_86 iter_args(%scan3A_95 = %scan3A_82) -> (i32)  : i32 {
      %dma_wait3A = arith.constant 0 : i32
      %dma_wait3A_96 = arith.constant 0 : i32
      %dma_wait3A_97 = arith.constant 0 : i32
      %dma_wait3A_98 = tpu.memref_slice %arg11[%dma_wait3A, %dma_wait3A_97] : memref<27x128xf32, #tpu.memory_space<vmem>> -> memref<1x128xf32, #tpu.memory_space<vmem>>
      %dma_wait3A_99 = tpu.memref_squeeze %dma_wait3A_98 : memref<1x128xf32, #tpu.memory_space<vmem>> -> memref<128xf32, #tpu.memory_space<vmem>>
      %dma_wait3A_100 = arith.constant 0 : i32
      %dma_wait3A_101 = tpu.memref_slice %arg12[%dma_wait3A_96, %dma_wait3A_100] : memref<27x128xi32, #tpu.memory_space<vmem>> -> memref<1x128xi32, #tpu.memory_space<vmem>>
      %dma_wait3A_102 = tpu.memref_squeeze %dma_wait3A_101 : memref<1x128xi32, #tpu.memory_space<vmem>> -> memref<128xi32, #tpu.memory_space<vmem>>
      %dma_wait3A_103 = arith.constant 0 : i32
      %dma_wait3A_104 = tpu.memref_slice %arg16[%dma_wait3A_103] : memref<1310720xf32, #tpu.memory_space<vmem_shared>> -> memref<1310720xf32, #tpu.memory_space<vmem_shared>>
      tpu.wait_indirect_dma semaphore(%arg17 : memref<!tpu.dma_semaphore, #tpu.memory_space<semaphore_mem>>) src(%dma_wait3A_99 : memref<128xf32, #tpu.memory_space<vmem>>) dst(%dma_wait3A_104 : memref<1310720xf32, #tpu.memory_space<vmem_shared>>)
      %scan3A_105 = arith.constant 0 : i32
      scf.yield %scan3A_105 : i32
    }
    %scan3A_88 = arith.constant 27 : i32
    %barrier3A_89 = arith.constant 0 : index
    tpu.barrier barrier_id(%barrier3A_89)
    %mul3A_90 = arith.constant 81920 : i32
    %mul3A_91 = arith.muli %arg1, %mul3A_90 : i32
    %mul3A_92 = arith.constant 81920 : i32
    %mul3A_93 = arith.muli %arg1, %mul3A_92 : i32
    "tpu.region"() ({
      %run_scoped3A = tpu.sem_alloc : memref<!tpu.dma_semaphore, #tpu.memory_space<semaphore_mem>>
      %dma_start3A = tpu.memref_slice %arg6[%arg0, %mul3A_93] : memref<2x1310720xf32, #tpu.memory_space<hbm>> -> memref<1x81920xf32, #tpu.memory_space<hbm>>
      %dma_start3A_94 = tpu.memref_squeeze %dma_start3A : memref<1x81920xf32, #tpu.memory_space<hbm>> -> memref<81920xf32, #tpu.memory_space<hbm>>
      %dma_start3A_95 = tpu.memref_slice %arg16[%mul3A_91] : memref<1310720xf32, #tpu.memory_space<vmem_shared>> -> memref<81920xf32, #tpu.memory_space<vmem_shared>>
      tpu.enqueue_dma source(%dma_start3A_95 : memref<81920xf32, #tpu.memory_space<vmem_shared>>) target(%dma_start3A_94 : memref<81920xf32, #tpu.memory_space<hbm>>) target_semaphore(%run_scoped3A : memref<!tpu.dma_semaphore, #tpu.memory_space<semaphore_mem>>)
      %dma_wait3A = tpu.memref_slice %arg6[%arg0, %mul3A_93] : memref<2x1310720xf32, #tpu.memory_space<hbm>> -> memref<1x81920xf32, #tpu.memory_space<hbm>>
      %dma_wait3A_96 = tpu.memref_squeeze %dma_wait3A : memref<1x81920xf32, #tpu.memory_space<hbm>> -> memref<81920xf32, #tpu.memory_space<hbm>>
      %dma_wait3A_97 = tpu.memref_slice %arg16[%mul3A_91] : memref<1310720xf32, #tpu.memory_space<vmem_shared>> -> memref<81920xf32, #tpu.memory_space<vmem_shared>>
      tpu.wait_dma2 semaphore(%run_scoped3A : memref<!tpu.dma_semaphore, #tpu.memory_space<semaphore_mem>>) src(%dma_wait3A_97 : memref<81920xf32, #tpu.memory_space<vmem_shared>>) dst(%dma_wait3A_96 : memref<81920xf32, #tpu.memory_space<hbm>>)
      tpu.yield
    }) : () -> ()
    return
  }
}

#map = affine_map<(d0, d1) -> (0, 0, 0)>
#map1 = affine_map<(d0, d1) -> (0, 0)>
module attributes {stable_mosaic.version = 14 : i64} {
  func.func @_segsum_kernel(%arg0: i32, %arg1: i32, %arg2: memref<32x81x128xi32, #tpu.memory_space<hbm>>, %arg3: memref<32x81x128xi32, #tpu.memory_space<hbm>>, %arg4: memref<10240x128xf32, #tpu.memory_space<hbm>>, %arg5: memref<2x10240x128xf32, #tpu.memory_space<hbm>>, %arg6: memref<81x128xi32, #tpu.memory_space<vmem>>, %arg7: memref<32x128xi32, #tpu.memory_space<vmem>>, %arg8: memref<128x128xf32, #tpu.memory_space<vmem>>, %arg9: memref<128x128xf32, #tpu.memory_space<vmem>>, %arg10: memref<10240x128xf32, #tpu.memory_space<vmem_shared>>, %arg11: memref<!tpu.dma_semaphore, #tpu.memory_space<semaphore_mem>>, %arg12: memref<!tpu.dma_semaphore, #tpu.memory_space<semaphore_mem>>) attributes {dimension_semantics = [#tpu.dimension_semantics<core_parallel>, #tpu.dimension_semantics<subcore_parallel>], iteration_bounds = array<i64: 2, 16>, scalar_prefetch = 0 : i64, scratch_operands = 7 : i64, tpu.core_type = #tpu.core_type<sc_vector_subcore>, window_params = [{transform_indices = #map}, {transform_indices = #map}, {transform_indices = #map1}, {transform_indices = #map}]} {
    %mul3A = arith.constant 2 : i32
    %mul3A_0 = arith.muli %arg1, %mul3A : i32
    %add3A = arith.addi %mul3A_0, %arg0 : i32
    "tpu.region"() ({
      %run_scoped3A_38 = tpu.sem_alloc : memref<!tpu.dma_semaphore, #tpu.memory_space<semaphore_mem>>
      %dma_start3A_39 = arith.constant 0 : i32
      %dma_start3A_40 = arith.constant 0 : i32
      %dma_start3A_41 = tpu.memref_slice %arg2[%add3A, %dma_start3A_39, %dma_start3A_40] : memref<32x81x128xi32, #tpu.memory_space<hbm>> -> memref<1x81x128xi32, #tpu.memory_space<hbm>>
      %dma_start3A_42 = tpu.memref_squeeze %dma_start3A_41 : memref<1x81x128xi32, #tpu.memory_space<hbm>> -> memref<81x128xi32, #tpu.memory_space<hbm>>
      %dma_start3A_43 = arith.constant 0 : i32
      %dma_start3A_44 = arith.constant 0 : i32
      %dma_start3A_45 = tpu.memref_slice %arg2[%add3A, %dma_start3A_43, %dma_start3A_44] : memref<32x81x128xi32, #tpu.memory_space<hbm>> -> memref<1x81x128xi32, #tpu.memory_space<hbm>>
      %dma_start3A_46 = tpu.memref_squeeze %dma_start3A_45 : memref<1x81x128xi32, #tpu.memory_space<hbm>> -> memref<81x128xi32, #tpu.memory_space<hbm>>
      tpu.enqueue_dma source(%dma_start3A_46 : memref<81x128xi32, #tpu.memory_space<hbm>>) target(%arg6 : memref<81x128xi32, #tpu.memory_space<vmem>>) target_semaphore(%run_scoped3A_38 : memref<!tpu.dma_semaphore, #tpu.memory_space<semaphore_mem>>)
      %dma_wait3A_47 = arith.constant 0 : i32
      %dma_wait3A_48 = arith.constant 0 : i32
      %dma_wait3A_49 = tpu.memref_slice %arg2[%add3A, %dma_wait3A_47, %dma_wait3A_48] : memref<32x81x128xi32, #tpu.memory_space<hbm>> -> memref<1x81x128xi32, #tpu.memory_space<hbm>>
      %dma_wait3A_50 = tpu.memref_squeeze %dma_wait3A_49 : memref<1x81x128xi32, #tpu.memory_space<hbm>> -> memref<81x128xi32, #tpu.memory_space<hbm>>
      %dma_wait3A_51 = arith.constant 0 : i32
      %dma_wait3A_52 = arith.constant 0 : i32
      %dma_wait3A_53 = tpu.memref_slice %arg2[%add3A, %dma_wait3A_51, %dma_wait3A_52] : memref<32x81x128xi32, #tpu.memory_space<hbm>> -> memref<1x81x128xi32, #tpu.memory_space<hbm>>
      %dma_wait3A_54 = tpu.memref_squeeze %dma_wait3A_53 : memref<1x81x128xi32, #tpu.memory_space<hbm>> -> memref<81x128xi32, #tpu.memory_space<hbm>>
      tpu.wait_dma2 semaphore(%run_scoped3A_38 : memref<!tpu.dma_semaphore, #tpu.memory_space<semaphore_mem>>) src(%dma_wait3A_54 : memref<81x128xi32, #tpu.memory_space<hbm>>) dst(%arg6 : memref<81x128xi32, #tpu.memory_space<vmem>>)
      tpu.yield
    }) : () -> ()
    "tpu.region"() ({
      %run_scoped3A_38 = tpu.sem_alloc : memref<!tpu.dma_semaphore, #tpu.memory_space<semaphore_mem>>
      %dma_start3A_39 = arith.constant 0 : i32
      %dma_start3A_40 = arith.constant 0 : i32
      %dma_start3A_41 = tpu.memref_slice %arg3[%add3A, %dma_start3A_39, %dma_start3A_40] : memref<32x81x128xi32, #tpu.memory_space<hbm>> -> memref<1x32x128xi32, #tpu.memory_space<hbm>>
      %dma_start3A_42 = tpu.memref_squeeze %dma_start3A_41 : memref<1x32x128xi32, #tpu.memory_space<hbm>> -> memref<32x128xi32, #tpu.memory_space<hbm>>
      %dma_start3A_43 = arith.constant 0 : i32
      %dma_start3A_44 = arith.constant 0 : i32
      %dma_start3A_45 = tpu.memref_slice %arg3[%add3A, %dma_start3A_43, %dma_start3A_44] : memref<32x81x128xi32, #tpu.memory_space<hbm>> -> memref<1x32x128xi32, #tpu.memory_space<hbm>>
      %dma_start3A_46 = tpu.memref_squeeze %dma_start3A_45 : memref<1x32x128xi32, #tpu.memory_space<hbm>> -> memref<32x128xi32, #tpu.memory_space<hbm>>
      tpu.enqueue_dma source(%dma_start3A_46 : memref<32x128xi32, #tpu.memory_space<hbm>>) target(%arg7 : memref<32x128xi32, #tpu.memory_space<vmem>>) target_semaphore(%run_scoped3A_38 : memref<!tpu.dma_semaphore, #tpu.memory_space<semaphore_mem>>)
      %dma_wait3A_47 = arith.constant 0 : i32
      %dma_wait3A_48 = arith.constant 0 : i32
      %dma_wait3A_49 = tpu.memref_slice %arg3[%add3A, %dma_wait3A_47, %dma_wait3A_48] : memref<32x81x128xi32, #tpu.memory_space<hbm>> -> memref<1x32x128xi32, #tpu.memory_space<hbm>>
      %dma_wait3A_50 = tpu.memref_squeeze %dma_wait3A_49 : memref<1x32x128xi32, #tpu.memory_space<hbm>> -> memref<32x128xi32, #tpu.memory_space<hbm>>
      %dma_wait3A_51 = arith.constant 0 : i32
      %dma_wait3A_52 = arith.constant 0 : i32
      %dma_wait3A_53 = tpu.memref_slice %arg3[%add3A, %dma_wait3A_51, %dma_wait3A_52] : memref<32x81x128xi32, #tpu.memory_space<hbm>> -> memref<1x32x128xi32, #tpu.memory_space<hbm>>
      %dma_wait3A_54 = tpu.memref_squeeze %dma_wait3A_53 : memref<1x32x128xi32, #tpu.memory_space<hbm>> -> memref<32x128xi32, #tpu.memory_space<hbm>>
      tpu.wait_dma2 semaphore(%run_scoped3A_38 : memref<!tpu.dma_semaphore, #tpu.memory_space<semaphore_mem>>) src(%dma_wait3A_54 : memref<32x128xi32, #tpu.memory_space<hbm>>) dst(%arg7 : memref<32x128xi32, #tpu.memory_space<vmem>>)
      tpu.yield
    }) : () -> ()
    %scan3A = arith.constant 0 : i32
    %scan3A_1 = arith.constant 0 : i32
    %scan3A_2 = arith.constant 1024 : i32
    %scan3A_3 = arith.addi %scan3A_1, %scan3A_2 : i32
    %scan3A_4 = arith.constant 1 : i32
    %scan3A_5 = scf.for %scan3A_38 = %scan3A_1 to %scan3A_3 step %scan3A_4 iter_args(%scan3A_39 = %scan3A) -> (i32)  : i32 {
      %broadcast_in_dim3A = arith.constant 0.000000e+00 : f32
      %broadcast_in_dim3A_40 = vector.broadcast %broadcast_in_dim3A : f32 to vector<16xf32>
      %jit3A = arith.constant 8 : i32
      %div3A = arith.divsi %scan3A_38, %jit3A : i32
      %sign3A = arith.constant 0 : i32
      %sign3A_41 = arith.cmpi sgt, %scan3A_38, %sign3A : i32
      %sign3A_42 = arith.extui %sign3A_41 : i1 to i32
      %sign3A_43 = arith.constant 0 : i32
      %sign3A_44 = arith.cmpi slt, %scan3A_38, %sign3A_43 : i32
      %sign3A_45 = arith.extui %sign3A_44 : i1 to i32
      %sign3A_46 = arith.subi %sign3A_42, %sign3A_45 : i32
      %sign3A_47 = arith.constant 0 : i32
      %sign3A_48 = arith.cmpi sgt, %jit3A, %sign3A_47 : i32
      %sign3A_49 = arith.extui %sign3A_48 : i1 to i32
      %sign3A_50 = arith.constant 0 : i32
      %sign3A_51 = arith.cmpi slt, %jit3A, %sign3A_50 : i32
      %sign3A_52 = arith.extui %sign3A_51 : i1 to i32
      %sign3A_53 = arith.subi %sign3A_49, %sign3A_52 : i32
      %ne3A = arith.cmpi ne, %sign3A_46, %sign3A_53 : i32
      %rem3A = arith.remsi %scan3A_38, %jit3A : i32
      %ne3A_54 = arith.constant 0 : i32
      %ne3A_55 = arith.cmpi ne, %rem3A, %ne3A_54 : i32
      %and3A = arith.andi %ne3A, %ne3A_55 : i1
      %sub3A = arith.constant 1 : i32
      %sub3A_56 = arith.subi %div3A, %sub3A : i32
      %select_n3A = arith.select %and3A, %sub3A_56, %div3A : i32
      %jit3A_57 = arith.constant 8 : i32
      %eq3A = arith.constant 0 : i32
      %eq3A_58 = arith.cmpi eq, %jit3A_57, %eq3A : i32
      %jit3A_59 = arith.constant 1 : i32
      %select_n3A_60 = arith.select %eq3A_58, %jit3A_59, %jit3A_57 : i32
      %rem3A_61 = arith.remsi %scan3A_38, %select_n3A_60 : i32
      %ne3A_62 = arith.constant 0 : i32
      %ne3A_63 = arith.cmpi ne, %rem3A_61, %ne3A_62 : i32
      %lt3A = arith.constant 0 : i32
      %lt3A_64 = arith.cmpi slt, %rem3A_61, %lt3A : i32
      %lt3A_65 = arith.constant 0 : i32
      %lt3A_66 = arith.cmpi slt, %select_n3A_60, %lt3A_65 : i32
      %ne3A_67 = arith.xori %lt3A_64, %lt3A_66 : i1
      %and3A_68 = arith.andi %ne3A_67, %ne3A_63 : i1
      %add3A_69 = arith.addi %rem3A_61, %select_n3A_60 : i32
      %select_n3A_70 = arith.select %and3A_68, %add3A_69, %rem3A_61 : i32
      %mul3A_71 = arith.constant 16 : i32
      %mul3A_72 = arith.muli %select_n3A_70, %mul3A_71 : i32
      %swap3A = arith.index_cast %select_n3A : i32 to index
      %swap3A_73 = arith.index_cast %mul3A_72 : i32 to index
      %swap3A_74 = tpu.vector_load %arg8[%swap3A, %swap3A_73] {strides = array<i32>} : memref<128x128xf32, #tpu.memory_space<vmem>>, vector<16xf32>,
      tpu.vector_store %arg8[%swap3A, %swap3A_73], %broadcast_in_dim3A_40 {strides = array<i32>} : memref<128x128xf32, #tpu.memory_space<vmem>>, vector<16xf32>,
      %scan3A_75 = arith.constant 0 : i32
      scf.yield %scan3A_75 : i32
    }
    %scan3A_6 = arith.constant 1024 : i32
    %scan3A_7 = arith.constant 0 : i32
    %scan3A_8 = arith.constant 0 : i32
    %scan3A_9 = arith.constant 5 : i32
    %scan3A_10 = arith.addi %scan3A_8, %scan3A_9 : i32
    %scan3A_11 = arith.constant 1 : i32
    %scan3A_12 = scf.for %scan3A_38 = %scan3A_8 to %scan3A_10 step %scan3A_11 iter_args(%scan3A_39 = %scan3A_7) -> (i32)  : i32 {
      %mul3A_40 = arith.constant 640 : i32
      %mul3A_41 = arith.muli %arg1, %mul3A_40 : i32
      %mul3A_42 = arith.constant 128 : i32
      %mul3A_43 = arith.muli %scan3A_38, %mul3A_42 : i32
      %add3A_44 = arith.addi %mul3A_41, %mul3A_43 : i32
      "tpu.region"() ({
        %run_scoped3A_46 = tpu.sem_alloc : memref<!tpu.dma_semaphore, #tpu.memory_space<semaphore_mem>>
        %dma_start3A_47 = arith.constant 0 : i32
        %dma_start3A_48 = tpu.memref_slice %arg10[%add3A_44, %dma_start3A_47] : memref<10240x128xf32, #tpu.memory_space<vmem_shared>> -> memref<128x128xf32, #tpu.memory_space<vmem_shared>>
        %dma_start3A_49 = arith.constant 0 : i32
        %dma_start3A_50 = tpu.memref_slice %arg10[%add3A_44, %dma_start3A_49] : memref<10240x128xf32, #tpu.memory_space<vmem_shared>> -> memref<128x128xf32, #tpu.memory_space<vmem_shared>>
        tpu.enqueue_dma source(%arg8 : memref<128x128xf32, #tpu.memory_space<vmem>>) target(%dma_start3A_50 : memref<128x128xf32, #tpu.memory_space<vmem_shared>>) target_semaphore(%run_scoped3A_46 : memref<!tpu.dma_semaphore, #tpu.memory_space<semaphore_mem>>)
        %dma_wait3A_51 = arith.constant 0 : i32
        %dma_wait3A_52 = tpu.memref_slice %arg10[%add3A_44, %dma_wait3A_51] : memref<10240x128xf32, #tpu.memory_space<vmem_shared>> -> memref<128x128xf32, #tpu.memory_space<vmem_shared>>
        %dma_wait3A_53 = arith.constant 0 : i32
        %dma_wait3A_54 = tpu.memref_slice %arg10[%add3A_44, %dma_wait3A_53] : memref<10240x128xf32, #tpu.memory_space<vmem_shared>> -> memref<128x128xf32, #tpu.memory_space<vmem_shared>>
        tpu.wait_dma2 semaphore(%run_scoped3A_46 : memref<!tpu.dma_semaphore, #tpu.memory_space<semaphore_mem>>) src(%arg8 : memref<128x128xf32, #tpu.memory_space<vmem>>) dst(%dma_wait3A_54 : memref<128x128xf32, #tpu.memory_space<vmem_shared>>)
        tpu.yield
      }) : () -> ()
      %scan3A_45 = arith.constant 0 : i32
      scf.yield %scan3A_45 : i32
    }
    %scan3A_13 = arith.constant 5 : i32
    %barrier3A = arith.constant 0 : index
    tpu.barrier barrier_id(%barrier3A)
    %dma_start3A = arith.constant 0 : i32
    %dma_start3A_14 = arith.constant 0 : i32
    %dma_start3A_15 = tpu.memref_slice %arg6[%dma_start3A, %dma_start3A_14] : memref<81x128xi32, #tpu.memory_space<vmem>> -> memref<1x128xi32, #tpu.memory_space<vmem>>
    %dma_start3A_16 = tpu.memref_squeeze %dma_start3A_15 : memref<1x128xi32, #tpu.memory_space<vmem>> -> memref<128xi32, #tpu.memory_space<vmem>>
    %dma_start3A_17 = arith.constant 0 : i32
    %dma_start3A_18 = arith.constant 0 : i32
    %dma_start3A_19 = tpu.memref_slice %arg4[%dma_start3A_17, %dma_start3A_18] : memref<10240x128xf32, #tpu.memory_space<hbm>> -> memref<10240x128xf32, #tpu.memory_space<hbm>>
    tpu.enqueue_indirect_dma source(%dma_start3A_19 : memref<10240x128xf32, #tpu.memory_space<hbm>>) target(%arg8 : memref<128x128xf32, #tpu.memory_space<vmem>>) offsets(%dma_start3A_16 : memref<128xi32, #tpu.memory_space<vmem>>) semaphore(%arg11 : memref<!tpu.dma_semaphore, #tpu.memory_space<semaphore_mem>>)
    %scan3A_20 = arith.constant 0 : i32
    %scan3A_21 = arith.constant 0 : i32
    %scan3A_22 = arith.constant 40 : i32
    %scan3A_23 = arith.addi %scan3A_21, %scan3A_22 : i32
    %scan3A_24 = arith.constant 1 : i32
    %scan3A_25 = scf.for %scan3A_38 = %scan3A_21 to %scan3A_23 step %scan3A_24 iter_args(%scan3A_39 = %scan3A_20) -> (i32)  : i32 {
      %mul3A_40 = arith.constant 2 : i32
      %mul3A_41 = arith.muli %mul3A_40, %scan3A_38 : i32
      %eq3A = arith.constant 16 : i32
      %eq3A_42 = arith.cmpi eq, %scan3A_38, %eq3A : i32
      %convert_element_type3A = arith.extui %eq3A_42 : i1 to i32
      %cond3A = arith.constant 0 : i32
      %cond3A_43 = arith.cmpi ne, %convert_element_type3A, %cond3A : i32
      scf.if %cond3A_43 {
        "tpu.region"() ({
          %run_scoped3A_92 = tpu.sem_alloc : memref<!tpu.dma_semaphore, #tpu.memory_space<semaphore_mem>>
          %dma_start3A_93 = arith.constant 32 : i32
          %dma_start3A_94 = arith.constant 0 : i32
          %dma_start3A_95 = tpu.memref_slice %arg3[%add3A, %dma_start3A_93, %dma_start3A_94] : memref<32x81x128xi32, #tpu.memory_space<hbm>> -> memref<1x32x128xi32, #tpu.memory_space<hbm>>
          %dma_start3A_96 = tpu.memref_squeeze %dma_start3A_95 : memref<1x32x128xi32, #tpu.memory_space<hbm>> -> memref<32x128xi32, #tpu.memory_space<hbm>>
          %dma_start3A_97 = arith.constant 32 : i32
          %dma_start3A_98 = arith.constant 0 : i32
          %dma_start3A_99 = tpu.memref_slice %arg3[%add3A, %dma_start3A_97, %dma_start3A_98] : memref<32x81x128xi32, #tpu.memory_space<hbm>> -> memref<1x32x128xi32, #tpu.memory_space<hbm>>
          %dma_start3A_100 = tpu.memref_squeeze %dma_start3A_99 : memref<1x32x128xi32, #tpu.memory_space<hbm>> -> memref<32x128xi32, #tpu.memory_space<hbm>>
          tpu.enqueue_dma source(%dma_start3A_100 : memref<32x128xi32, #tpu.memory_space<hbm>>) target(%arg7 : memref<32x128xi32, #tpu.memory_space<vmem>>) target_semaphore(%run_scoped3A_92 : memref<!tpu.dma_semaphore, #tpu.memory_space<semaphore_mem>>)
          %dma_wait3A_101 = arith.constant 32 : i32
          %dma_wait3A_102 = arith.constant 0 : i32
          %dma_wait3A_103 = tpu.memref_slice %arg3[%add3A, %dma_wait3A_101, %dma_wait3A_102] : memref<32x81x128xi32, #tpu.memory_space<hbm>> -> memref<1x32x128xi32, #tpu.memory_space<hbm>>
          %dma_wait3A_104 = tpu.memref_squeeze %dma_wait3A_103 : memref<1x32x128xi32, #tpu.memory_space<hbm>> -> memref<32x128xi32, #tpu.memory_space<hbm>>
          %dma_wait3A_105 = arith.constant 32 : i32
          %dma_wait3A_106 = arith.constant 0 : i32
          %dma_wait3A_107 = tpu.memref_slice %arg3[%add3A, %dma_wait3A_105, %dma_wait3A_106] : memref<32x81x128xi32, #tpu.memory_space<hbm>> -> memref<1x32x128xi32, #tpu.memory_space<hbm>>
          %dma_wait3A_108 = tpu.memref_squeeze %dma_wait3A_107 : memref<1x32x128xi32, #tpu.memory_space<hbm>> -> memref<32x128xi32, #tpu.memory_space<hbm>>
          tpu.wait_dma2 semaphore(%run_scoped3A_92 : memref<!tpu.dma_semaphore, #tpu.memory_space<semaphore_mem>>) src(%dma_wait3A_108 : memref<32x128xi32, #tpu.memory_space<hbm>>) dst(%arg7 : memref<32x128xi32, #tpu.memory_space<vmem>>)
          tpu.yield
        }) : () -> ()
      } else {
      }
      %eq3A_44 = arith.constant 32 : i32
      %eq3A_45 = arith.cmpi eq, %scan3A_38, %eq3A_44 : i32
      %convert_element_type3A_46 = arith.extui %eq3A_45 : i1 to i32
      %cond3A_47 = arith.constant 0 : i32
      %cond3A_48 = arith.cmpi ne, %convert_element_type3A_46, %cond3A_47 : i32
      scf.if %cond3A_48 {
        "tpu.region"() ({
          %run_scoped3A_92 = tpu.sem_alloc : memref<!tpu.dma_semaphore, #tpu.memory_space<semaphore_mem>>
          %dma_start3A_93 = arith.constant 0 : i32
          %dma_start3A_94 = arith.constant 0 : i32
          %dma_start3A_95 = tpu.memref_slice %arg7[%dma_start3A_93, %dma_start3A_94] : memref<32x128xi32, #tpu.memory_space<vmem>> -> memref<17x128xi32, #tpu.memory_space<vmem>>
          %dma_start3A_96 = arith.constant 64 : i32
          %dma_start3A_97 = arith.constant 0 : i32
          %dma_start3A_98 = tpu.memref_slice %arg3[%add3A, %dma_start3A_96, %dma_start3A_97] : memref<32x81x128xi32, #tpu.memory_space<hbm>> -> memref<1x17x128xi32, #tpu.memory_space<hbm>>
          %dma_start3A_99 = tpu.memref_squeeze %dma_start3A_98 : memref<1x17x128xi32, #tpu.memory_space<hbm>> -> memref<17x128xi32, #tpu.memory_space<hbm>>
          %dma_start3A_100 = arith.constant 0 : i32
          %dma_start3A_101 = arith.constant 0 : i32
          %dma_start3A_102 = tpu.memref_slice %arg7[%dma_start3A_100, %dma_start3A_101] : memref<32x128xi32, #tpu.memory_space<vmem>> -> memref<17x128xi32, #tpu.memory_space<vmem>>
          %dma_start3A_103 = arith.constant 64 : i32
          %dma_start3A_104 = arith.constant 0 : i32
          %dma_start3A_105 = tpu.memref_slice %arg3[%add3A, %dma_start3A_103, %dma_start3A_104] : memref<32x81x128xi32, #tpu.memory_space<hbm>> -> memref<1x17x128xi32, #tpu.memory_space<hbm>>
          %dma_start3A_106 = tpu.memref_squeeze %dma_start3A_105 : memref<1x17x128xi32, #tpu.memory_space<hbm>> -> memref<17x128xi32, #tpu.memory_space<hbm>>
          tpu.enqueue_dma source(%dma_start3A_106 : memref<17x128xi32, #tpu.memory_space<hbm>>) target(%dma_start3A_102 : memref<17x128xi32, #tpu.memory_space<vmem>>) target_semaphore(%run_scoped3A_92 : memref<!tpu.dma_semaphore, #tpu.memory_space<semaphore_mem>>)
          %dma_wait3A_107 = arith.constant 0 : i32
          %dma_wait3A_108 = arith.constant 0 : i32
          %dma_wait3A_109 = tpu.memref_slice %arg7[%dma_wait3A_107, %dma_wait3A_108] : memref<32x128xi32, #tpu.memory_space<vmem>> -> memref<17x128xi32, #tpu.memory_space<vmem>>
          %dma_wait3A_110 = arith.constant 64 : i32
          %dma_wait3A_111 = arith.constant 0 : i32
          %dma_wait3A_112 = tpu.memref_slice %arg3[%add3A, %dma_wait3A_110, %dma_wait3A_111] : memref<32x81x128xi32, #tpu.memory_space<hbm>> -> memref<1x17x128xi32, #tpu.memory_space<hbm>>
          %dma_wait3A_113 = tpu.memref_squeeze %dma_wait3A_112 : memref<1x17x128xi32, #tpu.memory_space<hbm>> -> memref<17x128xi32, #tpu.memory_space<hbm>>
          %dma_wait3A_114 = arith.constant 0 : i32
          %dma_wait3A_115 = arith.constant 0 : i32
          %dma_wait3A_116 = tpu.memref_slice %arg7[%dma_wait3A_114, %dma_wait3A_115] : memref<32x128xi32, #tpu.memory_space<vmem>> -> memref<17x128xi32, #tpu.memory_space<vmem>>
          %dma_wait3A_117 = arith.constant 64 : i32
          %dma_wait3A_118 = arith.constant 0 : i32
          %dma_wait3A_119 = tpu.memref_slice %arg3[%add3A, %dma_wait3A_117, %dma_wait3A_118] : memref<32x81x128xi32, #tpu.memory_space<hbm>> -> memref<1x17x128xi32, #tpu.memory_space<hbm>>
          %dma_wait3A_120 = tpu.memref_squeeze %dma_wait3A_119 : memref<1x17x128xi32, #tpu.memory_space<hbm>> -> memref<17x128xi32, #tpu.memory_space<hbm>>
          tpu.wait_dma2 semaphore(%run_scoped3A_92 : memref<!tpu.dma_semaphore, #tpu.memory_space<semaphore_mem>>) src(%dma_wait3A_120 : memref<17x128xi32, #tpu.memory_space<hbm>>) dst(%dma_wait3A_116 : memref<17x128xi32, #tpu.memory_space<vmem>>)
          tpu.yield
        }) : () -> ()
      } else {
      }
      %jit3A = arith.constant 32 : i32
      %eq3A_49 = arith.constant 0 : i32
      %eq3A_50 = arith.cmpi eq, %jit3A, %eq3A_49 : i32
      %jit3A_51 = arith.constant 1 : i32
      %select_n3A = arith.select %eq3A_50, %jit3A_51, %jit3A : i32
      %rem3A = arith.remsi %mul3A_41, %select_n3A : i32
      %ne3A = arith.constant 0 : i32
      %ne3A_52 = arith.cmpi ne, %rem3A, %ne3A : i32
      %lt3A = arith.constant 0 : i32
      %lt3A_53 = arith.cmpi slt, %rem3A, %lt3A : i32
      %lt3A_54 = arith.constant 0 : i32
      %lt3A_55 = arith.cmpi slt, %select_n3A, %lt3A_54 : i32
      %ne3A_56 = arith.xori %lt3A_53, %lt3A_55 : i1
      %and3A = arith.andi %ne3A_56, %ne3A_52 : i1
      %add3A_57 = arith.addi %rem3A, %select_n3A : i32
      %select_n3A_58 = arith.select %and3A, %add3A_57, %rem3A : i32
      %dma_wait3A_59 = arith.constant 0 : i32
      %dma_wait3A_60 = tpu.memref_slice %arg6[%mul3A_41, %dma_wait3A_59] : memref<81x128xi32, #tpu.memory_space<vmem>> -> memref<1x128xi32, #tpu.memory_space<vmem>>
      %dma_wait3A_61 = tpu.memref_squeeze %dma_wait3A_60 : memref<1x128xi32, #tpu.memory_space<vmem>> -> memref<128xi32, #tpu.memory_space<vmem>>
      %dma_wait3A_62 = arith.constant 0 : i32
      %dma_wait3A_63 = arith.constant 0 : i32
      %dma_wait3A_64 = tpu.memref_slice %arg4[%dma_wait3A_62, %dma_wait3A_63] : memref<10240x128xf32, #tpu.memory_space<hbm>> -> memref<10240x128xf32, #tpu.memory_space<hbm>>
      tpu.wait_indirect_dma semaphore(%arg11 : memref<!tpu.dma_semaphore, #tpu.memory_space<semaphore_mem>>) src(%dma_wait3A_64 : memref<10240x128xf32, #tpu.memory_space<hbm>>) dst(%arg8 : memref<128x128xf32, #tpu.memory_space<vmem>>)
      %add3A_65 = arith.constant 1 : i32
      %add3A_66 = arith.addi %mul3A_41, %add3A_65 : i32
      %dma_start3A_67 = arith.constant 0 : i32
      %dma_start3A_68 = tpu.memref_slice %arg6[%add3A_66, %dma_start3A_67] : memref<81x128xi32, #tpu.memory_space<vmem>> -> memref<1x128xi32, #tpu.memory_space<vmem>>
      %dma_start3A_69 = tpu.memref_squeeze %dma_start3A_68 : memref<1x128xi32, #tpu.memory_space<vmem>> -> memref<128xi32, #tpu.memory_space<vmem>>
      %dma_start3A_70 = arith.constant 0 : i32
      %dma_start3A_71 = arith.constant 0 : i32
      %dma_start3A_72 = tpu.memref_slice %arg4[%dma_start3A_70, %dma_start3A_71] : memref<10240x128xf32, #tpu.memory_space<hbm>> -> memref<10240x128xf32, #tpu.memory_space<hbm>>
      tpu.enqueue_indirect_dma source(%dma_start3A_72 : memref<10240x128xf32, #tpu.memory_space<hbm>>) target(%arg9 : memref<128x128xf32, #tpu.memory_space<vmem>>) offsets(%dma_start3A_69 : memref<128xi32, #tpu.memory_space<vmem>>) semaphore(%arg12 : memref<!tpu.dma_semaphore, #tpu.memory_space<semaphore_mem>>)
      "tpu.region"() ({
        %run_scoped3A_92 = tpu.sem_alloc : memref<!tpu.dma_semaphore, #tpu.memory_space<semaphore_mem>>
        %dma_start3A_93 = arith.constant 0 : i32
        %dma_start3A_94 = tpu.memref_slice %arg7[%select_n3A_58, %dma_start3A_93] : memref<32x128xi32, #tpu.memory_space<vmem>> -> memref<1x128xi32, #tpu.memory_space<vmem>>
        %dma_start3A_95 = tpu.memref_squeeze %dma_start3A_94 : memref<1x128xi32, #tpu.memory_space<vmem>> -> memref<128xi32, #tpu.memory_space<vmem>>
        %dma_start3A_96 = arith.constant 0 : i32
        %dma_start3A_97 = arith.constant 0 : i32
        %dma_start3A_98 = tpu.memref_slice %arg10[%dma_start3A_96, %dma_start3A_97] : memref<10240x128xf32, #tpu.memory_space<vmem_shared>> -> memref<10240x128xf32, #tpu.memory_space<vmem_shared>>
        tpu.enqueue_indirect_dma source(%arg8 : memref<128x128xf32, #tpu.memory_space<vmem>>) target(%dma_start3A_98 : memref<10240x128xf32, #tpu.memory_space<vmem_shared>>) offsets(%dma_start3A_95 : memref<128xi32, #tpu.memory_space<vmem>>) semaphore(%run_scoped3A_92 : memref<!tpu.dma_semaphore, #tpu.memory_space<semaphore_mem>>) {add = true}
        %dma_wait3A_99 = arith.constant 0 : i32
        %dma_wait3A_100 = tpu.memref_slice %arg7[%select_n3A_58, %dma_wait3A_99] : memref<32x128xi32, #tpu.memory_space<vmem>> -> memref<1x128xi32, #tpu.memory_space<vmem>>
        %dma_wait3A_101 = tpu.memref_squeeze %dma_wait3A_100 : memref<1x128xi32, #tpu.memory_space<vmem>> -> memref<128xi32, #tpu.memory_space<vmem>>
        %dma_wait3A_102 = arith.constant 0 : i32
        %dma_wait3A_103 = arith.constant 0 : i32
        %dma_wait3A_104 = tpu.memref_slice %arg10[%dma_wait3A_102, %dma_wait3A_103] : memref<10240x128xf32, #tpu.memory_space<vmem_shared>> -> memref<10240x128xf32, #tpu.memory_space<vmem_shared>>
        tpu.wait_indirect_dma semaphore(%run_scoped3A_92 : memref<!tpu.dma_semaphore, #tpu.memory_space<semaphore_mem>>) src(%arg8 : memref<128x128xf32, #tpu.memory_space<vmem>>) dst(%dma_wait3A_104 : memref<10240x128xf32, #tpu.memory_space<vmem_shared>>)
        tpu.yield
      }) : () -> ()
      %add3A_73 = arith.constant 1 : i32
      %add3A_74 = arith.addi %mul3A_41, %add3A_73 : i32
      %dma_wait3A_75 = arith.constant 0 : i32
      %dma_wait3A_76 = tpu.memref_slice %arg6[%add3A_74, %dma_wait3A_75] : memref<81x128xi32, #tpu.memory_space<vmem>> -> memref<1x128xi32, #tpu.memory_space<vmem>>
      %dma_wait3A_77 = tpu.memref_squeeze %dma_wait3A_76 : memref<1x128xi32, #tpu.memory_space<vmem>> -> memref<128xi32, #tpu.memory_space<vmem>>
      %dma_wait3A_78 = arith.constant 0 : i32
      %dma_wait3A_79 = arith.constant 0 : i32
      %dma_wait3A_80 = tpu.memref_slice %arg4[%dma_wait3A_78, %dma_wait3A_79] : memref<10240x128xf32, #tpu.memory_space<hbm>> -> memref<10240x128xf32, #tpu.memory_space<hbm>>
      tpu.wait_indirect_dma semaphore(%arg12 : memref<!tpu.dma_semaphore, #tpu.memory_space<semaphore_mem>>) src(%dma_wait3A_80 : memref<10240x128xf32, #tpu.memory_space<hbm>>) dst(%arg9 : memref<128x128xf32, #tpu.memory_space<vmem>>)
      %add3A_81 = arith.constant 2 : i32
      %add3A_82 = arith.addi %mul3A_41, %add3A_81 : i32
      %dma_start3A_83 = arith.constant 0 : i32
      %dma_start3A_84 = tpu.memref_slice %arg6[%add3A_82, %dma_start3A_83] : memref<81x128xi32, #tpu.memory_space<vmem>> -> memref<1x128xi32, #tpu.memory_space<vmem>>
      %dma_start3A_85 = tpu.memref_squeeze %dma_start3A_84 : memref<1x128xi32, #tpu.memory_space<vmem>> -> memref<128xi32, #tpu.memory_space<vmem>>
      %dma_start3A_86 = arith.constant 0 : i32
      %dma_start3A_87 = arith.constant 0 : i32
      %dma_start3A_88 = tpu.memref_slice %arg4[%dma_start3A_86, %dma_start3A_87] : memref<10240x128xf32, #tpu.memory_space<hbm>> -> memref<10240x128xf32, #tpu.memory_space<hbm>>
      tpu.enqueue_indirect_dma source(%dma_start3A_88 : memref<10240x128xf32, #tpu.memory_space<hbm>>) target(%arg8 : memref<128x128xf32, #tpu.memory_space<vmem>>) offsets(%dma_start3A_85 : memref<128xi32, #tpu.memory_space<vmem>>) semaphore(%arg11 : memref<!tpu.dma_semaphore, #tpu.memory_space<semaphore_mem>>)
      %add3A_89 = arith.constant 1 : i32
      %add3A_90 = arith.addi %select_n3A_58, %add3A_89 : i32
      "tpu.region"() ({
        %run_scoped3A_92 = tpu.sem_alloc : memref<!tpu.dma_semaphore, #tpu.memory_space<semaphore_mem>>
        %dma_start3A_93 = arith.constant 0 : i32
        %dma_start3A_94 = tpu.memref_slice %arg7[%add3A_90, %dma_start3A_93] : memref<32x128xi32, #tpu.memory_space<vmem>> -> memref<1x128xi32, #tpu.memory_space<vmem>>
        %dma_start3A_95 = tpu.memref_squeeze %dma_start3A_94 : memref<1x128xi32, #tpu.memory_space<vmem>> -> memref<128xi32, #tpu.memory_space<vmem>>
        %dma_start3A_96 = arith.constant 0 : i32
        %dma_start3A_97 = arith.constant 0 : i32
        %dma_start3A_98 = tpu.memref_slice %arg10[%dma_start3A_96, %dma_start3A_97] : memref<10240x128xf32, #tpu.memory_space<vmem_shared>> -> memref<10240x128xf32, #tpu.memory_space<vmem_shared>>
        tpu.enqueue_indirect_dma source(%arg9 : memref<128x128xf32, #tpu.memory_space<vmem>>) target(%dma_start3A_98 : memref<10240x128xf32, #tpu.memory_space<vmem_shared>>) offsets(%dma_start3A_95 : memref<128xi32, #tpu.memory_space<vmem>>) semaphore(%run_scoped3A_92 : memref<!tpu.dma_semaphore, #tpu.memory_space<semaphore_mem>>) {add = true}
        %dma_wait3A_99 = arith.constant 0 : i32
        %dma_wait3A_100 = tpu.memref_slice %arg7[%add3A_90, %dma_wait3A_99] : memref<32x128xi32, #tpu.memory_space<vmem>> -> memref<1x128xi32, #tpu.memory_space<vmem>>
        %dma_wait3A_101 = tpu.memref_squeeze %dma_wait3A_100 : memref<1x128xi32, #tpu.memory_space<vmem>> -> memref<128xi32, #tpu.memory_space<vmem>>
        %dma_wait3A_102 = arith.constant 0 : i32
        %dma_wait3A_103 = arith.constant 0 : i32
        %dma_wait3A_104 = tpu.memref_slice %arg10[%dma_wait3A_102, %dma_wait3A_103] : memref<10240x128xf32, #tpu.memory_space<vmem_shared>> -> memref<10240x128xf32, #tpu.memory_space<vmem_shared>>
        tpu.wait_indirect_dma semaphore(%run_scoped3A_92 : memref<!tpu.dma_semaphore, #tpu.memory_space<semaphore_mem>>) src(%arg9 : memref<128x128xf32, #tpu.memory_space<vmem>>) dst(%dma_wait3A_104 : memref<10240x128xf32, #tpu.memory_space<vmem_shared>>)
        tpu.yield
      }) : () -> ()
      %scan3A_91 = arith.constant 0 : i32
      scf.yield %scan3A_91 : i32
    }
    %scan3A_26 = arith.constant 40 : i32
    %dma_wait3A = arith.constant 80 : i32
    %dma_wait3A_27 = arith.constant 0 : i32
    %dma_wait3A_28 = tpu.memref_slice %arg6[%dma_wait3A, %dma_wait3A_27] : memref<81x128xi32, #tpu.memory_space<vmem>> -> memref<1x128xi32, #tpu.memory_space<vmem>>
    %dma_wait3A_29 = tpu.memref_squeeze %dma_wait3A_28 : memref<1x128xi32, #tpu.memory_space<vmem>> -> memref<128xi32, #tpu.memory_space<vmem>>
    %dma_wait3A_30 = arith.constant 0 : i32
    %dma_wait3A_31 = arith.constant 0 : i32
    %dma_wait3A_32 = tpu.memref_slice %arg4[%dma_wait3A_30, %dma_wait3A_31] : memref<10240x128xf32, #tpu.memory_space<hbm>> -> memref<10240x128xf32, #tpu.memory_space<hbm>>
    tpu.wait_indirect_dma semaphore(%arg11 : memref<!tpu.dma_semaphore, #tpu.memory_space<semaphore_mem>>) src(%dma_wait3A_32 : memref<10240x128xf32, #tpu.memory_space<hbm>>) dst(%arg8 : memref<128x128xf32, #tpu.memory_space<vmem>>)
    %run_scoped3A = arith.constant 16 : i32
    "tpu.region"() ({
      %run_scoped3A_38 = tpu.sem_alloc : memref<!tpu.dma_semaphore, #tpu.memory_space<semaphore_mem>>
      %dma_start3A_39 = arith.constant 0 : i32
      %dma_start3A_40 = tpu.memref_slice %arg7[%run_scoped3A, %dma_start3A_39] : memref<32x128xi32, #tpu.memory_space<vmem>> -> memref<1x128xi32, #tpu.memory_space<vmem>>
      %dma_start3A_41 = tpu.memref_squeeze %dma_start3A_40 : memref<1x128xi32, #tpu.memory_space<vmem>> -> memref<128xi32, #tpu.memory_space<vmem>>
      %dma_start3A_42 = arith.constant 0 : i32
      %dma_start3A_43 = arith.constant 0 : i32
      %dma_start3A_44 = tpu.memref_slice %arg10[%dma_start3A_42, %dma_start3A_43] : memref<10240x128xf32, #tpu.memory_space<vmem_shared>> -> memref<10240x128xf32, #tpu.memory_space<vmem_shared>>
      tpu.enqueue_indirect_dma source(%arg8 : memref<128x128xf32, #tpu.memory_space<vmem>>) target(%dma_start3A_44 : memref<10240x128xf32, #tpu.memory_space<vmem_shared>>) offsets(%dma_start3A_41 : memref<128xi32, #tpu.memory_space<vmem>>) semaphore(%run_scoped3A_38 : memref<!tpu.dma_semaphore, #tpu.memory_space<semaphore_mem>>) {add = true}
      %dma_wait3A_45 = arith.constant 0 : i32
      %dma_wait3A_46 = tpu.memref_slice %arg7[%run_scoped3A, %dma_wait3A_45] : memref<32x128xi32, #tpu.memory_space<vmem>> -> memref<1x128xi32, #tpu.memory_space<vmem>>
      %dma_wait3A_47 = tpu.memref_squeeze %dma_wait3A_46 : memref<1x128xi32, #tpu.memory_space<vmem>> -> memref<128xi32, #tpu.memory_space<vmem>>
      %dma_wait3A_48 = arith.constant 0 : i32
      %dma_wait3A_49 = arith.constant 0 : i32
      %dma_wait3A_50 = tpu.memref_slice %arg10[%dma_wait3A_48, %dma_wait3A_49] : memref<10240x128xf32, #tpu.memory_space<vmem_shared>> -> memref<10240x128xf32, #tpu.memory_space<vmem_shared>>
      tpu.wait_indirect_dma semaphore(%run_scoped3A_38 : memref<!tpu.dma_semaphore, #tpu.memory_space<semaphore_mem>>) src(%arg8 : memref<128x128xf32, #tpu.memory_space<vmem>>) dst(%dma_wait3A_50 : memref<10240x128xf32, #tpu.memory_space<vmem_shared>>)
      tpu.yield
    }) : () -> ()
    %barrier3A_33 = arith.constant 0 : index
    tpu.barrier barrier_id(%barrier3A_33)
    %mul3A_34 = arith.constant 640 : i32
    %mul3A_35 = arith.muli %arg1, %mul3A_34 : i32
    %mul3A_36 = arith.constant 640 : i32
    %mul3A_37 = arith.muli %arg1, %mul3A_36 : i32
    "tpu.region"() ({
      %run_scoped3A_38 = tpu.sem_alloc : memref<!tpu.dma_semaphore, #tpu.memory_space<semaphore_mem>>
      %dma_start3A_39 = arith.constant 0 : i32
      %dma_start3A_40 = tpu.memref_slice %arg5[%arg0, %mul3A_37, %dma_start3A_39] : memref<2x10240x128xf32, #tpu.memory_space<hbm>> -> memref<1x640x128xf32, #tpu.memory_space<hbm>>
      %dma_start3A_41 = tpu.memref_squeeze %dma_start3A_40 : memref<1x640x128xf32, #tpu.memory_space<hbm>> -> memref<640x128xf32, #tpu.memory_space<hbm>>
      %dma_start3A_42 = arith.constant 0 : i32
      %dma_start3A_43 = tpu.memref_slice %arg10[%mul3A_35, %dma_start3A_42] : memref<10240x128xf32, #tpu.memory_space<vmem_shared>> -> memref<640x128xf32, #tpu.memory_space<vmem_shared>>
      tpu.enqueue_dma source(%dma_start3A_43 : memref<640x128xf32, #tpu.memory_space<vmem_shared>>) target(%dma_start3A_41 : memref<640x128xf32, #tpu.memory_space<hbm>>) target_semaphore(%run_scoped3A_38 : memref<!tpu.dma_semaphore, #tpu.memory_space<semaphore_mem>>)
      %dma_wait3A_44 = arith.constant 0 : i32
      %dma_wait3A_45 = tpu.memref_slice %arg5[%arg0, %mul3A_37, %dma_wait3A_44] : memref<2x10240x128xf32, #tpu.memory_space<hbm>> -> memref<1x640x128xf32, #tpu.memory_space<hbm>>
      %dma_wait3A_46 = tpu.memref_squeeze %dma_wait3A_45 : memref<1x640x128xf32, #tpu.memory_space<hbm>> -> memref<640x128xf32, #tpu.memory_space<hbm>>
      %dma_wait3A_47 = arith.constant 0 : i32
      %dma_wait3A_48 = tpu.memref_slice %arg10[%mul3A_35, %dma_wait3A_47] : memref<10240x128xf32, #tpu.memory_space<vmem_shared>> -> memref<640x128xf32, #tpu.memory_space<vmem_shared>>
      tpu.wait_dma2 semaphore(%run_scoped3A_38 : memref<!tpu.dma_semaphore, #tpu.memory_space<semaphore_mem>>) src(%dma_wait3A_48 : memref<640x128xf32, #tpu.memory_space<vmem_shared>>) dst(%dma_wait3A_46 : memref<640x128xf32, #tpu.memory_space<hbm>>)
      tpu.yield
    }) : () -> ()
    return
  }
}

module attributes {stable_mosaic.version = 14 : i64} {
  func.func @_dis_body(%arg0: memref<2x80x128xf32, #tpu.memory_space<vmem>>, %arg1: memref<80x128xf32, #tpu.memory_space<vmem>>) attributes {dimension_semantics = [], scalar_prefetch = 0 : i64, scratch_operands = 0 : i64, tpu.core_type = #tpu.core_type<tc>} {
    %get3A = arith.constant 0 : index
    %get3A_0 = arith.constant 0 : index
    %get3A_1 = arith.constant 0 : index
    %get3A_2 = vector.load %arg0[%get3A, %get3A_0, %get3A_1] : memref<2x80x128xf32, #tpu.memory_space<vmem>>, vector<1x80x128xf32>
    %get3A_3 = vector.shape_cast %get3A_2 : vector<1x80x128xf32> to vector<80x128xf32>
    %get3A_4 = arith.constant 1 : index
    %get3A_5 = arith.constant 0 : index
    %get3A_6 = arith.constant 0 : index
    %get3A_7 = vector.load %arg0[%get3A_4, %get3A_5, %get3A_6] : memref<2x80x128xf32, #tpu.memory_space<vmem>>, vector<1x80x128xf32>
    %get3A_8 = vector.shape_cast %get3A_7 : vector<1x80x128xf32> to vector<80x128xf32>
    %add3A = arith.addf %get3A_3, %get3A_8 : vector<80x128xf32>
    %max3A = arith.constant 1.000000e+00 : f32
    %max3A_9 = vector.broadcast %max3A : f32 to vector<80x128xf32>
    %max3A_10 = arith.maximumf %add3A, %max3A_9 : vector<80x128xf32>
    %rsqrt3A = math.rsqrt %max3A_10 : vector<80x128xf32>
    %swap3A = arith.constant 0 : index
    %swap3A_11 = arith.constant 0 : index
    %swap3A_12 = vector.load %arg1[%swap3A, %swap3A_11] : memref<80x128xf32, #tpu.memory_space<vmem>>, vector<80x128xf32>
    tpu.vector_store %arg1[%swap3A, %swap3A_11], %rsqrt3A {strides = array<i32>} : memref<80x128xf32, #tpu.memory_space<vmem>>, vector<80x128xf32>,
    return
  }
}

module attributes {stable_mosaic.version = 14 : i64} {
  func.func @_l1_body(%arg0: i32, %arg1: memref<256x128xf32, #tpu.memory_space<vmem>>, %arg2: memref<256x128xf32, #tpu.memory_space<vmem>>, %arg3: memref<256x1xf32, #tpu.memory_space<vmem>>, %arg4: memref<128x128xf32, #tpu.memory_space<vmem>>, %arg5: memref<1x128xf32, #tpu.memory_space<vmem>>, %arg6: memref<256x128xf32, #tpu.memory_space<vmem>>) attributes {dimension_semantics = [#tpu.dimension_semantics<arbitrary>], iteration_bounds = array<i64: 40>, scalar_prefetch = 0 : i64, scratch_operands = 0 : i64, tpu.core_type = #tpu.core_type<tc>, window_params = [{transform_indices = @transform_0, window_bounds = array<i64: 256, 128>}, {transform_indices = @transform_1, window_bounds = array<i64: 256, 128>}, {transform_indices = @transform_2, window_bounds = array<i64: 256, 1>}, {pipeline_mode = #tpu.pipeline_mode<synchronous>, transform_indices = @transform_3, window_bounds = array<i64: 128, 128>}, {pipeline_mode = #tpu.pipeline_mode<synchronous>, transform_indices = @transform_4, window_bounds = array<i64: 1, 128>}, {transform_indices = @transform_5, window_bounds = array<i64: 256, 128>}]} {
    %get3A = arith.constant 0 : index
    %get3A_0 = arith.constant 0 : index
    %get3A_1 = vector.load %arg1[%get3A, %get3A_0] : memref<256x128xf32, #tpu.memory_space<vmem>>, vector<256x128xf32>
    %get3A_2 = arith.constant 0 : index
    %get3A_3 = arith.constant 0 : index
    %get3A_4 = vector.load %arg2[%get3A_2, %get3A_3] : memref<256x128xf32, #tpu.memory_space<vmem>>, vector<256x128xf32>
    %add3A = arith.addf %get3A_1, %get3A_4 : vector<256x128xf32>
    %get3A_5 = arith.constant 0 : index
    %get3A_6 = arith.constant 0 : index
    %get3A_7 = vector.load %arg4[%get3A_5, %get3A_6] : memref<128x128xf32, #tpu.memory_space<vmem>>, vector<128x128xf32>
    %dot_general3A = arith.constant dense<0.000000e+00> : vector<256x128xf32>
    %dot_general3A_8 = tpu.matmul %add3A, %get3A_7, %dot_general3A {dimension_numbers = #tpu.dot_dimension_numbers<[1], [0], [0], [1], [0, 0, 1, 1], [], []>, transpose_lhs_hint = false} : vector<256x128xf32>, vector<128x128xf32>, vector<256x128xf32> -> vector<256x128xf32>
    %get3A_9 = arith.constant 0 : index
    %get3A_10 = arith.constant 0 : index
    %get3A_11 = vector.load %arg3[%get3A_9, %get3A_10] : memref<256x1xf32, #tpu.memory_space<vmem>>, vector<256x1xf32>
    %mul3A = vector.broadcast %get3A_11 : vector<256x1xf32> to vector<256x128xf32>
    %mul3A_12 = arith.mulf %mul3A, %dot_general3A_8 : vector<256x128xf32>
    %get3A_13 = arith.constant 0 : index
    %get3A_14 = arith.constant 0 : index
    %get3A_15 = vector.load %arg5[%get3A_13, %get3A_14] : memref<1x128xf32, #tpu.memory_space<vmem>>, vector<1x128xf32>
    %add3A_16 = vector.broadcast %get3A_15 : vector<1x128xf32> to vector<256x128xf32>
    %add3A_17 = arith.addf %mul3A_12, %add3A_16 : vector<256x128xf32>
    %max3A = arith.constant 0.000000e+00 : f32
    %max3A_18 = vector.broadcast %max3A : f32 to vector<256x128xf32>
    %max3A_19 = arith.maximumf %add3A_17, %max3A_18 : vector<256x128xf32>
    %mul3A_20 = vector.broadcast %get3A_11 : vector<256x1xf32> to vector<256x128xf32>
    %mul3A_21 = arith.mulf %mul3A_20, %max3A_19 : vector<256x128xf32>
    %swap3A = arith.constant 0 : index
    %swap3A_22 = arith.constant 0 : index
    %swap3A_23 = vector.load %arg6[%swap3A, %swap3A_22] : memref<256x128xf32, #tpu.memory_space<vmem>>, vector<256x128xf32>
    tpu.vector_store %arg6[%swap3A, %swap3A_22], %mul3A_21 {strides = array<i32>} : memref<256x128xf32, #tpu.memory_space<vmem>>, vector<256x128xf32>,
    return
  }
  func.func @transform_0(%arg0: i32) -> (i32, i32) {
    %c0_i32 = arith.constant 0 : i32
    %c0_i32_0 = arith.constant 0 : i32
    return %arg0, %c0_i32 : i32, i32
  }
  func.func @transform_1(%arg0: i32) -> (i32, i32) {
    %c0_i32 = arith.constant 0 : i32
    %c0_i32_0 = arith.constant 0 : i32
    return %arg0, %c0_i32 : i32, i32
  }
  func.func @transform_2(%arg0: i32) -> (i32, i32) {
    %c0_i32 = arith.constant 0 : i32
    %c0_i32_0 = arith.constant 0 : i32
    return %arg0, %c0_i32 : i32, i32
  }
  func.func @transform_3(%arg0: i32) -> (i32, i32) {
    %c0_i32 = arith.constant 0 : i32
    %c0_i32_0 = arith.constant 0 : i32
    %c0_i32_1 = arith.constant 0 : i32
    return %c0_i32, %c0_i32_0 : i32, i32
  }
  func.func @transform_4(%arg0: i32) -> (i32, i32) {
    %c0_i32 = arith.constant 0 : i32
    %c0_i32_0 = arith.constant 0 : i32
    %c0_i32_1 = arith.constant 0 : i32
    return %c0_i32, %c0_i32_0 : i32, i32
  }
  func.func @transform_5(%arg0: i32) -> (i32, i32) {
    %c0_i32 = arith.constant 0 : i32
    %c0_i32_0 = arith.constant 0 : i32
    return %arg0, %c0_i32 : i32, i32
  }
}

module attributes {stable_mosaic.version = 14 : i64} {
  func.func @_l2_body(%arg0: i32, %arg1: memref<256x128xf32, #tpu.memory_space<vmem>>, %arg2: memref<256x128xf32, #tpu.memory_space<vmem>>, %arg3: memref<256x1xf32, #tpu.memory_space<vmem>>, %arg4: memref<128x128xf32, #tpu.memory_space<vmem>>, %arg5: memref<1x128xf32, #tpu.memory_space<vmem>>, %arg6: memref<128x64xf32, #tpu.memory_space<vmem>>, %arg7: memref<1x64xf32, #tpu.memory_space<vmem>>, %arg8: memref<256x64xf32, #tpu.memory_space<vmem>>) attributes {dimension_semantics = [#tpu.dimension_semantics<arbitrary>], iteration_bounds = array<i64: 40>, scalar_prefetch = 0 : i64, scratch_operands = 0 : i64, tpu.core_type = #tpu.core_type<tc>, window_params = [{transform_indices = @transform_0, window_bounds = array<i64: 256, 128>}, {transform_indices = @transform_1, window_bounds = array<i64: 256, 128>}, {transform_indices = @transform_2, window_bounds = array<i64: 256, 1>}, {pipeline_mode = #tpu.pipeline_mode<synchronous>, transform_indices = @transform_3, window_bounds = array<i64: 128, 128>}, {pipeline_mode = #tpu.pipeline_mode<synchronous>, transform_indices = @transform_4, window_bounds = array<i64: 1, 128>}, {pipeline_mode = #tpu.pipeline_mode<synchronous>, transform_indices = @transform_5, window_bounds = array<i64: 128, 64>}, {pipeline_mode = #tpu.pipeline_mode<synchronous>, transform_indices = @transform_6, window_bounds = array<i64: 1, 64>}, {transform_indices = @transform_7, window_bounds = array<i64: 256, 64>}]} {
    %get3A = arith.constant 0 : index
    %get3A_0 = arith.constant 0 : index
    %get3A_1 = vector.load %arg3[%get3A, %get3A_0] : memref<256x1xf32, #tpu.memory_space<vmem>>, vector<256x1xf32>
    %get3A_2 = arith.constant 0 : index
    %get3A_3 = arith.constant 0 : index
    %get3A_4 = vector.load %arg1[%get3A_2, %get3A_3] : memref<256x128xf32, #tpu.memory_space<vmem>>, vector<256x128xf32>
    %get3A_5 = arith.constant 0 : index
    %get3A_6 = arith.constant 0 : index
    %get3A_7 = vector.load %arg2[%get3A_5, %get3A_6] : memref<256x128xf32, #tpu.memory_space<vmem>>, vector<256x128xf32>
    %add3A = arith.addf %get3A_4, %get3A_7 : vector<256x128xf32>
    %mul3A = vector.broadcast %get3A_1 : vector<256x1xf32> to vector<256x128xf32>
    %mul3A_8 = arith.mulf %mul3A, %add3A : vector<256x128xf32>
    %get3A_9 = arith.constant 0 : index
    %get3A_10 = arith.constant 0 : index
    %get3A_11 = vector.load %arg4[%get3A_9, %get3A_10] : memref<128x128xf32, #tpu.memory_space<vmem>>, vector<128x128xf32>
    %dot_general3A = arith.constant dense<0.000000e+00> : vector<256x128xf32>
    %dot_general3A_12 = tpu.matmul %mul3A_8, %get3A_11, %dot_general3A {dimension_numbers = #tpu.dot_dimension_numbers<[1], [0], [0], [1], [0, 0, 1, 1], [], []>, transpose_lhs_hint = false} : vector<256x128xf32>, vector<128x128xf32>, vector<256x128xf32> -> vector<256x128xf32>
    %get3A_13 = arith.constant 0 : index
    %get3A_14 = arith.constant 0 : index
    %get3A_15 = vector.load %arg5[%get3A_13, %get3A_14] : memref<1x128xf32, #tpu.memory_space<vmem>>, vector<1x128xf32>
    %add3A_16 = vector.broadcast %get3A_15 : vector<1x128xf32> to vector<256x128xf32>
    %add3A_17 = arith.addf %dot_general3A_12, %add3A_16 : vector<256x128xf32>
    %max3A = arith.constant 0.000000e+00 : f32
    %max3A_18 = vector.broadcast %max3A : f32 to vector<256x128xf32>
    %max3A_19 = arith.maximumf %add3A_17, %max3A_18 : vector<256x128xf32>
    %get3A_20 = arith.constant 0 : index
    %get3A_21 = arith.constant 0 : index
    %get3A_22 = vector.load %arg6[%get3A_20, %get3A_21] : memref<128x64xf32, #tpu.memory_space<vmem>>, vector<128x64xf32>
    %dot_general3A_23 = arith.constant dense<0.000000e+00> : vector<256x64xf32>
    %dot_general3A_24 = tpu.matmul %max3A_19, %get3A_22, %dot_general3A_23 {dimension_numbers = #tpu.dot_dimension_numbers<[1], [0], [0], [1], [0, 0, 1, 1], [], []>, transpose_lhs_hint = false} : vector<256x128xf32>, vector<128x64xf32>, vector<256x64xf32> -> vector<256x64xf32>
    %get3A_25 = arith.constant 0 : index
    %get3A_26 = arith.constant 0 : index
    %get3A_27 = vector.load %arg7[%get3A_25, %get3A_26] : memref<1x64xf32, #tpu.memory_space<vmem>>, vector<1x64xf32>
    %add3A_28 = vector.broadcast %get3A_27 : vector<1x64xf32> to vector<256x64xf32>
    %add3A_29 = arith.addf %dot_general3A_24, %add3A_28 : vector<256x64xf32>
    %swap3A = arith.constant 0 : index
    %swap3A_30 = arith.constant 0 : index
    %swap3A_31 = vector.load %arg8[%swap3A, %swap3A_30] : memref<256x64xf32, #tpu.memory_space<vmem>>, vector<256x64xf32>
    tpu.vector_store %arg8[%swap3A, %swap3A_30], %add3A_29 {strides = array<i32>} : memref<256x64xf32, #tpu.memory_space<vmem>>, vector<256x64xf32>,
    return
  }
  func.func @transform_0(%arg0: i32) -> (i32, i32) {
    %c0_i32 = arith.constant 0 : i32
    %c0_i32_0 = arith.constant 0 : i32
    return %arg0, %c0_i32 : i32, i32
  }
  func.func @transform_1(%arg0: i32) -> (i32, i32) {
    %c0_i32 = arith.constant 0 : i32
    %c0_i32_0 = arith.constant 0 : i32
    return %arg0, %c0_i32 : i32, i32
  }
  func.func @transform_2(%arg0: i32) -> (i32, i32) {
    %c0_i32 = arith.constant 0 : i32
    %c0_i32_0 = arith.constant 0 : i32
    return %arg0, %c0_i32 : i32, i32
  }
  func.func @transform_3(%arg0: i32) -> (i32, i32) {
    %c0_i32 = arith.constant 0 : i32
    %c0_i32_0 = arith.constant 0 : i32
    %c0_i32_1 = arith.constant 0 : i32
    return %c0_i32, %c0_i32_0 : i32, i32
  }
  func.func @transform_4(%arg0: i32) -> (i32, i32) {
    %c0_i32 = arith.constant 0 : i32
    %c0_i32_0 = arith.constant 0 : i32
    %c0_i32_1 = arith.constant 0 : i32
    return %c0_i32, %c0_i32_0 : i32, i32
  }
  func.func @transform_5(%arg0: i32) -> (i32, i32) {
    %c0_i32 = arith.constant 0 : i32
    %c0_i32_0 = arith.constant 0 : i32
    %c0_i32_1 = arith.constant 0 : i32
    return %c0_i32, %c0_i32_0 : i32, i32
  }
  func.func @transform_6(%arg0: i32) -> (i32, i32) {
    %c0_i32 = arith.constant 0 : i32
    %c0_i32_0 = arith.constant 0 : i32
    %c0_i32_1 = arith.constant 0 : i32
    return %c0_i32, %c0_i32_0 : i32, i32
  }
  func.func @transform_7(%arg0: i32) -> (i32, i32) {
    %c0_i32 = arith.constant 0 : i32
    %c0_i32_0 = arith.constant 0 : i32
    return %arg0, %c0_i32 : i32, i32
  }
}

</mosaic_0001>

<sc_bundles>
// kernel: kernel.11.cloned.1.call-start
scs
__scs_entry_jumppad:
0x0: {  	(pc) =	sbr.rel $0x88, $3  }
0x1: {  	(tag) =	ssettag $0x0;
	lr =	simm.s32 $0x1  }
0x2: {  	[smem:$0x3F99] =	sst lr;
	_ =	strace $0xD0000000  }
0x3: {  	_ = 	snop  }
0x4: {  	_ = 	snop  }
0x5: {  	_ = 	snop  }
0x6: {  	_ = 	snop  }
0x7: {  	_ = 	snop  }
__scs_overlays_trampoline_lowered:
0x8: {  	[smem:$0x3FA8] =	sst s0  }
0x9: {  	[smem:$0x3FA9] =	sst s1  }
0xa: {  	[smem:$0x3FAA] =	sst s2  }
0xb: {  	[smem:$0x3FAB] =	sst s3  }
0xc: {  	[smem:$0x3FAC] =	sst s4  }
0xd: {  	[smem:$0x3FAD] =	sst s5  }
0xe: {  	[smem:$0x3FAE] =	sst s6  }
0xf: {  	[smem:$0x3FAF] =	sst s7  }
0x10: {  	[smem:$0x3FB0] =	sst s8  }
0x11: {  	[smem:$0x3FB1] =	sst s9;
	s0 =	simm.s32 @!p0 $0x0  }
0x12: {  	s1 =	sld [smem:$0x3F97];
	s0 =	simm.s32 @p0 $0x1  }
0x13: {  	[smem:$0x3FB2] =	sst s0;
	s0 =	simm.s32 @!p1 $0x0  }
0x14: {  	s2 =	sld [smem:$0x3F96];
	s0 =	simm.s32 @p1 $0x1  }
0x15: {  	[smem:$0x3FB3] =	sst s0;
	s0 =	simm.s32 @!p2 $0x0  }
0x16: {  	s3 =	sld [smem:$0x3FDB];
	s0 =	simm.s32 @p2 $0x1  }
0x17: {  	s4 =	simm.s32 $0x1BF5;
	[smem:$0x3FB5] =	sst s0  }
0x18: {  	s0 =	sld [smem:$0x3F98];
	_ =	swait.ge [sflag:s4], $0x0  }
0x19: {  	s7 =	sld [smem:$0x3F99]  }
0x1a: {  	s8 =	sadd.s32 $0xFFFFE003, lr  }
0x1b: {  	s9 =	sadd.s32 $0xFFFFFEF7, lr;
	s5 =	simm.s32 $0xFFFFFFFF;
	p2 =	slt.u32 s8, $0xFFFFF086  }
0x1c: {  	p1 =	slt.u32 s9, $0xF7A;
	s5 =	simm.s32 @!p2 $0x0  }
0x1d: {  	s5 =	simm.s32 @p1 $0x1;
	p0 =	seq.s32 s7, s2  }
0x1e: {  	s7 =	smul.u32 @!p0 $0xF7A, s2;
	p2 =	seq.s32 @!p0 s5, $0x0  }
0x1f: {  	s9 =	smul.u32 $0xF7A, s1;
	s8 =	simm.s32 @!p0 $0x1BF5;
	p2 =	por !p2, p0  }
0x20: {  	[sflag:s8] =	ssyncset.s32 @!p0 $0xFFFFF086;
	s6 =	sadd.s32 @!p0 s3, s7;
	s7 =	simm.s32 @!p0 $0x108  }
0x21: {  	s3 =	sadd.s32 s3, s9;
	s6 =	sadd.s32 @!p0 $0x88, s6;
	s7 =	simm.s32 @p2 $0x1082  }
0x22: {  	[simem:s7], [sflag:s8] =	dma.local @!p0 [hbm:s6], $0xF7A  }
0x23: {  	s9 =	sor.u32 $0xD0000000, s2;
	s6 =	simm.s32 $0x108;
	_ =	swait.ge @!p0 [sflag:s8], $0x0  }
0x24: {  	s3 =	sadd.s32 $0x88, s3;
	s6 =	simm.s32 @!p1 $0x1082;
	[sflag:s4] =	ssyncset.s32 $0xFFFFF086  }
0x25: {  	[simem:s6], [sflag:s4] =	dma.local [hbm:s3], $0xF7A  }
0x26: {  	[smem:$0x3F99] =	sst s1;
	(tag) =	ssettag s2;
	_ =	strace s9  }
0x27: {  	s1 =	sld [smem:$0x3FA9]  }
0x28: {  	s2 =	sld [smem:$0x3FAA]  }
0x29: {  	s4 =	sld [smem:$0x3FAC]  }
0x2a: {  	p0 =	seq.s32 s5, $0x0;
	s5 =	sld [smem:$0x3FAD]  }
0x2b: {  	s6 =	sld [smem:$0x3FAE]  }
0x2c: {  	s7 =	sld [smem:$0x3FAF]  }
0x2d: {  	s3 =	simm.s32 $0x108;
	s8 =	sld [smem:$0x3FB0]  }
0x2e: {  	s3 =	simm.s32 @!p0 $0x1082;
	s9 =	sld [smem:$0x3FB1]  }
0x2f: {  	lr =	sadd.s32 s0, s3;
	s0 =	sld [smem:$0x3FA8]  }
0x30: {  	s3 =	sld [smem:$0x3FAB]  }
0x31: {  	[smem:$0x3FB4] =	sst s10  }
0x32: {  	s10 =	sld [smem:$0x3FB2];
	_ =	sdelay $0x3  }
0x33: {  	p0 =	seq.s32 s10, $0x1;
	s10 =	sld [smem:$0x3FB4];
	_ =	sdelay $0x3  }
0x34: {  	[smem:$0x3FB4] =	sst s10  }
0x35: {  	s10 =	sld [smem:$0x3FB3];
	_ =	sdelay $0x3  }
0x36: {  	p1 =	seq.s32 s10, $0x1;
	s10 =	sld [smem:$0x3FB4];
	_ =	sdelay $0x3  }
0x37: {  	[smem:$0x3FB4] =	sst s10  }
0x38: {  	s10 =	sld [smem:$0x3FB5]  }
0x39: {  	_ = 	snop;
	(pc) =	sbr.ind lr, $3  }
0x3a: {  	_ = 	snop  }
0x3b: {  	_ = 	snop  }
0x3c: {  	p2 =	seq.s32 s10, $0x1;
	s10 =	sld [smem:$0x3FB4]  }
0x3d: {  	_ =	shalt  }
0x3e: {  	_ =	shalt  }
0x3f: {  	_ =	shalt  }
0x40: {  	_ =	shalt  }
0x41: {  	_ =	shalt  }
0x42: {  	_ =	shalt  }
0x43: {  	_ =	shalt  }
0x44: {  	_ =	shalt  }
0x45: {  	_ =	shalt  }
0x46: {  	_ =	shalt  }
0x47: {  	_ =	shalt  }
0x48: {  	_ =	shalt  }
0x49: {  	_ =	shalt  }
0x4a: {  	_ =	shalt  }
0x4b: {  	_ =	shalt  }
0x4c: {  	_ =	shalt  }
0x4d: {  	_ =	shalt  }
0x4e: {  	_ =	shalt  }
0x4f: {  	_ =	shalt  }
0x50: {  	_ =	shalt  }
0x51: {  	_ =	shalt  }
0x52: {  	_ =	shalt  }
0x53: {  	_ =	shalt  }
0x54: {  	_ =	shalt  }
0x55: {  	_ =	shalt  }
0x56: {  	_ =	shalt  }
0x57: {  	_ =	shalt  }
0x58: {  	_ =	shalt  }
0x59: {  	_ =	shalt  }
0x5a: {  	_ =	shalt  }
0x5b: {  	_ =	shalt  }
0x5c: {  	_ =	shalt  }
0x5d: {  	_ =	shalt  }
0x5e: {  	_ =	shalt  }
0x5f: {  	_ =	shalt  }
0x60: {  	_ =	shalt  }
0x61: {  	_ =	shalt  }
0x62: {  	_ =	shalt  }
0x63: {  	_ =	shalt  }
0x64: {  	_ =	shalt  }
0x65: {  	_ =	shalt  }
0x66: {  	_ =	shalt  }
0x67: {  	_ =	shalt  }
0x68: {  	_ =	shalt  }
0x69: {  	_ =	shalt  }
0x6a: {  	_ =	shalt  }
0x6b: {  	_ =	shalt  }
0x6c: {  	_ =	shalt  }
0x6d: {  	_ =	shalt  }
0x6e: {  	_ =	shalt  }
0x6f: {  	_ =	shalt  }
0x70: {  	_ =	shalt  }
0x71: {  	_ =	shalt  }
0x72: {  	_ =	shalt  }
0x73: {  	_ =	shalt  }
0x74: {  	_ =	shalt  }
0x75: {  	_ =	shalt  }
0x76: {  	_ =	shalt  }
0x77: {  	_ =	shalt  }
0x78: {  	_ =	shalt  }
0x79: {  	_ =	shalt  }
0x7a: {  	_ =	shalt  }
0x7b: {  	_ =	shalt  }
0x7c: {  	_ =	shalt  }
0x7d: {  	_ =	shalt  }
0x7e: {  	_ =	shalt  }
0x7f: {  	_ =	shalt  }
0x80: {  	_ =	shalt  }
0x81: {  	_ =	shalt  }
0x82: {  	_ =	shalt  }
0x83: {  	_ =	shalt  }
0x84: {  	_ =	shalt  }
0x85: {  	_ =	shalt  }
0x86: {  	_ =	shalt  }
0x87: {  	_ =	shalt  }
.Lfunc_end0:
.L_simem_size_0:
called_computation.1_lowered:
.L_overlay_start_0:
0x88: {  	s2 =	sld [smem:$0x3FD9]  }
0x89: {  	s3 =	sld [smem:$0x3FFE];
	_ =	sdelay $0x1  }
0x8a: {  	s1 =	srdreg.scid  }
0x8b: {  	s0 =	sand.u32 $0x1, s1  }
0x8c: {  	s16 =	sshll.u32 s0, $0xA;
	s2 =	sadd.s32 s3, s2  }
0x8d: {  	s2 =	sadd.s32 s2, s16  }
0x8e: {  	[smem:$0x3FC0] =	sst s2  }
0x8f: {  	_ = 	snop  }
0x90: {  	(tm) =	ssettm $0x1  }
0x91: {  	s17 =	sld [smem:$0x3FFB];
	_ =	sdelay $0x3  }
0x92: {  	_ =	strace s17  }
0x93: {  	s2 =	sld [smem:$0x3FFC];
	_ =	sdelay $0x3  }
0x94: {  	_ =	strace s2  }
0x95: {  	s2 =	sld [smem:$0x3FFD];
	_ =	sdelay $0x3  }
0x96: {  	_ =	strace s2  }
0x97: {  	_ =	strace $0x8FFFFFFF  }
0x98: {  	s18 =	sld [smem:$0x3FDB];
	_ =	sdelay $0x1  }
0x99: {  	s19 =	simm.s32 $_scs_section_size  }
0x9a: {  	s4 =	simm.s32 $_size__tile_overlayer_lowered;
	s5 =	simm.s32 $_tile_overlayer_lowered  }
0x9b: {  	s22 =	simm.s32 $0x1BFF;
	s21 =	sshll.u32 s5, $0x1;
	s2 =	sadd.s32 s19, s18  }
0x9c: {  	s6 =	simm.s32 $0x0;
	s20 =	sshll.u32 s4, $0x1;
	s4 =	sadd.s32 s21, s2  }
0x9d: {  	[timem:s6], [sflag:s22] =	dma.local [hbm:s4], s20  }
0x9e: {  	_ =	swait.ge [sflag:s22], s20  }
0x9f: {  	s3 =	ssub.s32 $0x0, s20;
	[sflag:s22] =	ssyncset.done $0x0  }
0xa0: {  	[sflag:s22] =	ssyncadd.s32 s3;
	_ =	sdelay $0x1  }
0xa1: {  	s23 =	simm.s32 $0x1B8B  }
0xa2: {  	_ =	swait.ge [sflag:s23], $0x1  }
0xa3: {  	[sflag:s23] =	ssyncset.done $0x0  }
0xa4: {  	s25 =	simm.s32 $0x1B8E;
	s24 =	sld [smem:$0x3FFE];
	[sflag:s23] =	ssyncadd.s32 $0xFFFFFFFF  }
0xa5: {  	s26 =	simm.s32 $execute0_lowered;
	[smem:$0x3FD2] =	sst s25  }
0xa6: {  	s4 =	sshll.u32 s26, $0x1;
	_ =	strace $0x80000049;
	[dreg:$0x1] =	wrdreg $0xFFFFFFFF  }
0xa7: {  	s28 =	simm.s32 $_size_execute0_lowered;
	s2 =	sadd.s32 s2, s4;
	[dreg:$0x0] =	wrdreg $0x0  }
0xa8: {  	s4 =	sshll.u32 s28, $0x1;
	[dreg:$0x2] =	wrdreg s2  }
0xa9: {  	[dreg:$0x3] =	wrdreg s4  }
0xaa: {  	[dreg:$0x4] =	wrdreg $0xC0  }
0xab: {  	_ =	task [dreg:s6], $0x5FFFF  }
0xac: {  	[dreg:$0x1] =	wrdreg $0xFFFFFFFF  }
0xad: {  	[dreg:$0x0] =	wrdreg $0x60  }
0xae: {  	[dreg:$0x2] =	wrdreg s24  }
0xaf: {  	[dreg:$0x3] =	wrdreg $0xB5000  }
0xb0: {  	[dreg:$0x4] =	wrdreg $0x9  }
0xb1: {  	_ =	task.clear_ibuf [dreg:s6], $0x5FFFF;
	_ =	strace $0x90000049  }
0xb2: {  	s29 =	simm.s32 $0x9;
	_ =	strace $0x8000004B  }
0xb3: {  	_ =	swait.ge [sflag:s29], $0x1  }
0xb4: {  	[sflag:s29] =	ssyncadd.s32 $0xFFFFFFFF  }
0xb5: {  	_ =	strace $0x9000004B  }
0xb6: {  	_ =	sfence  }
0xb7: {  	s30 =	sld [smem:$0x0];
	_ =	sdelay $0x2  }
0xb8: {  	s31 =	sshll.u32 s1, $0xD;
	s1 =	sshrl.u32 s1, $0x2  }
0xb9: {  	s3 =	sand.u32 $0x4000, s31;
	s1 =	sadd.s32 s1, s30  }
0xba: {  	s0 =	sor.u32 s3, s0;
	s1 =	sshll.u32 s1, $0x11  }
0xbb: {  	s0 =	sor.u32 s1, s0  }
0xbc: {  	s0 =	sadd.s32 $0x8F2B, s0  }
0xbd: {  	[sflag:s0] =	ssyncadd.remote.s32 $0x1  }
0xbe: {  	_ =	sfence.sel $0xFFFF  }
0xbf: {  	[dreg:$0x0] =	wrdreg $0xFFFFFFFF;
	(pc) =	sbr.abs _section_cstart, $3  }
0xc0: {  	[dreg:$0x1] =	wrdreg $0xFFFFFFFF  }
0xc1: {  	_ =	task.clear_ibuf [dreg:s6], $0x2FFFF;
	_ =	strace $0x9FFFFFFF  }
0xc2: {  	(tm) =	ssettm $0x7FFFFFFF  }
0xc3: {  	_ =	shalt  }
tec
execute0_lowered:
.L_overlay_start_1:
0x0: {  	(tag) =	ssettag $0x1  }
0x1: {  	s0 =	rddreg [dreg:$0x0]  }
0x2: {  	s1 =	rddreg [dreg:$0x1];
	s2 =	simm.s32 $0x0  }
0x3: {  	s4 =	srdreg.scid;
	s8 =	stileid.u32;
	s9 =	simm.s32 $0x8500  }
0x4: {  	s10 =	simm.s32 $0x7500;
	s11 =	simm.s32 $0x7580;
	s28 =	simm.s32 $0x8800  }
0x5: {  	s29 =	simm.s32 $0x7800;
	s30 =	simm.s32 $0x1;
	s31 =	simm.s32 $0x2  }
0x6: {  	[smem:$0x7FF] =	sst s2;
	s12 =	sadd.s32 $0x17200, s0;
	s3 =	sadd.s32 $0x2000, s0  }
0x7: {  	s5 =	sadd.s32 $0x21A00, s0;
	s4 =	sand.u32 $0x1, s4;
	s13 =	smul.u32 $0x28000, s8  }
0x8: {  	s6 =	sadd.s32 $0x21400, s0;
	s7 =	sshll.u32 s8, $0x1;
	s16 =	smul.u32 $0x50000, s8  }
0x9: {  	s8 =	simm.s32 $0x7480;
	_ =	strace $0x8000004A;
	[dreg:$0x3] =	wrdreg s5  }
0xa: {  	[dreg:$0x4] =	wrdreg s6;
	s14 =	sshll.u32 s4, $0x7;
	s15 =	sor.u32 s4, s7  }
0xb: {  	s4 =	ssub.s32 $0x2, s4;
	s5 =	sor.u32 s14, s13;
	s17 =	smul.u32 $0x2880, s15  }
0xc: {  	s18 =	sshrl.u32 s4, $0x1;
	s19 =	sshrl.u32 s16, $0x2;
	s15 =	simm.s32 $0x1B00  }
0xd: {  	s16 =	simm.s32 $0x3;
	s13 =	simm.s32 $0x7680;
	s14 =	simm.s32 $0x7700  }
0xe: {  	s5 =	sshrl.u32 s5, $0x3;
	s4 =	ssub.s32 s4, s18;
	s6 =	sadd.s32 s19, s1  }
0xf: {  	s18 =	simm.s32 $0xAB00;
	s19 =	simm.s32 $0xD80;
	s0 =	sadd.s32 s5, s0  }
0x10: {  	s20 =	sshrl.u32 s17, $0x3;
	s26 =	smax.u32 s4, $0x1;
	s17 =	simm.s32 $0x4300  }
0x11: {  	s21 =	sadd.s32 s12, s20;
	s22 =	sadd.s32 s3, s20;
	[dreg:$0xc] =	wrdreg s26  }
0x12: {  	s23 =	sadd.s32 $0x1B0, s20;
	s5 =	sadd.s32 $0x360, s20;
	[dreg:$0x5] =	wrdreg s21  }
0x13: {  	s0 =	sadd.s32 $0x22000, s0;
	s20 =	simm.s32 $0x80;
	[dreg:$0x6] =	wrdreg s22  }
0x14: {  	s26 =	simm.s32 $0x7780;
	s24 =	sadd.s32 s12, s23;
	[dreg:$0xb] =	wrdreg s0  }
0x15: {  	s7 =	sadd.s32 s3, s23;
	s2 =	sadd.s32 s12, s5;
	[dreg:$0x7] =	wrdreg s24  }
0x16: {  	s25 =	sadd.s32 s3, s5;
	s21 =	simm.s32 $0x8580;
	[dreg:$0x8] =	wrdreg s7  }
0x17: {  	s22 =	simm.s32 $0x8600;
	s12 =	simm.s32 $0x7600;
	[dreg:$0x9] =	wrdreg s2  }
0x18: {  	s23 =	simm.s32 $0x8680;
	s0 =	simm.s32 $0x0;
	[dreg:$0xa] =	wrdreg s25  }
0x19: {  	v0 =	vimm.f32 $0.0e+00;
	s24 =	simm.s32 $0x8700;
	s25 =	simm.s32 $0x8780;
	s7 =	simm.s32 $0x10  }
.LBB2_1:
0x1a: {  	s2 =	simm.s32 $0x0;
	s3 =	rddreg [dreg:$0x3]  }
0x1b: {  	[tilespmem:s15], [sflag:$0x3] =	stream.linear.gather [hbm4b:s3+s2], $0x2800, $0x38;
	[tilespmem:$0x1F500] =	vst v63  }
0x1c: {  	_ =	swait.ge [sflag:s16], $0x2800  }
0x1d: {  	[sflag:s16] =	ssyncset.done $0x0  }
0x1e: {  	s5 =	rddreg [dreg:$0x4];
	[sflag:s16] =	ssyncadd.s32 $0xFFFFD800  }
0x1f: {  	[tilespmem:s17], [sflag:$0x3] =	stream.linear.gather [hbm4b:s5+s2], $0x2800, $0x38;
	[tilespmem:$0x1F500] =	vst v63  }
0x20: {  	_ =	swait.ge [sflag:s16], $0x2800  }
0x21: {  	[sflag:s16] =	ssyncset.done $0x0  }
0x22: {  	s2 =	simm.s32 $0x0;
	[sflag:s16] =	ssyncadd.s32 $0xFFFFD800  }
.LBB2_2:
0x23: {  	p0 =	sne.s32 s2, $0x27C0  }
.Ltmp0:
0x24: {  	_ = 	snop;
	(pc) =	sbr.rel @p0 .LBB2_2-.Ltmp0, $3  }
0x25: {  	_ =	sdelay $0x1  }
0x26: {  	s3 =	sshra.s32 s2, $0x2  }
0x27: {  	s2 =	sadd.s32 $0x40, s2;
	[tilespmem:s3+$0xAB00] =	vst v0  }
0x28: {  	s2 =	sadd.s32 $0x0, s6  }
0x29: {  	[spmem:s2] =	stream.linear.scatter [tilespmem:s18], [sflag:$0x3], $0xA00, $0x38;
	[tilespmem:$0x1F500] =	vst v63  }
0x2a: {  	s2 =	simm.s32 $0x2800;
	_ =	swait.ge [sflag:s16], $0xA00  }
.LBB2_4:
0x2b: {  	s3 =	sshra.s32 s2, $0x2;
	[sflag:s16] =	ssyncset.done $0x0;
	p0 =	sne.s32 s2, $0x4D800  }
.Ltmp1:
0x2c: {  	s3 =	sadd.s32 s3, s6;
	[sflag:s16] =	ssyncadd.s32 $0xFFFFF600;
	(pc) =	sbr.rel @p0 .LBB2_4-.Ltmp1, $3  }
0x2d: {  	[spmem:s3] =	stream.linear.scatter [tilespmem:s18], [sflag:$0x3], $0xA00, $0x38;
	[tilespmem:$0x1F500] =	vst v63  }
0x2e: {  	s2 =	sadd.s32 $0x2800, s2;
	_ =	sdelay $0x1  }
0x2f: {  	_ =	swait.ge [sflag:s16], $0xA00  }
0x30: {  	[sflag:s16] =	ssyncset.done $0x0  }
0x31: {  	[sflag:s16] =	ssyncadd.s32 $0xFFFFF600  }
0x32: {  	[bflag:$0x0] =	sbarrier.arrive $0xFFFF  }
0x33: {  	s2 =	simm.s32 $0x0;
	s3 =	rddreg [dreg:$0x5]  }
0x34: {  	[tilespmem:s2], [sflag:$0x3] =	stream.linear.gather [hbm4b:s3+s2], $0xD80, $0x38;
	[tilespmem:$0x1F500] =	vst v63  }
0x35: {  	_ =	swait.ge [sflag:s16], $0xD80  }
0x36: {  	[sflag:s16] =	ssyncset.done $0x0  }
0x37: {  	s5 =	rddreg [dreg:$0x6];
	[sflag:s16] =	ssyncadd.s32 $0xFFFFF280  }
0x38: {  	[tilespmem:s19], [sflag:$0x3] =	stream.linear.gather [hbm4b:s5+s2], $0xD80, $0x38;
	[tilespmem:$0x1F500] =	vst v63  }
0x39: {  	_ =	swait.ge [sflag:s16], $0xD80  }
0x3a: {  	[sflag:s16] =	ssyncset.done $0x0  }
0x3b: {  	s2 =	simm.s32 $0x0;
	[sflag:s16] =	ssyncadd.s32 $0xFFFFF280  }
0x3c: {  	v2 =	vld [tilespmem:s2+$0x0];
	_ =	sdelay $0x3  }
0x3d: {  	v3 =	vld [tilespmem:s2+$0xD80];
	_ =	sdelay $0x1  }
0x3e: {  	s3 =	simm.s32 $0x10  }
0x3f: {  	v1 =	vld [tilespmem:s3+$0x0]  }
0x40: {  	v4 =	vld.idx.msk [tilespmem:v2+s17+$0x0], $0xffff  }
0x41: {  	v5 =	vshll.u32 v3, $0x7;
	v3 =	vld [tilespmem:s3+$0xD80]  }
0x42: {  	v2 =	vld.idx.msk [tilespmem:v2+s15+$0x0], $0xffff;
	_ =	sdelay $0x2  }
0x43: {  	s4 =	simm.s32 $0x80;
	v5 =	vadd.s32 v5, v4;
	v4 =	vmov v1  }
.LBB2_6:
0x44: {  	p0 =	sne.s32 s4, $0x35C0;
	[tilespmem:s2+$0x7B00] =	vst v5;
	s5 =	smov.u32 s4;
	s4 =	sadd.s32 $0x40, s4  }
0x45: {  	[tilespmem:s2+$0x6B00] =	vst v2;
	v5 =	vmov v3;
	s2 =	smov.u32 s3  }
0x46: {  	s3 =	sshra.s32 s5, $0x2;
	v6 =	vld.idx.msk [tilespmem:v1+s17+$0x0], $0xffff  }
0x47: {  	v1 =	vld [tilespmem:s3+$0x0]  }
.Ltmp2:
0x48: {  	v2 =	vld.idx.msk [tilespmem:v4+s15+$0x0], $0xffff;
	(pc) =	sbr.rel @p0 .LBB2_6-.Ltmp2, $3  }
0x49: {  	v3 =	vld [tilespmem:s3+$0xD80];
	_ =	sdelay $0x1  }
0x4a: {  	v7 =	vshll.u32 v5, $0x7  }
0x4b: {  	v5 =	vadd.s32 v7, v6;
	v4 =	vmov v1  }
0x4c: {  	_ =	sdelay $0x1  }
0x4d: {  	[tilespmem:s2+$0x7B00] =	vst v5  }
0x4e: {  	[tilespmem:s2+$0x6B00] =	vst v2  }
0x4f: {  	v1 =	vld.idx.msk [tilespmem:v1+s17+$0x0], $0xffff  }
0x50: {  	v2 =	vld.idx.msk [tilespmem:v4+s15+$0x0], $0xffff;
	_ =	sdelay $0x3  }
0x51: {  	v3 =	vshll.u32 v3, $0x7  }
0x52: {  	v1 =	vadd.s32 v3, v1;
	[tilespmem:s3+$0x6B00] =	vst v2  }
0x53: {  	s4 =	simm.s32 $0x7B00;
	s5 =	simm.s32 $0x6B00;
	[tilespmem:s3+$0x7B00] =	vst v1  }
0x54: {  	[spmem:s1] =	stream.indirect.scatter.add.f32 [tilespmem:s5], [sflag:$0x1], $0x1, s4, s20, $0xb8;
	[tilespmem:$0x1F500] =	vst v63  }
0x55: {  	s4 =	simm.s32 $0x7B80;
	s5 =	simm.s32 $0x6B80  }
0x56: {  	[spmem:s1] =	stream.indirect.scatter.add.f32 [tilespmem:s5], [sflag:$0x1], $0x1, s4, s20, $0xb8;
	[tilespmem:$0x1F500] =	vst v63  }
0x57: {  	s4 =	simm.s32 $0x7C00;
	s5 =	simm.s32 $0x6C00  }
0x58: {  	[spmem:s1] =	stream.indirect.scatter.add.f32 [tilespmem:s5], [sflag:$0x1], $0x1, s4, s20, $0xb8;
	[tilespmem:$0x1F500] =	vst v63  }
0x59: {  	s4 =	simm.s32 $0x7C80;
	s5 =	simm.s32 $0x6C80  }
0x5a: {  	[spmem:s1] =	stream.indirect.scatter.add.f32 [tilespmem:s5], [sflag:$0x1], $0x1, s4, s20, $0xb8;
	[tilespmem:$0x1F500] =	vst v63  }
0x5b: {  	s4 =	simm.s32 $0x7D00;
	s5 =	simm.s32 $0x6D00  }
0x5c: {  	[spmem:s1] =	stream.indirect.scatter.add.f32 [tilespmem:s5], [sflag:$0x1], $0x1, s4, s20, $0xb8;
	[tilespmem:$0x1F500] =	vst v63  }
0x5d: {  	s4 =	simm.s32 $0x7D80;
	s5 =	simm.s32 $0x6D80  }
0x5e: {  	[spmem:s1] =	stream.indirect.scatter.add.f32 [tilespmem:s5], [sflag:$0x1], $0x1, s4, s20, $0xb8;
	[tilespmem:$0x1F500] =	vst v63  }
0x5f: {  	s4 =	simm.s32 $0x7E00;
	s5 =	simm.s32 $0x6E00  }
0x60: {  	[spmem:s1] =	stream.indirect.scatter.add.f32 [tilespmem:s5], [sflag:$0x1], $0x1, s4, s20, $0xb8;
	[tilespmem:$0x1F500] =	vst v63  }
0x61: {  	s4 =	simm.s32 $0x7E80;
	s5 =	simm.s32 $0x6E80  }
0x62: {  	[spmem:s1] =	stream.indirect.scatter.add.f32 [tilespmem:s5], [sflag:$0x1], $0x1, s4, s20, $0xb8;
	[tilespmem:$0x1F500] =	vst v63  }
0x63: {  	s4 =	simm.s32 $0x7F00;
	s5 =	simm.s32 $0x6F00  }
0x64: {  	[spmem:s1] =	stream.indirect.scatter.add.f32 [tilespmem:s5], [sflag:$0x1], $0x1, s4, s20, $0xb8;
	[tilespmem:$0x1F500] =	vst v63  }
0x65: {  	s4 =	simm.s32 $0x7F80;
	s5 =	simm.s32 $0x6F80  }
0x66: {  	[spmem:s1] =	stream.indirect.scatter.add.f32 [tilespmem:s5], [sflag:$0x1], $0x1, s4, s20, $0xb8;
	[tilespmem:$0x1F500] =	vst v63  }
0x67: {  	s4 =	simm.s32 $0x8000;
	s5 =	simm.s32 $0x7000  }
0x68: {  	[spmem:s1] =	stream.indirect.scatter.add.f32 [tilespmem:s5], [sflag:$0x1], $0x1, s4, s20, $0xb8;
	[tilespmem:$0x1F500] =	vst v63  }
0x69: {  	s4 =	simm.s32 $0x8080;
	s5 =	simm.s32 $0x7080  }
0x6a: {  	[spmem:s1] =	stream.indirect.scatter.add.f32 [tilespmem:s5], [sflag:$0x1], $0x1, s4, s20, $0xb8;
	[tilespmem:$0x1F500] =	vst v63  }
0x6b: {  	s4 =	simm.s32 $0x8100;
	s5 =	simm.s32 $0x7100  }
0x6c: {  	[spmem:s1] =	stream.indirect.scatter.add.f32 [tilespmem:s5], [sflag:$0x1], $0x1, s4, s20, $0xb8;
	[tilespmem:$0x1F500] =	vst v63  }
0x6d: {  	s4 =	simm.s32 $0x8180;
	s5 =	simm.s32 $0x7180  }
0x6e: {  	[spmem:s1] =	stream.indirect.scatter.add.f32 [tilespmem:s5], [sflag:$0x1], $0x1, s4, s20, $0xb8;
	[tilespmem:$0x1F500] =	vst v63  }
0x6f: {  	s4 =	simm.s32 $0x8200;
	s5 =	simm.s32 $0x7200  }
0x70: {  	[spmem:s1] =	stream.indirect.scatter.add.f32 [tilespmem:s5], [sflag:$0x1], $0x1, s4, s20, $0xb8;
	[tilespmem:$0x1F500] =	vst v63  }
0x71: {  	s4 =	simm.s32 $0x8280;
	s5 =	simm.s32 $0x7280  }
0x72: {  	[spmem:s1] =	stream.indirect.scatter.add.f32 [tilespmem:s5], [sflag:$0x1], $0x1, s4, s20, $0xb8;
	[tilespmem:$0x1F500] =	vst v63  }
0x73: {  	s4 =	simm.s32 $0x8300;
	s5 =	simm.s32 $0x7300  }
0x74: {  	[spmem:s1] =	stream.indirect.scatter.add.f32 [tilespmem:s5], [sflag:$0x1], $0x1, s4, s20, $0xb8;
	[tilespmem:$0x1F500] =	vst v63  }
0x75: {  	s4 =	simm.s32 $0x8380;
	s5 =	simm.s32 $0x7380  }
0x76: {  	[spmem:s1] =	stream.indirect.scatter.add.f32 [tilespmem:s5], [sflag:$0x1], $0x1, s4, s20, $0xb8;
	[tilespmem:$0x1F500] =	vst v63  }
0x77: {  	s4 =	simm.s32 $0x8400;
	s5 =	simm.s32 $0x7400  }
0x78: {  	[spmem:s1] =	stream.indirect.scatter.add.f32 [tilespmem:s5], [sflag:$0x1], $0x1, s4, s20, $0xb8;
	[tilespmem:$0x1F500] =	vst v63  }
0x79: {  	s3 =	simm.s32 $0x8480  }
0x7a: {  	[spmem:s1] =	stream.indirect.scatter.add.f32 [tilespmem:s8], [sflag:$0x1], $0x1, s3, s20, $0xb8;
	[tilespmem:$0x1F500] =	vst v63  }
0x7b: {  	_ = 	snop  }
0x7c: {  	[spmem:s1] =	stream.indirect.scatter.add.f32 [tilespmem:s10], [sflag:$0x1], $0x1, s9, s20, $0xb8;
	[tilespmem:$0x1F500] =	vst v63  }
0x7d: {  	_ = 	snop  }
0x7e: {  	[spmem:s1] =	stream.indirect.scatter.add.f32 [tilespmem:s11], [sflag:$0x1], $0x1, s21, s20, $0xb8;
	[tilespmem:$0x1F500] =	vst v63  }
0x7f: {  	_ = 	snop  }
0x80: {  	[spmem:s1] =	stream.indirect.scatter.add.f32 [tilespmem:s12], [sflag:$0x1], $0x1, s22, s20, $0xb8;
	[tilespmem:$0x1F500] =	vst v63  }
0x81: {  	_ = 	snop  }
0x82: {  	[spmem:s1] =	stream.indirect.scatter.add.f32 [tilespmem:s13], [sflag:$0x1], $0x1, s23, s20, $0xb8;
	[tilespmem:$0x1F500] =	vst v63  }
0x83: {  	_ = 	snop  }
0x84: {  	[spmem:s1] =	stream.indirect.scatter.add.f32 [tilespmem:s14], [sflag:$0x1], $0x1, s24, s20, $0xb8;
	[tilespmem:$0x1F500] =	vst v63  }
0x85: {  	_ = 	snop  }
0x86: {  	[spmem:s1] =	stream.indirect.scatter.add.f32 [tilespmem:s26], [sflag:$0x1], $0x1, s25, s20, $0xb8;
	[tilespmem:$0x1F500] =	vst v63  }
0x87: {  	_ = 	snop  }
0x88: {  	[spmem:s1] =	stream.indirect.scatter.add.f32 [tilespmem:s29], [sflag:$0x1], $0x1, s28, s20, $0xb8;
	[tilespmem:$0x1F500] =	vst v63  }
0x89: {  	s2 =	simm.s32 $0x0;
	s4 =	rddreg [dreg:$0x7]  }
0x8a: {  	[tilespmem:s2], [sflag:$0x3] =	stream.linear.gather [hbm4b:s4+s2], $0xD80, $0x38;
	[tilespmem:$0x1F500] =	vst v63  }
0x8b: {  	_ =	swait.ge [sflag:s16], $0xD80  }
0x8c: {  	[sflag:s16] =	ssyncset.done $0x0  }
0x8d: {  	s5 =	rddreg [dreg:$0x8];
	[sflag:s16] =	ssyncadd.s32 $0xFFFFF280  }
0x8e: {  	[tilespmem:s19], [sflag:$0x3] =	stream.linear.gather [hbm4b:s5+s2], $0xD80, $0x38;
	[tilespmem:$0x1F500] =	vst v63  }
0x8f: {  	_ =	swait.ge [sflag:s16], $0xD80  }
0x90: {  	[sflag:s16] =	ssyncset.done $0x0  }
0x91: {  	s2 =	simm.s32 $0x0;
	[sflag:s16] =	ssyncadd.s32 $0xFFFFF280  }
0x92: {  	v2 =	vld [tilespmem:s2+$0x0];
	_ =	sdelay $0x3  }
0x93: {  	v3 =	vld [tilespmem:s2+$0xD80];
	_ =	sdelay $0x1  }
0x94: {  	s3 =	simm.s32 $0x10  }
0x95: {  	v1 =	vld [tilespmem:s3+$0x0]  }
0x96: {  	v4 =	vld.idx.msk [tilespmem:v2+s17+$0x0], $0xffff  }
0x97: {  	v5 =	vshll.u32 v3, $0x7;
	v3 =	vld [tilespmem:s3+$0xD80]  }
0x98: {  	v2 =	vld.idx.msk [tilespmem:v2+s15+$0x0], $0xffff;
	_ =	sdelay $0x2  }
0x99: {  	s4 =	simm.s32 $0x80;
	v5 =	vadd.s32 v5, v4;
	v4 =	vmov v1  }
.LBB2_8:
0x9a: {  	p0 =	sne.s32 s4, $0x35C0;
	[tilespmem:s2+$0x9B00] =	vst v5;
	s5 =	smov.u32 s4;
	s4 =	sadd.s32 $0x40, s4  }
0x9b: {  	[tilespmem:s2+$0x8B00] =	vst v2;
	v5 =	vmov v3;
	s2 =	smov.u32 s3  }
0x9c: {  	s3 =	sshra.s32 s5, $0x2;
	v6 =	vld.idx.msk [tilespmem:v1+s17+$0x0], $0xffff  }
0x9d: {  	v1 =	vld [tilespmem:s3+$0x0]  }
.Ltmp3:
0x9e: {  	v2 =	vld.idx.msk [tilespmem:v4+s15+$0x0], $0xffff;
	(pc) =	sbr.rel @p0 .LBB2_8-.Ltmp3, $3  }
0x9f: {  	v3 =	vld [tilespmem:s3+$0xD80];
	_ =	sdelay $0x1  }
0xa0: {  	v7 =	vshll.u32 v5, $0x7  }
0xa1: {  	v5 =	vadd.s32 v7, v6;
	v4 =	vmov v1  }
0xa2: {  	_ =	sdelay $0x1  }
0xa3: {  	[tilespmem:s2+$0x9B00] =	vst v5  }
0xa4: {  	[tilespmem:s2+$0x8B00] =	vst v2  }
0xa5: {  	v1 =	vld.idx.msk [tilespmem:v1+s17+$0x0], $0xffff  }
0xa6: {  	v2 =	vld.idx.msk [tilespmem:v4+s15+$0x0], $0xffff;
	_ =	sdelay $0x3  }
0xa7: {  	v3 =	vshll.u32 v3, $0x7  }
0xa8: {  	v1 =	vadd.s32 v3, v1;
	[tilespmem:s3+$0x8B00] =	vst v2  }
0xa9: {  	s4 =	simm.s32 $0x9B00;
	s5 =	simm.s32 $0x8B00;
	[tilespmem:s3+$0x9B00] =	vst v1  }
0xaa: {  	[spmem:s1] =	stream.indirect.scatter.add.f32 [tilespmem:s5], [sflag:$0x2], $0x1, s4, s20, $0xb8;
	[tilespmem:$0x1F500] =	vst v63  }
0xab: {  	s4 =	simm.s32 $0x9B80;
	s5 =	simm.s32 $0x8B80  }
0xac: {  	[spmem:s1] =	stream.indirect.scatter.add.f32 [tilespmem:s5], [sflag:$0x2], $0x1, s4, s20, $0xb8;
	[tilespmem:$0x1F500] =	vst v63  }
0xad: {  	s4 =	simm.s32 $0x9C00;
	s5 =	simm.s32 $0x8C00  }
0xae: {  	[spmem:s1] =	stream.indirect.scatter.add.f32 [tilespmem:s5], [sflag:$0x2], $0x1, s4, s20, $0xb8;
	[tilespmem:$0x1F500] =	vst v63  }
0xaf: {  	s4 =	simm.s32 $0x9C80;
	s5 =	simm.s32 $0x8C80  }
0xb0: {  	[spmem:s1] =	stream.indirect.scatter.add.f32 [tilespmem:s5], [sflag:$0x2], $0x1, s4, s20, $0xb8;
	[tilespmem:$0x1F500] =	vst v63  }
0xb1: {  	s4 =	simm.s32 $0x9D00;
	s5 =	simm.s32 $0x8D00  }
0xb2: {  	[spmem:s1] =	stream.indirect.scatter.add.f32 [tilespmem:s5], [sflag:$0x2], $0x1, s4, s20, $0xb8;
	[tilespmem:$0x1F500] =	vst v63  }
0xb3: {  	s4 =	simm.s32 $0x9D80;
	s5 =	simm.s32 $0x8D80  }
0xb4: {  	[spmem:s1] =	stream.indirect.scatter.add.f32 [tilespmem:s5], [sflag:$0x2], $0x1, s4, s20, $0xb8;
	[tilespmem:$0x1F500] =	vst v63  }
0xb5: {  	s4 =	simm.s32 $0x9E00;
	s5 =	simm.s32 $0x8E00  }
0xb6: {  	[spmem:s1] =	stream.indirect.scatter.add.f32 [tilespmem:s5], [sflag:$0x2], $0x1, s4, s20, $0xb8;
	[tilespmem:$0x1F500] =	vst v63  }
0xb7: {  	s4 =	simm.s32 $0x9E80;
	s5 =	simm.s32 $0x8E80  }
0xb8: {  	[spmem:s1] =	stream.indirect.scatter.add.f32 [tilespmem:s5], [sflag:$0x2], $0x1, s4, s20, $0xb8;
	[tilespmem:$0x1F500] =	vst v63  }
0xb9: {  	s4 =	simm.s32 $0x9F00;
	s5 =	simm.s32 $0x8F00  }
0xba: {  	[spmem:s1] =	stream.indirect.scatter.add.f32 [tilespmem:s5], [sflag:$0x2], $0x1, s4, s20, $0xb8;
	[tilespmem:$0x1F500] =	vst v63  }
0xbb: {  	s4 =	simm.s32 $0x9F80;
	s5 =	simm.s32 $0x8F80  }
0xbc: {  	[spmem:s1] =	stream.indirect.scatter.add.f32 [tilespmem:s5], [sflag:$0x2], $0x1, s4, s20, $0xb8;
	[tilespmem:$0x1F500] =	vst v63  }
0xbd: {  	s4 =	simm.s32 $0xA000;
	s5 =	simm.s32 $0x9000  }
0xbe: {  	[spmem:s1] =	stream.indirect.scatter.add.f32 [tilespmem:s5], [sflag:$0x2], $0x1, s4, s20, $0xb8;
	[tilespmem:$0x1F500] =	vst v63  }
0xbf: {  	s4 =	simm.s32 $0xA080;
	s5 =	simm.s32 $0x9080  }
0xc0: {  	[spmem:s1] =	stream.indirect.scatter.add.f32 [tilespmem:s5], [sflag:$0x2], $0x1, s4, s20, $0xb8;
	[tilespmem:$0x1F500] =	vst v63  }
0xc1: {  	s4 =	simm.s32 $0xA100;
	s5 =	simm.s32 $0x9100  }
0xc2: {  	[spmem:s1] =	stream.indirect.scatter.add.f32 [tilespmem:s5], [sflag:$0x2], $0x1, s4, s20, $0xb8;
	[tilespmem:$0x1F500] =	vst v63  }
0xc3: {  	s4 =	simm.s32 $0xA180;
	s5 =	simm.s32 $0x9180  }
0xc4: {  	[spmem:s1] =	stream.indirect.scatter.add.f32 [tilespmem:s5], [sflag:$0x2], $0x1, s4, s20, $0xb8;
	[tilespmem:$0x1F500] =	vst v63  }
0xc5: {  	s4 =	simm.s32 $0xA200;
	s5 =	simm.s32 $0x9200  }
0xc6: {  	[spmem:s1] =	stream.indirect.scatter.add.f32 [tilespmem:s5], [sflag:$0x2], $0x1, s4, s20, $0xb8;
	[tilespmem:$0x1F500] =	vst v63  }
0xc7: {  	s4 =	simm.s32 $0xA280;
	s5 =	simm.s32 $0x9280  }
0xc8: {  	[spmem:s1] =	stream.indirect.scatter.add.f32 [tilespmem:s5], [sflag:$0x2], $0x1, s4, s20, $0xb8;
	[tilespmem:$0x1F500] =	vst v63  }
0xc9: {  	s4 =	simm.s32 $0xA300;
	s5 =	simm.s32 $0x9300  }
0xca: {  	[spmem:s1] =	stream.indirect.scatter.add.f32 [tilespmem:s5], [sflag:$0x2], $0x1, s4, s20, $0xb8;
	[tilespmem:$0x1F500] =	vst v63  }
0xcb: {  	s4 =	simm.s32 $0xA380;
	s5 =	simm.s32 $0x9380  }
0xcc: {  	[spmem:s1] =	stream.indirect.scatter.add.f32 [tilespmem:s5], [sflag:$0x2], $0x1, s4, s20, $0xb8;
	[tilespmem:$0x1F500] =	vst v63  }
0xcd: {  	s4 =	simm.s32 $0xA400;
	s5 =	simm.s32 $0x9400  }
0xce: {  	[spmem:s1] =	stream.indirect.scatter.add.f32 [tilespmem:s5], [sflag:$0x2], $0x1, s4, s20, $0xb8;
	[tilespmem:$0x1F500] =	vst v63  }
0xcf: {  	s4 =	simm.s32 $0xA480;
	s5 =	simm.s32 $0x9480  }
0xd0: {  	[spmem:s1] =	stream.indirect.scatter.add.f32 [tilespmem:s5], [sflag:$0x2], $0x1, s4, s20, $0xb8;
	[tilespmem:$0x1F500] =	vst v63  }
0xd1: {  	s4 =	simm.s32 $0xA500;
	s5 =	simm.s32 $0x9500  }
0xd2: {  	[spmem:s1] =	stream.indirect.scatter.add.f32 [tilespmem:s5], [sflag:$0x2], $0x1, s4, s20, $0xb8;
	[tilespmem:$0x1F500] =	vst v63  }
0xd3: {  	s4 =	simm.s32 $0xA580;
	s5 =	simm.s32 $0x9580  }
0xd4: {  	[spmem:s1] =	stream.indirect.scatter.add.f32 [tilespmem:s5], [sflag:$0x2], $0x1, s4, s20, $0xb8;
	[tilespmem:$0x1F500] =	vst v63  }
0xd5: {  	s4 =	simm.s32 $0xA600;
	s5 =	simm.s32 $0x9600  }
0xd6: {  	[spmem:s1] =	stream.indirect.scatter.add.f32 [tilespmem:s5], [sflag:$0x2], $0x1, s4, s20, $0xb8;
	[tilespmem:$0x1F500] =	vst v63  }
0xd7: {  	s4 =	simm.s32 $0xA680;
	s5 =	simm.s32 $0x9680  }
0xd8: {  	[spmem:s1] =	stream.indirect.scatter.add.f32 [tilespmem:s5], [sflag:$0x2], $0x1, s4, s20, $0xb8;
	[tilespmem:$0x1F500] =	vst v63  }
0xd9: {  	s4 =	simm.s32 $0xA700;
	s5 =	simm.s32 $0x9700  }
0xda: {  	[spmem:s1] =	stream.indirect.scatter.add.f32 [tilespmem:s5], [sflag:$0x2], $0x1, s4, s20, $0xb8;
	[tilespmem:$0x1F500] =	vst v63  }
0xdb: {  	s4 =	simm.s32 $0xA780;
	s5 =	simm.s32 $0x9780  }
0xdc: {  	[spmem:s1] =	stream.indirect.scatter.add.f32 [tilespmem:s5], [sflag:$0x2], $0x1, s4, s20, $0xb8;
	[tilespmem:$0x1F500] =	vst v63  }
0xdd: {  	s4 =	simm.s32 $0xA800;
	s5 =	simm.s32 $0x9800  }
0xde: {  	[spmem:s1] =	stream.indirect.scatter.add.f32 [tilespmem:s5], [sflag:$0x2], $0x1, s4, s20, $0xb8;
	[tilespmem:$0x1F500] =	vst v63  }
0xdf: {  	_ =	swait.ge [sflag:s30], $0x80  }
0xe0: {  	[sflag:s30] =	ssyncset.done $0x0  }
0xe1: {  	[sflag:s30] =	ssyncadd.s32 $0xFFFFFF80  }
0xe2: {  	_ =	swait.ge [sflag:s30], $0x80  }
0xe3: {  	[sflag:s30] =	ssyncset.done $0x0  }
0xe4: {  	[sflag:s30] =	ssyncadd.s32 $0xFFFFFF80  }
0xe5: {  	_ =	swait.ge [sflag:s30], $0x80  }
0xe6: {  	[sflag:s30] =	ssyncset.done $0x0  }
0xe7: {  	[sflag:s30] =	ssyncadd.s32 $0xFFFFFF80  }
0xe8: {  	_ =	swait.ge [sflag:s30], $0x80  }
0xe9: {  	[sflag:s30] =	ssyncset.done $0x0  }
0xea: {  	[sflag:s30] =	ssyncadd.s32 $0xFFFFFF80  }
0xeb: {  	_ =	swait.ge [sflag:s30], $0x80  }
0xec: {  	[sflag:s30] =	ssyncset.done $0x0  }
0xed: {  	[sflag:s30] =	ssyncadd.s32 $0xFFFFFF80  }
0xee: {  	_ =	swait.ge [sflag:s30], $0x80  }
0xef: {  	[sflag:s30] =	ssyncset.done $0x0  }
0xf0: {  	[sflag:s30] =	ssyncadd.s32 $0xFFFFFF80  }
0xf1: {  	_ =	swait.ge [sflag:s30], $0x80  }
0xf2: {  	[sflag:s30] =	ssyncset.done $0x0  }
0xf3: {  	[sflag:s30] =	ssyncadd.s32 $0xFFFFFF80  }
0xf4: {  	_ =	swait.ge [sflag:s30], $0x80  }
0xf5: {  	[sflag:s30] =	ssyncset.done $0x0  }
0xf6: {  	[sflag:s30] =	ssyncadd.s32 $0xFFFFFF80  }
0xf7: {  	_ =	swait.ge [sflag:s30], $0x80  }
0xf8: {  	[sflag:s30] =	ssyncset.done $0x0  }
0xf9: {  	[sflag:s30] =	ssyncadd.s32 $0xFFFFFF80  }
0xfa: {  	_ =	swait.ge [sflag:s30], $0x80  }
0xfb: {  	[sflag:s30] =	ssyncset.done $0x0  }
0xfc: {  	[sflag:s30] =	ssyncadd.s32 $0xFFFFFF80  }
0xfd: {  	_ =	swait.ge [sflag:s30], $0x80  }
0xfe: {  	[sflag:s30] =	ssyncset.done $0x0  }
0xff: {  	[sflag:s30] =	ssyncadd.s32 $0xFFFFFF80  }
0x100: {  	_ =	swait.ge [sflag:s30], $0x80  }
0x101: {  	[sflag:s30] =	ssyncset.done $0x0  }
0x102: {  	[sflag:s30] =	ssyncadd.s32 $0xFFFFFF80  }
0x103: {  	_ =	swait.ge [sflag:s30], $0x80  }
0x104: {  	[sflag:s30] =	ssyncset.done $0x0  }
0x105: {  	[sflag:s30] =	ssyncadd.s32 $0xFFFFFF80  }
0x106: {  	_ =	swait.ge [sflag:s30], $0x80  }
0x107: {  	[sflag:s30] =	ssyncset.done $0x0  }
0x108: {  	[sflag:s30] =	ssyncadd.s32 $0xFFFFFF80  }
0x109: {  	_ =	swait.ge [sflag:s30], $0x80  }
0x10a: {  	[sflag:s30] =	ssyncset.done $0x0  }
0x10b: {  	[sflag:s30] =	ssyncadd.s32 $0xFFFFFF80  }
0x10c: {  	_ =	swait.ge [sflag:s30], $0x80  }
0x10d: {  	[sflag:s30] =	ssyncset.done $0x0  }
0x10e: {  	[sflag:s30] =	ssyncadd.s32 $0xFFFFFF80  }
0x10f: {  	_ =	swait.ge [sflag:s30], $0x80  }
0x110: {  	[sflag:s30] =	ssyncset.done $0x0  }
0x111: {  	[sflag:s30] =	ssyncadd.s32 $0xFFFFFF80  }
0x112: {  	_ =	swait.ge [sflag:s30], $0x80  }
0x113: {  	[sflag:s30] =	ssyncset.done $0x0  }
0x114: {  	[sflag:s30] =	ssyncadd.s32 $0xFFFFFF80  }
0x115: {  	_ =	swait.ge [sflag:s30], $0x80  }
0x116: {  	[sflag:s30] =	ssyncset.done $0x0  }
0x117: {  	[sflag:s30] =	ssyncadd.s32 $0xFFFFFF80  }
0x118: {  	_ =	swait.ge [sflag:s30], $0x80  }
0x119: {  	[sflag:s30] =	ssyncset.done $0x0  }
0x11a: {  	[sflag:s30] =	ssyncadd.s32 $0xFFFFFF80  }
0x11b: {  	_ =	swait.ge [sflag:s30], $0x80  }
0x11c: {  	[sflag:s30] =	ssyncset.done $0x0  }
0x11d: {  	[sflag:s30] =	ssyncadd.s32 $0xFFFFFF80  }
0x11e: {  	_ =	swait.ge [sflag:s30], $0x80  }
0x11f: {  	[sflag:s30] =	ssyncset.done $0x0  }
0x120: {  	[sflag:s30] =	ssyncadd.s32 $0xFFFFFF80  }
0x121: {  	_ =	swait.ge [sflag:s30], $0x80  }
0x122: {  	[sflag:s30] =	ssyncset.done $0x0  }
0x123: {  	[sflag:s30] =	ssyncadd.s32 $0xFFFFFF80  }
0x124: {  	_ =	swait.ge [sflag:s30], $0x80  }
0x125: {  	[sflag:s30] =	ssyncset.done $0x0  }
0x126: {  	[sflag:s30] =	ssyncadd.s32 $0xFFFFFF80  }
0x127: {  	_ =	swait.ge [sflag:s30], $0x80  }
0x128: {  	[sflag:s30] =	ssyncset.done $0x0  }
0x129: {  	[sflag:s30] =	ssyncadd.s32 $0xFFFFFF80  }
0x12a: {  	_ =	swait.ge [sflag:s30], $0x80  }
0x12b: {  	[sflag:s30] =	ssyncset.done $0x0  }
0x12c: {  	[sflag:s30] =	ssyncadd.s32 $0xFFFFFF80  }
0x12d: {  	_ =	swait.ge [sflag:s30], $0x80  }
0x12e: {  	[sflag:s30] =	ssyncset.done $0x0  }
0x12f: {  	s2 =	simm.s32 $0x0;
	s4 =	rddreg [dreg:$0x9];
	[sflag:s30] =	ssyncadd.s32 $0xFFFFFF80  }
0x130: {  	[tilespmem:s2], [sflag:$0x3] =	stream.linear.gather [hbm4b:s4+s2], $0xD80, $0x38;
	[tilespmem:$0x1F500] =	vst v63  }
0x131: {  	_ =	swait.ge [sflag:s16], $0xD80  }
0x132: {  	[sflag:s16] =	ssyncset.done $0x0  }
0x133: {  	s5 =	rddreg [dreg:$0xa];
	[sflag:s16] =	ssyncadd.s32 $0xFFFFF280  }
0x134: {  	[tilespmem:s19], [sflag:$0x3] =	stream.linear.gather [hbm4b:s5+s2], $0xD80, $0x38;
	[tilespmem:$0x1F500] =	vst v63  }
0x135: {  	_ =	swait.ge [sflag:s16], $0xD80  }
0x136: {  	[sflag:s16] =	ssyncset.done $0x0  }
0x137: {  	s2 =	simm.s32 $0x0;
	[sflag:s16] =	ssyncadd.s32 $0xFFFFF280  }
0x138: {  	v2 =	vld [tilespmem:s2+$0x0];
	_ =	sdelay $0x3  }
0x139: {  	v3 =	vld [tilespmem:s2+$0xD80];
	_ =	sdelay $0x1  }
0x13a: {  	s3 =	simm.s32 $0x10  }
0x13b: {  	v1 =	vld [tilespmem:s3+$0x0]  }
0x13c: {  	v4 =	vld.idx.msk [tilespmem:v2+s17+$0x0], $0xffff  }
0x13d: {  	v5 =	vshll.u32 v3, $0x7;
	v3 =	vld [tilespmem:s3+$0xD80]  }
0x13e: {  	v2 =	vld.idx.msk [tilespmem:v2+s15+$0x0], $0xffff;
	_ =	sdelay $0x2  }
0x13f: {  	s4 =	simm.s32 $0x80;
	v5 =	vadd.s32 v5, v4;
	v4 =	vmov v1  }
.LBB2_10:
0x140: {  	p0 =	sne.s32 s4, $0x35C0;
	[tilespmem:s2+$0x7B00] =	vst v5;
	s5 =	smov.u32 s4;
	s4 =	sadd.s32 $0x40, s4  }
0x141: {  	[tilespmem:s2+$0x6B00] =	vst v2;
	v5 =	vmov v3;
	s2 =	smov.u32 s3  }
0x142: {  	s3 =	sshra.s32 s5, $0x2;
	v6 =	vld.idx.msk [tilespmem:v1+s17+$0x0], $0xffff  }
0x143: {  	v1 =	vld [tilespmem:s3+$0x0]  }
.Ltmp4:
0x144: {  	v2 =	vld.idx.msk [tilespmem:v4+s15+$0x0], $0xffff;
	(pc) =	sbr.rel @p0 .LBB2_10-.Ltmp4, $3  }
0x145: {  	v3 =	vld [tilespmem:s3+$0xD80];
	_ =	sdelay $0x1  }
0x146: {  	v7 =	vshll.u32 v5, $0x7  }
0x147: {  	v5 =	vadd.s32 v7, v6;
	v4 =	vmov v1  }
0x148: {  	_ =	sdelay $0x1  }
0x149: {  	[tilespmem:s2+$0x7B00] =	vst v5  }
0x14a: {  	[tilespmem:s2+$0x6B00] =	vst v2  }
0x14b: {  	v1 =	vld.idx.msk [tilespmem:v1+s17+$0x0], $0xffff  }
0x14c: {  	v2 =	vld.idx.msk [tilespmem:v4+s15+$0x0], $0xffff;
	_ =	sdelay $0x3  }
0x14d: {  	v3 =	vshll.u32 v3, $0x7  }
0x14e: {  	v1 =	vadd.s32 v3, v1;
	[tilespmem:s3+$0x6B00] =	vst v2  }
0x14f: {  	s4 =	simm.s32 $0x7B00;
	s5 =	simm.s32 $0x6B00;
	[tilespmem:s3+$0x7B00] =	vst v1  }
0x150: {  	[spmem:s1] =	stream.indirect.scatter.add.f32 [tilespmem:s5], [sflag:$0x1], $0x1, s4, s20, $0xb8;
	[tilespmem:$0x1F500] =	vst v63  }
0x151: {  	s4 =	simm.s32 $0x7B80;
	s5 =	simm.s32 $0x6B80  }
0x152: {  	[spmem:s1] =	stream.indirect.scatter.add.f32 [tilespmem:s5], [sflag:$0x1], $0x1, s4, s20, $0xb8;
	[tilespmem:$0x1F500] =	vst v63  }
0x153: {  	s4 =	simm.s32 $0x7C00;
	s5 =	simm.s32 $0x6C00  }
0x154: {  	[spmem:s1] =	stream.indirect.scatter.add.f32 [tilespmem:s5], [sflag:$0x1], $0x1, s4, s20, $0xb8;
	[tilespmem:$0x1F500] =	vst v63  }
0x155: {  	s4 =	simm.s32 $0x7C80;
	s5 =	simm.s32 $0x6C80  }
0x156: {  	[spmem:s1] =	stream.indirect.scatter.add.f32 [tilespmem:s5], [sflag:$0x1], $0x1, s4, s20, $0xb8;
	[tilespmem:$0x1F500] =	vst v63  }
0x157: {  	s4 =	simm.s32 $0x7D00;
	s5 =	simm.s32 $0x6D00  }
0x158: {  	[spmem:s1] =	stream.indirect.scatter.add.f32 [tilespmem:s5], [sflag:$0x1], $0x1, s4, s20, $0xb8;
	[tilespmem:$0x1F500] =	vst v63  }
0x159: {  	s4 =	simm.s32 $0x7D80;
	s5 =	simm.s32 $0x6D80  }
0x15a: {  	[spmem:s1] =	stream.indirect.scatter.add.f32 [tilespmem:s5], [sflag:$0x1], $0x1, s4, s20, $0xb8;
	[tilespmem:$0x1F500] =	vst v63  }
0x15b: {  	s4 =	simm.s32 $0x7E00;
	s5 =	simm.s32 $0x6E00  }
0x15c: {  	[spmem:s1] =	stream.indirect.scatter.add.f32 [tilespmem:s5], [sflag:$0x1], $0x1, s4, s20, $0xb8;
	[tilespmem:$0x1F500] =	vst v63  }
0x15d: {  	s4 =	simm.s32 $0x7E80;
	s5 =	simm.s32 $0x6E80  }
0x15e: {  	[spmem:s1] =	stream.indirect.scatter.add.f32 [tilespmem:s5], [sflag:$0x1], $0x1, s4, s20, $0xb8;
	[tilespmem:$0x1F500] =	vst v63  }
0x15f: {  	s4 =	simm.s32 $0x7F00;
	s5 =	simm.s32 $0x6F00  }
0x160: {  	[spmem:s1] =	stream.indirect.scatter.add.f32 [tilespmem:s5], [sflag:$0x1], $0x1, s4, s20, $0xb8;
	[tilespmem:$0x1F500] =	vst v63  }
0x161: {  	s4 =	simm.s32 $0x7F80;
	s5 =	simm.s32 $0x6F80  }
0x162: {  	[spmem:s1] =	stream.indirect.scatter.add.f32 [tilespmem:s5], [sflag:$0x1], $0x1, s4, s20, $0xb8;
	[tilespmem:$0x1F500] =	vst v63  }
0x163: {  	s4 =	simm.s32 $0x8000;
	s5 =	simm.s32 $0x7000  }
0x164: {  	[spmem:s1] =	stream.indirect.scatter.add.f32 [tilespmem:s5], [sflag:$0x1], $0x1, s4, s20, $0xb8;
	[tilespmem:$0x1F500] =	vst v63  }
0x165: {  	s4 =	simm.s32 $0x8080;
	s5 =	simm.s32 $0x7080  }
0x166: {  	[spmem:s1] =	stream.indirect.scatter.add.f32 [tilespmem:s5], [sflag:$0x1], $0x1, s4, s20, $0xb8;
	[tilespmem:$0x1F500] =	vst v63  }
0x167: {  	s4 =	simm.s32 $0x8100;
	s5 =	simm.s32 $0x7100  }
0x168: {  	[spmem:s1] =	stream.indirect.scatter.add.f32 [tilespmem:s5], [sflag:$0x1], $0x1, s4, s20, $0xb8;
	[tilespmem:$0x1F500] =	vst v63  }
0x169: {  	s4 =	simm.s32 $0x8180;
	s5 =	simm.s32 $0x7180  }
0x16a: {  	[spmem:s1] =	stream.indirect.scatter.add.f32 [tilespmem:s5], [sflag:$0x1], $0x1, s4, s20, $0xb8;
	[tilespmem:$0x1F500] =	vst v63  }
0x16b: {  	s4 =	simm.s32 $0x8200;
	s5 =	simm.s32 $0x7200  }
0x16c: {  	[spmem:s1] =	stream.indirect.scatter.add.f32 [tilespmem:s5], [sflag:$0x1], $0x1, s4, s20, $0xb8;
	[tilespmem:$0x1F500] =	vst v63  }
0x16d: {  	s4 =	simm.s32 $0x8280;
	s5 =	simm.s32 $0x7280  }
0x16e: {  	[spmem:s1] =	stream.indirect.scatter.add.f32 [tilespmem:s5], [sflag:$0x1], $0x1, s4, s20, $0xb8;
	[tilespmem:$0x1F500] =	vst v63  }
0x16f: {  	s4 =	simm.s32 $0x8300;
	s5 =	simm.s32 $0x7300  }
0x170: {  	[spmem:s1] =	stream.indirect.scatter.add.f32 [tilespmem:s5], [sflag:$0x1], $0x1, s4, s20, $0xb8;
	[tilespmem:$0x1F500] =	vst v63  }
0x171: {  	s4 =	simm.s32 $0x8380;
	s5 =	simm.s32 $0x7380  }
0x172: {  	[spmem:s1] =	stream.indirect.scatter.add.f32 [tilespmem:s5], [sflag:$0x1], $0x1, s4, s20, $0xb8;
	[tilespmem:$0x1F500] =	vst v63  }
0x173: {  	s4 =	simm.s32 $0x8400;
	s5 =	simm.s32 $0x7400  }
0x174: {  	[spmem:s1] =	stream.indirect.scatter.add.f32 [tilespmem:s5], [sflag:$0x1], $0x1, s4, s20, $0xb8;
	[tilespmem:$0x1F500] =	vst v63  }
0x175: {  	s3 =	simm.s32 $0x8480  }
0x176: {  	[spmem:s1] =	stream.indirect.scatter.add.f32 [tilespmem:s8], [sflag:$0x1], $0x1, s3, s20, $0xb8;
	[tilespmem:$0x1F500] =	vst v63  }
0x177: {  	_ = 	snop  }
0x178: {  	[spmem:s1] =	stream.indirect.scatter.add.f32 [tilespmem:s10], [sflag:$0x1], $0x1, s9, s20, $0xb8;
	[tilespmem:$0x1F500] =	vst v63  }
0x179: {  	_ = 	snop  }
0x17a: {  	[spmem:s1] =	stream.indirect.scatter.add.f32 [tilespmem:s11], [sflag:$0x1], $0x1, s21, s20, $0xb8;
	[tilespmem:$0x1F500] =	vst v63  }
0x17b: {  	_ = 	snop  }
0x17c: {  	[spmem:s1] =	stream.indirect.scatter.add.f32 [tilespmem:s12], [sflag:$0x1], $0x1, s22, s20, $0xb8;
	[tilespmem:$0x1F500] =	vst v63  }
0x17d: {  	_ = 	snop  }
0x17e: {  	[spmem:s1] =	stream.indirect.scatter.add.f32 [tilespmem:s13], [sflag:$0x1], $0x1, s23, s20, $0xb8;
	[tilespmem:$0x1F500] =	vst v63  }
0x17f: {  	_ = 	snop  }
0x180: {  	[spmem:s1] =	stream.indirect.scatter.add.f32 [tilespmem:s14], [sflag:$0x1], $0x1, s24, s20, $0xb8;
	[tilespmem:$0x1F500] =	vst v63  }
0x181: {  	_ = 	snop  }
0x182: {  	[spmem:s1] =	stream.indirect.scatter.add.f32 [tilespmem:s26], [sflag:$0x1], $0x1, s25, s20, $0xb8;
	[tilespmem:$0x1F500] =	vst v63  }
0x183: {  	_ = 	snop  }
0x184: {  	[spmem:s1] =	stream.indirect.scatter.add.f32 [tilespmem:s29], [sflag:$0x1], $0x1, s28, s20, $0xb8;
	[tilespmem:$0x1F500] =	vst v63  }
0x185: {  	_ =	swait.ge [sflag:s31], $0x80  }
0x186: {  	[sflag:s31] =	ssyncset.done $0x0  }
0x187: {  	[sflag:s31] =	ssyncadd.s32 $0xFFFFFF80  }
0x188: {  	_ =	swait.ge [sflag:s31], $0x80  }
0x189: {  	[sflag:s31] =	ssyncset.done $0x0  }
0x18a: {  	[sflag:s31] =	ssyncadd.s32 $0xFFFFFF80  }
0x18b: {  	_ =	swait.ge [sflag:s31], $0x80  }
0x18c: {  	[sflag:s31] =	ssyncset.done $0x0  }
0x18d: {  	[sflag:s31] =	ssyncadd.s32 $0xFFFFFF80  }
0x18e: {  	_ =	swait.ge [sflag:s31], $0x80  }
0x18f: {  	[sflag:s31] =	ssyncset.done $0x0  }
0x190: {  	[sflag:s31] =	ssyncadd.s32 $0xFFFFFF80  }
0x191: {  	_ =	swait.ge [sflag:s31], $0x80  }
0x192: {  	[sflag:s31] =	ssyncset.done $0x0  }
0x193: {  	[sflag:s31] =	ssyncadd.s32 $0xFFFFFF80  }
0x194: {  	_ =	swait.ge [sflag:s31], $0x80  }
0x195: {  	[sflag:s31] =	ssyncset.done $0x0  }
0x196: {  	[sflag:s31] =	ssyncadd.s32 $0xFFFFFF80  }
0x197: {  	_ =	swait.ge [sflag:s31], $0x80  }
0x198: {  	[sflag:s31] =	ssyncset.done $0x0  }
0x199: {  	[sflag:s31] =	ssyncadd.s32 $0xFFFFFF80  }
0x19a: {  	_ =	swait.ge [sflag:s31], $0x80  }
0x19b: {  	[sflag:s31] =	ssyncset.done $0x0  }
0x19c: {  	[sflag:s31] =	ssyncadd.s32 $0xFFFFFF80  }
0x19d: {  	_ =	swait.ge [sflag:s31], $0x80  }
0x19e: {  	[sflag:s31] =	ssyncset.done $0x0  }
0x19f: {  	[sflag:s31] =	ssyncadd.s32 $0xFFFFFF80  }
0x1a0: {  	_ =	swait.ge [sflag:s31], $0x80  }
0x1a1: {  	[sflag:s31] =	ssyncset.done $0x0  }
0x1a2: {  	[sflag:s31] =	ssyncadd.s32 $0xFFFFFF80  }
0x1a3: {  	_ =	swait.ge [sflag:s31], $0x80  }
0x1a4: {  	[sflag:s31] =	ssyncset.done $0x0  }
0x1a5: {  	[sflag:s31] =	ssyncadd.s32 $0xFFFFFF80  }
0x1a6: {  	_ =	swait.ge [sflag:s31], $0x80  }
0x1a7: {  	[sflag:s31] =	ssyncset.done $0x0  }
0x1a8: {  	[sflag:s31] =	ssyncadd.s32 $0xFFFFFF80  }
0x1a9: {  	_ =	swait.ge [sflag:s31], $0x80  }
0x1aa: {  	[sflag:s31] =	ssyncset.done $0x0  }
0x1ab: {  	[sflag:s31] =	ssyncadd.s32 $0xFFFFFF80  }
0x1ac: {  	_ =	swait.ge [sflag:s31], $0x80  }
0x1ad: {  	[sflag:s31] =	ssyncset.done $0x0  }
0x1ae: {  	[sflag:s31] =	ssyncadd.s32 $0xFFFFFF80  }
0x1af: {  	_ =	swait.ge [sflag:s31], $0x80  }
0x1b0: {  	[sflag:s31] =	ssyncset.done $0x0  }
0x1b1: {  	[sflag:s31] =	ssyncadd.s32 $0xFFFFFF80  }
0x1b2: {  	_ =	swait.ge [sflag:s31], $0x80  }
0x1b3: {  	[sflag:s31] =	ssyncset.done $0x0  }
0x1b4: {  	[sflag:s31] =	ssyncadd.s32 $0xFFFFFF80  }
0x1b5: {  	_ =	swait.ge [sflag:s31], $0x80  }
0x1b6: {  	[sflag:s31] =	ssyncset.done $0x0  }
0x1b7: {  	[sflag:s31] =	ssyncadd.s32 $0xFFFFFF80  }
0x1b8: {  	_ =	swait.ge [sflag:s31], $0x80  }
0x1b9: {  	[sflag:s31] =	ssyncset.done $0x0  }
0x1ba: {  	[sflag:s31] =	ssyncadd.s32 $0xFFFFFF80  }
0x1bb: {  	_ =	swait.ge [sflag:s31], $0x80  }
0x1bc: {  	[sflag:s31] =	ssyncset.done $0x0  }
0x1bd: {  	[sflag:s31] =	ssyncadd.s32 $0xFFFFFF80  }
0x1be: {  	_ =	swait.ge [sflag:s31], $0x80  }
0x1bf: {  	[sflag:s31] =	ssyncset.done $0x0  }
0x1c0: {  	[sflag:s31] =	ssyncadd.s32 $0xFFFFFF80  }
0x1c1: {  	_ =	swait.ge [sflag:s31], $0x80  }
0x1c2: {  	[sflag:s31] =	ssyncset.done $0x0  }
0x1c3: {  	[sflag:s31] =	ssyncadd.s32 $0xFFFFFF80  }
0x1c4: {  	_ =	swait.ge [sflag:s31], $0x80  }
0x1c5: {  	[sflag:s31] =	ssyncset.done $0x0  }
0x1c6: {  	[sflag:s31] =	ssyncadd.s32 $0xFFFFFF80  }
0x1c7: {  	_ =	swait.ge [sflag:s31], $0x80  }
0x1c8: {  	[sflag:s31] =	ssyncset.done $0x0  }
0x1c9: {  	[sflag:s31] =	ssyncadd.s32 $0xFFFFFF80  }
0x1ca: {  	_ =	swait.ge [sflag:s31], $0x80  }
0x1cb: {  	[sflag:s31] =	ssyncset.done $0x0  }
0x1cc: {  	[sflag:s31] =	ssyncadd.s32 $0xFFFFFF80  }
0x1cd: {  	_ =	swait.ge [sflag:s31], $0x80  }
0x1ce: {  	[sflag:s31] =	ssyncset.done $0x0  }
0x1cf: {  	[sflag:s31] =	ssyncadd.s32 $0xFFFFFF80  }
0x1d0: {  	_ =	swait.ge [sflag:s31], $0x80  }
0x1d1: {  	[sflag:s31] =	ssyncset.done $0x0  }
0x1d2: {  	[sflag:s31] =	ssyncadd.s32 $0xFFFFFF80  }
0x1d3: {  	_ =	swait.ge [sflag:s31], $0x80  }
0x1d4: {  	[sflag:s31] =	ssyncset.done $0x0  }
0x1d5: {  	[sflag:s31] =	ssyncadd.s32 $0xFFFFFF80  }
0x1d6: {  	_ =	swait.ge [sflag:s30], $0x80  }
0x1d7: {  	[sflag:s30] =	ssyncset.done $0x0  }
0x1d8: {  	[sflag:s30] =	ssyncadd.s32 $0xFFFFFF80  }
0x1d9: {  	_ =	swait.ge [sflag:s30], $0x80  }
0x1da: {  	[sflag:s30] =	ssyncset.done $0x0  }
0x1db: {  	[sflag:s30] =	ssyncadd.s32 $0xFFFFFF80  }
0x1dc: {  	_ =	swait.ge [sflag:s30], $0x80  }
0x1dd: {  	[sflag:s30] =	ssyncset.done $0x0  }
0x1de: {  	[sflag:s30] =	ssyncadd.s32 $0xFFFFFF80  }
0x1df: {  	_ =	swait.ge [sflag:s30], $0x80  }
0x1e0: {  	[sflag:s30] =	ssyncset.done $0x0  }
0x1e1: {  	[sflag:s30] =	ssyncadd.s32 $0xFFFFFF80  }
0x1e2: {  	_ =	swait.ge [sflag:s30], $0x80  }
0x1e3: {  	[sflag:s30] =	ssyncset.done $0x0  }
0x1e4: {  	[sflag:s30] =	ssyncadd.s32 $0xFFFFFF80  }
0x1e5: {  	_ =	swait.ge [sflag:s30], $0x80  }
0x1e6: {  	[sflag:s30] =	ssyncset.done $0x0  }
0x1e7: {  	[sflag:s30] =	ssyncadd.s32 $0xFFFFFF80  }
0x1e8: {  	_ =	swait.ge [sflag:s30], $0x80  }
0x1e9: {  	[sflag:s30] =	ssyncset.done $0x0  }
0x1ea: {  	[sflag:s30] =	ssyncadd.s32 $0xFFFFFF80  }
0x1eb: {  	_ =	swait.ge [sflag:s30], $0x80  }
0x1ec: {  	[sflag:s30] =	ssyncset.done $0x0  }
0x1ed: {  	[sflag:s30] =	ssyncadd.s32 $0xFFFFFF80  }
0x1ee: {  	_ =	swait.ge [sflag:s30], $0x80  }
0x1ef: {  	[sflag:s30] =	ssyncset.done $0x0  }
0x1f0: {  	[sflag:s30] =	ssyncadd.s32 $0xFFFFFF80  }
0x1f1: {  	_ =	swait.ge [sflag:s30], $0x80  }
0x1f2: {  	[sflag:s30] =	ssyncset.done $0x0  }
0x1f3: {  	[sflag:s30] =	ssyncadd.s32 $0xFFFFFF80  }
0x1f4: {  	_ =	swait.ge [sflag:s30], $0x80  }
0x1f5: {  	[sflag:s30] =	ssyncset.done $0x0  }
0x1f6: {  	[sflag:s30] =	ssyncadd.s32 $0xFFFFFF80  }
0x1f7: {  	_ =	swait.ge [sflag:s30], $0x80  }
0x1f8: {  	[sflag:s30] =	ssyncset.done $0x0  }
0x1f9: {  	[sflag:s30] =	ssyncadd.s32 $0xFFFFFF80  }
0x1fa: {  	_ =	swait.ge [sflag:s30], $0x80  }
0x1fb: {  	[sflag:s30] =	ssyncset.done $0x0  }
0x1fc: {  	[sflag:s30] =	ssyncadd.s32 $0xFFFFFF80  }
0x1fd: {  	_ =	swait.ge [sflag:s30], $0x80  }
0x1fe: {  	[sflag:s30] =	ssyncset.done $0x0  }
0x1ff: {  	[sflag:s30] =	ssyncadd.s32 $0xFFFFFF80  }
0x200: {  	_ =	swait.ge [sflag:s30], $0x80  }
0x201: {  	[sflag:s30] =	ssyncset.done $0x0  }
0x202: {  	[sflag:s30] =	ssyncadd.s32 $0xFFFFFF80  }
0x203: {  	_ =	swait.ge [sflag:s30], $0x80  }
0x204: {  	[sflag:s30] =	ssyncset.done $0x0  }
0x205: {  	[sflag:s30] =	ssyncadd.s32 $0xFFFFFF80  }
0x206: {  	_ =	swait.ge [sflag:s30], $0x80  }
0x207: {  	[sflag:s30] =	ssyncset.done $0x0  }
0x208: {  	[sflag:s30] =	ssyncadd.s32 $0xFFFFFF80  }
0x209: {  	_ =	swait.ge [sflag:s30], $0x80  }
0x20a: {  	[sflag:s30] =	ssyncset.done $0x0  }
0x20b: {  	[sflag:s30] =	ssyncadd.s32 $0xFFFFFF80  }
0x20c: {  	_ =	swait.ge [sflag:s30], $0x80  }
0x20d: {  	[sflag:s30] =	ssyncset.done $0x0  }
0x20e: {  	[sflag:s30] =	ssyncadd.s32 $0xFFFFFF80  }
0x20f: {  	_ =	swait.ge [sflag:s30], $0x80  }
0x210: {  	[sflag:s30] =	ssyncset.done $0x0  }
0x211: {  	[sflag:s30] =	ssyncadd.s32 $0xFFFFFF80  }
0x212: {  	_ =	swait.ge [sflag:s30], $0x80  }
0x213: {  	[sflag:s30] =	ssyncset.done $0x0  }
0x214: {  	[sflag:s30] =	ssyncadd.s32 $0xFFFFFF80  }
0x215: {  	_ =	swait.ge [sflag:s30], $0x80  }
0x216: {  	[sflag:s30] =	ssyncset.done $0x0  }
0x217: {  	[sflag:s30] =	ssyncadd.s32 $0xFFFFFF80  }
0x218: {  	_ =	swait.ge [sflag:s30], $0x80  }
0x219: {  	[sflag:s30] =	ssyncset.done $0x0  }
0x21a: {  	[sflag:s30] =	ssyncadd.s32 $0xFFFFFF80  }
0x21b: {  	_ =	swait.ge [sflag:s30], $0x80  }
0x21c: {  	[sflag:s30] =	ssyncset.done $0x0  }
0x21d: {  	[sflag:s30] =	ssyncadd.s32 $0xFFFFFF80  }
0x21e: {  	_ =	swait.ge [sflag:s30], $0x80  }
0x21f: {  	[sflag:s30] =	ssyncset.done $0x0  }
0x220: {  	[sflag:s30] =	ssyncadd.s32 $0xFFFFFF80  }
0x221: {  	_ =	swait.ge [sflag:s30], $0x80  }
0x222: {  	[sflag:s30] =	ssyncset.done $0x0  }
0x223: {  	[sflag:s30] =	ssyncadd.s32 $0xFFFFFF80  }
0x224: {  	_ =	swait.ge [sflag:s30], $0x80  }
0x225: {  	[sflag:s30] =	ssyncset.done $0x0  }
0x226: {  	s4 =	stileid.u32;
	[sflag:s30] =	ssyncadd.s32 $0xFFFFFF80  }
0x227: {  	s5 =	simm.s32 $0x20;
	s2 =	sshll.u32 s4, $0x6;
	[bflag:$0x0] =	sbarrier.arrive $0xFFFF  }
0x228: {  	s2 =	sor.u32 $0x1C03, s2;
	s3 =	sshrl.u32 s6, $0x3;
	s4 =	rddreg [dreg:$0xb]  }
0x229: {  	[hbm:s4@s5], [sflag:s2] =	dma.strided [spmem:s3@s7], $0x2800, s30, $0x10   }
0x22a: {  	_ =	swait.ge [sflag:s16], $0x2800  }
0x22b: {  	s0 =	sadd.s32 $0x1, s0;
	s5 =	rddreg [dreg:$0xc]  }
0x22c: {  	p0 =	sne.s32 s0, s5  }
.Ltmp5:
0x22d: {  	_ = 	snop;
	(pc) =	sbr.rel @p0 .LBB2_1-.Ltmp5, $3  }
0x22e: {  	_ =	sdelay $0x1  }
0x22f: {  	[sflag:s16] =	ssyncset.done $0x0  }
0x230: {  	[sflag:s16] =	ssyncadd.s32 $0xFFFFD800  }
0x231: {  	_ =	sfence.sel $0x180000  }
0x232: {  	[bflag:$0x0] =	sbarrier.arrive $0xFFFF  }
0x233: {  	_ =	strace $0x9000004A  }
0x234: {  	s0 =	stileid.u32;
	[bflag:$0x2] =	sbarrier.arrive $0xFFFF  }
0x235: {  	p0 =	sne.s32 s0, $0x0;
	s0 =	rddreg [dreg:$0x2]  }
0x236: {  	s0 =	sadd.s32 @!p0 $0x100000, s0  }
0x237: {  	[sflag:s0] =	ssyncadd.tile.s32 @!p0 $0x1;
	_ =	shalt  }
.Lfunc_end2:
_tile_overlayer_lowered:
.L_overlay_start_2:
0x238: {  	(tag) =	ssettag $0x2  }
0x239: {  	s0 =	rddreg [dreg:$0x0];
	s2 =	stileid.u32  }
0x23a: {  	s1 =	rddreg [dreg:$0x1];
	p0 =	sne.s32 s2, $0x0  }
0x23b: {  	s3 =	rddreg [dreg:$0x2];
	[bflag:$0x3] =	sbarrier.arrive $0xFFFF;
	s2 =	simm.s32 @!p0 $0x1C03  }
0x23c: {  	[timem:s3], [sflag:s2] =	dma.local @!p0 [hbm:s0], s1  }
0x23d: {  	s0 =	simm.s32 @!p0 $0x3  }
0x23e: {  	_ =	swait.ge @!p0 [sflag:s0], s1  }
0x23f: {  	s1 =	ssub.s32 @!p0 $0x0, s1;
	[sflag:s0] =	ssyncset.done @!p0 $0x0  }
0x240: {  	[sflag:s0] =	ssyncadd.s32 @!p0 s1  }
0x241: {  	[bflag:$0x3] =	sbarrier.arrive $0xFFFF  }
0x242: {  	_ =	shalt  }

// kernel: kernel.14.cloned.1.call-start
scs
__scs_entry_jumppad:
0x0: {  	(pc) =	sbr.rel $0x88, $3  }
0x1: {  	(tag) =	ssettag $0x0;
	lr =	simm.s32 $0x1  }
0x2: {  	[smem:$0x3F99] =	sst lr;
	_ =	strace $0xD0000000  }
0x3: {  	_ = 	snop  }
0x4: {  	_ = 	snop  }
0x5: {  	_ = 	snop  }
0x6: {  	_ = 	snop  }
0x7: {  	_ = 	snop  }
__scs_overlays_trampoline_lowered:
0x8: {  	[smem:$0x3FA8] =	sst s0  }
0x9: {  	[smem:$0x3FA9] =	sst s1  }
0xa: {  	[smem:$0x3FAA] =	sst s2  }
0xb: {  	[smem:$0x3FAB] =	sst s3  }
0xc: {  	[smem:$0x3FAC] =	sst s4  }
0xd: {  	[smem:$0x3FAD] =	sst s5  }
0xe: {  	[smem:$0x3FAE] =	sst s6  }
0xf: {  	[smem:$0x3FAF] =	sst s7  }
0x10: {  	[smem:$0x3FB0] =	sst s8  }
0x11: {  	[smem:$0x3FB1] =	sst s9;
	s0 =	simm.s32 @!p0 $0x0  }
0x12: {  	s1 =	sld [smem:$0x3F97];
	s0 =	simm.s32 @p0 $0x1  }
0x13: {  	[smem:$0x3FB2] =	sst s0;
	s0 =	simm.s32 @!p1 $0x0  }
0x14: {  	s2 =	sld [smem:$0x3F96];
	s0 =	simm.s32 @p1 $0x1  }
0x15: {  	[smem:$0x3FB3] =	sst s0;
	s0 =	simm.s32 @!p2 $0x0  }
0x16: {  	s3 =	sld [smem:$0x3FDB];
	s0 =	simm.s32 @p2 $0x1  }
0x17: {  	s4 =	simm.s32 $0x1BF5;
	[smem:$0x3FB5] =	sst s0  }
0x18: {  	s0 =	sld [smem:$0x3F98];
	_ =	swait.ge [sflag:s4], $0x0  }
0x19: {  	s7 =	sld [smem:$0x3F99]  }
0x1a: {  	s8 =	sadd.s32 $0xFFFFE003, lr  }
0x1b: {  	s9 =	sadd.s32 $0xFFFFFEF7, lr;
	s5 =	simm.s32 $0xFFFFFFFF;
	p2 =	slt.u32 s8, $0xFFFFF086  }
0x1c: {  	p1 =	slt.u32 s9, $0xF7A;
	s5 =	simm.s32 @!p2 $0x0  }
0x1d: {  	s5 =	simm.s32 @p1 $0x1;
	p0 =	seq.s32 s7, s2  }
0x1e: {  	s7 =	smul.u32 @!p0 $0xF7A, s2;
	p2 =	seq.s32 @!p0 s5, $0x0  }
0x1f: {  	s9 =	smul.u32 $0xF7A, s1;
	s8 =	simm.s32 @!p0 $0x1BF5;
	p2 =	por !p2, p0  }
0x20: {  	[sflag:s8] =	ssyncset.s32 @!p0 $0xFFFFF086;
	s6 =	sadd.s32 @!p0 s3, s7;
	s7 =	simm.s32 @!p0 $0x108  }
0x21: {  	s3 =	sadd.s32 s3, s9;
	s6 =	sadd.s32 @!p0 $0x88, s6;
	s7 =	simm.s32 @p2 $0x1082  }
0x22: {  	[simem:s7], [sflag:s8] =	dma.local @!p0 [hbm:s6], $0xF7A  }
0x23: {  	s9 =	sor.u32 $0xD0000000, s2;
	s6 =	simm.s32 $0x108;
	_ =	swait.ge @!p0 [sflag:s8], $0x0  }
0x24: {  	s3 =	sadd.s32 $0x88, s3;
	s6 =	simm.s32 @!p1 $0x1082;
	[sflag:s4] =	ssyncset.s32 $0xFFFFF086  }
0x25: {  	[simem:s6], [sflag:s4] =	dma.local [hbm:s3], $0xF7A  }
0x26: {  	[smem:$0x3F99] =	sst s1;
	(tag) =	ssettag s2;
	_ =	strace s9  }
0x27: {  	s1 =	sld [smem:$0x3FA9]  }
0x28: {  	s2 =	sld [smem:$0x3FAA]  }
0x29: {  	s4 =	sld [smem:$0x3FAC]  }
0x2a: {  	p0 =	seq.s32 s5, $0x0;
	s5 =	sld [smem:$0x3FAD]  }
0x2b: {  	s6 =	sld [smem:$0x3FAE]  }
0x2c: {  	s7 =	sld [smem:$0x3FAF]  }
0x2d: {  	s3 =	simm.s32 $0x108;
	s8 =	sld [smem:$0x3FB0]  }
0x2e: {  	s3 =	simm.s32 @!p0 $0x1082;
	s9 =	sld [smem:$0x3FB1]  }
0x2f: {  	lr =	sadd.s32 s0, s3;
	s0 =	sld [smem:$0x3FA8]  }
0x30: {  	s3 =	sld [smem:$0x3FAB]  }
0x31: {  	[smem:$0x3FB4] =	sst s10  }
0x32: {  	s10 =	sld [smem:$0x3FB2];
	_ =	sdelay $0x3  }
0x33: {  	p0 =	seq.s32 s10, $0x1;
	s10 =	sld [smem:$0x3FB4];
	_ =	sdelay $0x3  }
0x34: {  	[smem:$0x3FB4] =	sst s10  }
0x35: {  	s10 =	sld [smem:$0x3FB3];
	_ =	sdelay $0x3  }
0x36: {  	p1 =	seq.s32 s10, $0x1;
	s10 =	sld [smem:$0x3FB4];
	_ =	sdelay $0x3  }
0x37: {  	[smem:$0x3FB4] =	sst s10  }
0x38: {  	s10 =	sld [smem:$0x3FB5]  }
0x39: {  	_ = 	snop;
	(pc) =	sbr.ind lr, $3  }
0x3a: {  	_ = 	snop  }
0x3b: {  	_ = 	snop  }
0x3c: {  	p2 =	seq.s32 s10, $0x1;
	s10 =	sld [smem:$0x3FB4]  }
0x3d: {  	_ =	shalt  }
0x3e: {  	_ =	shalt  }
0x3f: {  	_ =	shalt  }
0x40: {  	_ =	shalt  }
0x41: {  	_ =	shalt  }
0x42: {  	_ =	shalt  }
0x43: {  	_ =	shalt  }
0x44: {  	_ =	shalt  }
0x45: {  	_ =	shalt  }
0x46: {  	_ =	shalt  }
0x47: {  	_ =	shalt  }
0x48: {  	_ =	shalt  }
0x49: {  	_ =	shalt  }
0x4a: {  	_ =	shalt  }
0x4b: {  	_ =	shalt  }
0x4c: {  	_ =	shalt  }
0x4d: {  	_ =	shalt  }
0x4e: {  	_ =	shalt  }
0x4f: {  	_ =	shalt  }
0x50: {  	_ =	shalt  }
0x51: {  	_ =	shalt  }
0x52: {  	_ =	shalt  }
0x53: {  	_ =	shalt  }
0x54: {  	_ =	shalt  }
0x55: {  	_ =	shalt  }
0x56: {  	_ =	shalt  }
0x57: {  	_ =	shalt  }
0x58: {  	_ =	shalt  }
0x59: {  	_ =	shalt  }
0x5a: {  	_ =	shalt  }
0x5b: {  	_ =	shalt  }
0x5c: {  	_ =	shalt  }
0x5d: {  	_ =	shalt  }
0x5e: {  	_ =	shalt  }
0x5f: {  	_ =	shalt  }
0x60: {  	_ =	shalt  }
0x61: {  	_ =	shalt  }
0x62: {  	_ =	shalt  }
0x63: {  	_ =	shalt  }
0x64: {  	_ =	shalt  }
0x65: {  	_ =	shalt  }
0x66: {  	_ =	shalt  }
0x67: {  	_ =	shalt  }
0x68: {  	_ =	shalt  }
0x69: {  	_ =	shalt  }
0x6a: {  	_ =	shalt  }
0x6b: {  	_ =	shalt  }
0x6c: {  	_ =	shalt  }
0x6d: {  	_ =	shalt  }
0x6e: {  	_ =	shalt  }
0x6f: {  	_ =	shalt  }
0x70: {  	_ =	shalt  }
0x71: {  	_ =	shalt  }
0x72: {  	_ =	shalt  }
0x73: {  	_ =	shalt  }
0x74: {  	_ =	shalt  }
0x75: {  	_ =	shalt  }
0x76: {  	_ =	shalt  }
0x77: {  	_ =	shalt  }
0x78: {  	_ =	shalt  }
0x79: {  	_ =	shalt  }
0x7a: {  	_ =	shalt  }
0x7b: {  	_ =	shalt  }
0x7c: {  	_ =	shalt  }
0x7d: {  	_ =	shalt  }
0x7e: {  	_ =	shalt  }
0x7f: {  	_ =	shalt  }
0x80: {  	_ =	shalt  }
0x81: {  	_ =	shalt  }
0x82: {  	_ =	shalt  }
0x83: {  	_ =	shalt  }
0x84: {  	_ =	shalt  }
0x85: {  	_ =	shalt  }
0x86: {  	_ =	shalt  }
0x87: {  	_ =	shalt  }
.Lfunc_end0:
.L_simem_size_0:
called_computation.2_lowered:
.L_overlay_start_0:
0x88: {  	s2 =	sld [smem:$0x3FD9]  }
0x89: {  	s3 =	sld [smem:$0x3FFE];
	_ =	sdelay $0x1  }
0x8a: {  	s1 =	srdreg.scid  }
0x8b: {  	s0 =	sand.u32 $0x1, s1  }
0x8c: {  	s17 =	sshll.u32 s0, $0xA;
	s2 =	sadd.s32 s3, s2  }
0x8d: {  	s2 =	sadd.s32 s2, s17  }
0x8e: {  	[smem:$0x3FC0] =	sst s2  }
0x8f: {  	_ = 	snop  }
0x90: {  	s2 =	sld [smem:$0x3FD0];
	(tm) =	ssettm $0x1  }
0x91: {  	s18 =	sld [smem:$0x3FFB];
	_ =	sdelay $0x3  }
0x92: {  	_ =	strace s18  }
0x93: {  	s3 =	sld [smem:$0x3FFC];
	_ =	sdelay $0x3  }
0x94: {  	_ =	strace s3  }
0x95: {  	s3 =	sld [smem:$0x3FFD];
	_ =	sdelay $0x3  }
0x96: {  	_ =	strace s3  }
0x97: {  	_ =	strace $0x8FFFFFFF  }
0x98: {  	s19 =	sld [smem:$0x3FDB];
	_ =	sdelay $0x1  }
0x99: {  	s4 =	simm.s32 $_scs_section_size  }
0x9a: {  	s5 =	simm.s32 $_size__tile_overlayer_lowered;
	s6 =	simm.s32 $_tile_overlayer_lowered  }
0x9b: {  	s22 =	simm.s32 $0x1BFF;
	s21 =	sshll.u32 s6, $0x1;
	s3 =	sadd.s32 s4, s19  }
0x9c: {  	s7 =	simm.s32 $0x0;
	s20 =	sshll.u32 s5, $0x1;
	s5 =	sadd.s32 s21, s3  }
0x9d: {  	[timem:s7], [sflag:s22] =	dma.local [hbm:s5], s20  }
0x9e: {  	_ =	swait.ge [sflag:s22], s20  }
0x9f: {  	s4 =	ssub.s32 $0x0, s20;
	[sflag:s22] =	ssyncset.done $0x0  }
0xa0: {  	[sflag:s22] =	ssyncadd.s32 s4;
	_ =	sdelay $0x1  }
0xa1: {  	s23 =	simm.s32 $0x1B8B  }
0xa2: {  	_ =	swait.ge [sflag:s23], $0x1  }
0xa3: {  	[sflag:s23] =	ssyncset.done $0x0  }
0xa4: {  	s25 =	simm.s32 $0x1B8E;
	s24 =	sld [smem:$0x3FFE];
	[sflag:s23] =	ssyncadd.s32 $0xFFFFFFFF  }
0xa5: {  	s26 =	simm.s32 $execute0_lowered;
	[smem:$0x3FD2] =	sst s25  }
0xa6: {  	s5 =	sshll.u32 s26, $0x1;
	_ =	strace $0x8000004C;
	[dreg:$0x1] =	wrdreg $0xFFFFFFFF  }
0xa7: {  	s28 =	simm.s32 $_size_execute0_lowered;
	s3 =	sadd.s32 s3, s5;
	[dreg:$0x0] =	wrdreg $0x0  }
0xa8: {  	s5 =	sshll.u32 s28, $0x1;
	[dreg:$0x2] =	wrdreg s3  }
0xa9: {  	[dreg:$0x3] =	wrdreg s5  }
0xaa: {  	[dreg:$0x4] =	wrdreg $0xC0  }
0xab: {  	_ =	task [dreg:s7], $0x5FFFF  }
0xac: {  	[dreg:$0x1] =	wrdreg $0xFFFFFFFF  }
0xad: {  	[dreg:$0x0] =	wrdreg $0x60  }
0xae: {  	[dreg:$0x2] =	wrdreg s2  }
0xaf: {  	[dreg:$0x3] =	wrdreg s24  }
0xb0: {  	[dreg:$0x4] =	wrdreg $0xBC000  }
0xb1: {  	[dreg:$0x5] =	wrdreg $0x9  }
0xb2: {  	_ =	task.clear_ibuf [dreg:s7], $0x6FFFF;
	_ =	strace $0x9000004C  }
0xb3: {  	s29 =	simm.s32 $0x9;
	_ =	strace $0x8000004E  }
0xb4: {  	_ =	swait.ge [sflag:s29], $0x1  }
0xb5: {  	[sflag:s29] =	ssyncadd.s32 $0xFFFFFFFF  }
0xb6: {  	_ =	strace $0x9000004E  }
0xb7: {  	_ =	sfence  }
0xb8: {  	s30 =	sld [smem:$0x0];
	_ =	sdelay $0x2  }
0xb9: {  	s31 =	sshll.u32 s1, $0xD;
	s1 =	sshrl.u32 s1, $0x2  }
0xba: {  	s3 =	sand.u32 $0x4000, s31;
	s1 =	sadd.s32 s1, s30  }
0xbb: {  	s0 =	sor.u32 s3, s0;
	s1 =	sshll.u32 s1, $0x11  }
0xbc: {  	s0 =	sor.u32 s1, s0  }
0xbd: {  	s0 =	sadd.s32 $0x8F2B, s0  }
0xbe: {  	[sflag:s0] =	ssyncadd.remote.s32 $0x1  }
0xbf: {  	_ =	sfence.sel $0xFFFF  }
0xc0: {  	[dreg:$0x0] =	wrdreg $0xFFFFFFFF;
	(pc) =	sbr.abs _section_cstart, $3  }
0xc1: {  	[dreg:$0x1] =	wrdreg $0xFFFFFFFF  }
0xc2: {  	_ =	task.clear_ibuf [dreg:s7], $0x2FFFF;
	_ =	strace $0x9FFFFFFF  }
0xc3: {  	(tm) =	ssettm $0x7FFFFFFF  }
tec
execute0_lowered:
.L_overlay_start_1:
0x0: {  	(tag) =	ssettag $0x1  }
0x1: {  	s5 =	rddreg [dreg:$0x0]  }
0x2: {  	s1 =	srdreg.scid;
	s6 =	rddreg [dreg:$0x1]  }
0x3: {  	s0 =	stileid.u32;
	s2 =	rddreg [dreg:$0x2];
	s3 =	simm.s32 $0x0  }
0x4: {  	s16 =	simm.s32 $0x3;
	s17 =	simm.s32 $0x2C00;
	s18 =	simm.s32 $0x3C00  }
0x5: {  	s19 =	simm.s32 $0x80;
	s20 =	simm.s32 $0x1;
	s21 =	simm.s32 $0x7C00  }
0x6: {  	s22 =	simm.s32 $0x2;
	s23 =	simm.s32 $0x3400;
	s24 =	simm.s32 $0x0  }
0x7: {  	s4 =	sand.u32 $0x1, s1;
	s29 =	sshll.u32 s0, $0x1;
	s9 =	smul.u32 $0x14000, s0  }
0x8: {  	[smem:$0x7FF] =	sst s3;
	s12 =	smul.u32 $0x50000, s0;
	s1 =	sor.u32 s4, s29  }
0x9: {  	s8 =	smul.u32 $0x140000, s4;
	_ =	strace $0x8000004D;
	s30 =	ssub.s32 $0x2, s4  }
0xa: {  	s4 =	sadd.s32 $0x17200, s6;
	s7 =	smul.u32 $0x2C00, s1;
	s11 =	sshrl.u32 s30, $0x1  }
0xb: {  	s31 =	sshrl.u32 s12, $0x2;
	s8 =	sadd.s32 s9, s8;
	s11 =	ssub.s32 s30, s11  }
0xc: {  	s7 =	sshrl.u32 s7, $0x3;
	s8 =	sshrl.u32 s8, $0x3;
	s11 =	smax.u32 s11, $0x1  }
0xd: {  	s10 =	sadd.s32 s7, s6;
	s13 =	sadd.s32 s8, s6;
	s5 =	sadd.s32 s5, s7  }
0xe: {  	s7 =	sadd.s32 s31, s2;
	s6 =	sadd.s32 $0xC200, s10;
	s8 =	sadd.s32 $0xC600, s10  }
0xf: {  	s9 =	sadd.s32 $0xC400, s10;
	s10 =	sadd.s32 $0x3F200, s13;
	s12 =	sadd.s32 $0x4000, s7  }
0x10: {  	v0 =	vimm.f32 $0.0e+00;
	s13 =	sadd.s32 $0x8000, s7;
	s14 =	sadd.s32 $0xC000, s7;
	s15 =	sadd.s32 $0x10000, s7  }
.LBB2_1:
0x11: {  	[tilespmem:s3], [sflag:$0x3] =	stream.linear.gather [hbm4b:s5+s3], $0x2880, $0x38;
	[tilespmem:$0x1FC00] =	vst v63  }
0x12: {  	_ =	swait.ge [sflag:s16], $0x2880  }
0x13: {  	[sflag:s16] =	ssyncset.done $0x0  }
0x14: {  	[sflag:s16] =	ssyncadd.s32 $0xFFFFD780  }
0x15: {  	[tilespmem:s17], [sflag:$0x3] =	stream.linear.gather [hbm4b:s6+s3], $0x1000, $0x38;
	[tilespmem:$0x1FC00] =	vst v63  }
0x16: {  	s25 =	sand.u32 $0xFE00, s3;
	s26 =	sand.u32 $0x70, s3;
	_ =	swait.ge [sflag:s16], $0x1000  }
0x17: {  	s28 =	sshrl.u32 s25, $0x2;
	s25 =	simm.s32 $0x40;
	[sflag:s16] =	ssyncset.done $0x0  }
0x18: {  	s28 =	sor.u32 s26, s28;
	s26 =	simm.s32 $0x0;
	[sflag:s16] =	ssyncadd.s32 $0xFFFFF000  }
.LBB2_2:
0x19: {  	p0 =	sne.s32 s25, $0xFFC0  }
0x1a: {  	[tilespmem:s28+$0x3C00] =	vst v0;
	s26 =	sadd.s32 $0x10, s26;
	s28 =	smov.u32 s25;
	s25 =	sadd.s32 $0x40, s25  }
.Ltmp0:
0x1b: {  	(pc) =	sbr.rel @p0 .LBB2_2-.Ltmp0, $4  }
0x1c: {  	_ = 	snop  }
0x1d: {  	s28 =	sand.u32 $0xFE00, s28  }
0x1e: {  	s29 =	sand.u32 $0x70, s26;
	s28 =	sshrl.u32 s28, $0x2  }
0x1f: {  	s28 =	sor.u32 s29, s28  }
0x20: {  	[tilespmem:s28+$0x3C00] =	vst v0  }
0x21: {  	[spmem:s7] =	stream.linear.scatter [tilespmem:s18], [sflag:$0x3], $0x4000, $0x38;
	[tilespmem:$0x1FC00] =	vst v63  }
0x22: {  	_ =	swait.ge [sflag:s16], $0x4000  }
0x23: {  	[sflag:s16] =	ssyncset.done $0x0  }
0x24: {  	[sflag:s16] =	ssyncadd.s32 $0xFFFFC000  }
0x25: {  	[spmem:s12] =	stream.linear.scatter [tilespmem:s18], [sflag:$0x3], $0x4000, $0x38;
	[tilespmem:$0x1FC00] =	vst v63  }
0x26: {  	_ =	swait.ge [sflag:s16], $0x4000  }
0x27: {  	[sflag:s16] =	ssyncset.done $0x0  }
0x28: {  	[sflag:s16] =	ssyncadd.s32 $0xFFFFC000  }
0x29: {  	[spmem:s13] =	stream.linear.scatter [tilespmem:s18], [sflag:$0x3], $0x4000, $0x38;
	[tilespmem:$0x1FC00] =	vst v63  }
0x2a: {  	_ =	swait.ge [sflag:s16], $0x4000  }
0x2b: {  	[sflag:s16] =	ssyncset.done $0x0  }
0x2c: {  	[sflag:s16] =	ssyncadd.s32 $0xFFFFC000  }
0x2d: {  	[spmem:s14] =	stream.linear.scatter [tilespmem:s18], [sflag:$0x3], $0x4000, $0x38;
	[tilespmem:$0x1FC00] =	vst v63  }
0x2e: {  	_ =	swait.ge [sflag:s16], $0x4000  }
0x2f: {  	[sflag:s16] =	ssyncset.done $0x0  }
0x30: {  	[sflag:s16] =	ssyncadd.s32 $0xFFFFC000  }
0x31: {  	[spmem:s15] =	stream.linear.scatter [tilespmem:s18], [sflag:$0x3], $0x4000, $0x38;
	[tilespmem:$0x1FC00] =	vst v63  }
0x32: {  	_ =	swait.ge [sflag:s16], $0x4000  }
0x33: {  	[sflag:s16] =	ssyncset.done $0x0  }
0x34: {  	p0 =	por $0x0, $0x0;
	[sflag:s16] =	ssyncadd.s32 $0xFFFFC000  }
0x35: {  	s25 =	simm.s32 $0x0;
	s26 =	simm.s32 @p0 $0x2C00;
	[bflag:$0x0] =	sbarrier.arrive $0xFFFF  }
0x36: {  	[tilespmem:s18], [sflag:$0x1] =	stream.indirect.gather [hbm4b:s4+s19], $0x80, s25, s19, $0xb8;
	[tilespmem:$0x1FC00] =	vst v63  }
0x37: {  	s28 =	simm.s32 @p0 $0x3;
	p1 =	por @!p0 $0x1, $0x1;
	s25 =	simm.s32 @p0 $0x0  }
0x38: {  	[tilespmem:s26], [sflag:$0x3] =	stream.linear.gather @p0 [hbm4b:s8+s25], $0x880, $0x38;
	[tilespmem:$0x1FC00] =	vst v63  }
0x39: {  	p1 =	por p1, p0;
	_ =	swait.ge @p0 [sflag:s28], $0x880  }
0x3a: {  	s25 =	simm.s32 @!p1 $0x0;
	[sflag:s28] =	ssyncset.done @p0 $0x0  }
0x3b: {  	s26 =	simm.s32 @!p1 $0x2C00;
	[sflag:s28] =	ssyncadd.s32 @p0 $0xFFFFF780;
	s28 =	simm.s32 @!p1 $0x3  }
0x3c: {  	[tilespmem:s26], [sflag:$0x3] =	stream.linear.gather @!p1 [hbm4b:s9+s25], $0x1000, $0x38;
	[tilespmem:$0x1FC00] =	vst v63  }
0x3d: {  	_ =	swait.ge @!p1 [sflag:s28], $0x1000  }
0x3e: {  	[sflag:s28] =	ssyncset.done @!p1 $0x0  }
0x3f: {  	[sflag:s28] =	ssyncadd.s32 @!p1 $0xFFFFF000  }
0x40: {  	_ =	swait.ge [sflag:s20], $0x4000  }
0x41: {  	s26 =	simm.s32 $0x0;
	[sflag:s20] =	ssyncset.done $0x0  }
0x42: {  	s29 =	simm.s32 $0x80;
	s25 =	sand.u32 $0xF00, s26;
	[sflag:s20] =	ssyncadd.s32 $0xFFFFC000  }
0x43: {  	[tilespmem:s21], [sflag:$0x2] =	stream.indirect.gather [hbm4b:s4+s19], $0x80, s29, s19, $0xb8;
	[tilespmem:$0x1FC00] =	vst v63  }
0x44: {  	s30 =	sadd.s32 $0x2C00, s25  }
0x45: {  	[spmem:s2] =	stream.indirect.scatter.add.f32 [tilespmem:s18], [sflag:$0x3], $0x80, s30, s19, $0xb8;
	[tilespmem:$0x1FC00] =	vst v63  }
0x46: {  	_ =	swait.ge [sflag:s16], $0x4000  }
0x47: {  	[sflag:s16] =	ssyncset.done $0x0  }
0x48: {  	[sflag:s16] =	ssyncadd.s32 $0xFFFFC000  }
0x49: {  	_ =	swait.ge [sflag:s22], $0x4000  }
0x4a: {  	[sflag:s22] =	ssyncset.done $0x0  }
0x4b: {  	s31 =	simm.s32 $0x100;
	[sflag:s22] =	ssyncadd.s32 $0xFFFFC000  }
0x4c: {  	[tilespmem:s18], [sflag:$0x1] =	stream.indirect.gather [hbm4b:s4+s19], $0x80, s31, s19, $0xb8;
	[tilespmem:$0x1FC00] =	vst v63  }
0x4d: {  	s26 =	simm.s32 $0x1;
	s25 =	sadd.s32 $0x2C80, s25  }
0x4e: {  	[spmem:s2] =	stream.indirect.scatter.add.f32 [tilespmem:s21], [sflag:$0x3], $0x80, s25, s19, $0xb8;
	[tilespmem:$0x1FC00] =	vst v63  }
0x4f: {  	s28 =	simm.s32 $0x2;
	s25 =	simm.s32 $0x400;
	_ =	swait.ge [sflag:s16], $0x4000  }
.LBB2_4:
0x50: {  	p1 =	seq.s32 s26, $0x20  }
0x51: {  	[sflag:s16] =	ssyncset.done $0x0;
	s29 =	smov.u32 s28;
	s28 =	sadd.s32 $0x1, s28  }
0x52: {  	s30 =	simm.s32 @p1 $0x0;
	s31 =	simm.s32 @p1 $0x2C00;
	s1 =	simm.s32 @p1 $0x3  }
0x53: {  	p0 =	sne.s32 s28, $0x28;
	p2 =	sne.s32 @!p1 s26, $0x10;
	[sflag:s16] =	ssyncadd.s32 $0xFFFFC000  }
0x54: {  	[tilespmem:s31], [sflag:$0x3] =	stream.linear.gather @p1 [hbm4b:s8+s30], $0x880, $0x38;
	[tilespmem:$0x1FC00] =	vst v63  }
0x55: {  	s26 =	smov.u32 s29;
	p2 =	por p2, p1;
	_ =	swait.ge @p1 [sflag:s1], $0x880  }
0x56: {  	s29 =	simm.s32 @!p2 $0x0;
	s30 =	simm.s32 @!p2 $0x2C00;
	[sflag:s1] =	ssyncset.done @p1 $0x0  }
0x57: {  	[sflag:s1] =	ssyncadd.s32 @p1 $0xFFFFF780;
	s1 =	simm.s32 @!p2 $0x3  }
0x58: {  	[tilespmem:s30], [sflag:$0x3] =	stream.linear.gather @!p2 [hbm4b:s9+s29], $0x1000, $0x38;
	[tilespmem:$0x1FC00] =	vst v63  }
0x59: {  	_ =	swait.ge @!p2 [sflag:s1], $0x1000  }
0x5a: {  	[sflag:s1] =	ssyncset.done @!p2 $0x0  }
0x5b: {  	[sflag:s1] =	ssyncadd.s32 @!p2 $0xFFFFF000  }
0x5c: {  	s1 =	sshra.s32 s25, $0x2;
	_ =	swait.ge [sflag:s20], $0x4000  }
0x5d: {  	s30 =	sshrl.u32 s25, $0x2;
	s29 =	sadd.s32 $0x80, s1;
	[sflag:s20] =	ssyncset.done $0x0  }
0x5e: {  	s30 =	sand.u32 $0xF00, s30;
	[sflag:s20] =	ssyncadd.s32 $0xFFFFC000  }
0x5f: {  	[tilespmem:s21], [sflag:$0x2] =	stream.indirect.gather [hbm4b:s4+s19], $0x80, s29, s19, $0xb8;
	[tilespmem:$0x1FC00] =	vst v63  }
0x60: {  	s29 =	sadd.s32 $0x2C00, s30  }
0x61: {  	[spmem:s2] =	stream.indirect.scatter.add.f32 [tilespmem:s18], [sflag:$0x3], $0x80, s29, s19, $0xb8;
	[tilespmem:$0x1FC00] =	vst v63  }
0x62: {  	_ =	swait.ge [sflag:s16], $0x4000  }
0x63: {  	[sflag:s16] =	ssyncset.done $0x0  }
0x64: {  	[sflag:s16] =	ssyncadd.s32 $0xFFFFC000  }
0x65: {  	_ =	swait.ge [sflag:s22], $0x4000  }
0x66: {  	s1 =	sadd.s32 $0x100, s1;
	[sflag:s22] =	ssyncset.done $0x0  }
.Ltmp1:
0x67: {  	s29 =	sadd.s32 $0x2C80, s30;
	[sflag:s22] =	ssyncadd.s32 $0xFFFFC000;
	(pc) =	sbr.rel @p0 .LBB2_4-.Ltmp1, $4  }
0x68: {  	[tilespmem:s18], [sflag:$0x1] =	stream.indirect.gather [hbm4b:s4+s19], $0x80, s1, s19, $0xb8;
	[tilespmem:$0x1FC00] =	vst v63  }
0x69: {  	_ = 	snop  }
0x6a: {  	[spmem:s2] =	stream.indirect.scatter.add.f32 [tilespmem:s21], [sflag:$0x3], $0x80, s29, s19, $0xb8;
	[tilespmem:$0x1FC00] =	vst v63  }
0x6b: {  	s25 =	sadd.s32 $0x400, s25;
	_ =	swait.ge [sflag:s16], $0x4000  }
0x6c: {  	p0 =	seq.s32 s26, $0x20  }
0x6d: {  	[sflag:s16] =	ssyncset.done $0x0;
	s1 =	simm.s32 @p0 $0x0;
	s28 =	simm.s32 @p0 $0x2C00  }
0x6e: {  	s29 =	simm.s32 @p0 $0x3;
	p1 =	sne.s32 @!p0 s26, $0x10;
	[sflag:s16] =	ssyncadd.s32 $0xFFFFC000  }
0x6f: {  	[tilespmem:s28], [sflag:$0x3] =	stream.linear.gather @p0 [hbm4b:s8+s1], $0x880, $0x38;
	[tilespmem:$0x1FC00] =	vst v63  }
0x70: {  	p1 =	por p1, p0;
	_ =	swait.ge @p0 [sflag:s29], $0x880  }
0x71: {  	s1 =	simm.s32 @!p1 $0x0;
	[sflag:s29] =	ssyncset.done @p0 $0x0  }
0x72: {  	s26 =	simm.s32 @!p1 $0x2C00;
	s28 =	simm.s32 @!p1 $0x3;
	[sflag:s29] =	ssyncadd.s32 @p0 $0xFFFFF780  }
0x73: {  	[tilespmem:s26], [sflag:$0x3] =	stream.linear.gather @!p1 [hbm4b:s9+s1], $0x1000, $0x38;
	[tilespmem:$0x1FC00] =	vst v63  }
0x74: {  	_ =	swait.ge @!p1 [sflag:s28], $0x1000  }
0x75: {  	[sflag:s28] =	ssyncset.done @!p1 $0x0  }
0x76: {  	[sflag:s28] =	ssyncadd.s32 @!p1 $0xFFFFF000  }
0x77: {  	_ =	swait.ge [sflag:s20], $0x4000  }
0x78: {  	s30 =	sshrl.u32 s25, $0x2;
	s29 =	sshra.s32 s25, $0x2;
	[sflag:s20] =	ssyncset.done $0x0  }
0x79: {  	s25 =	sand.u32 $0xF00, s30;
	s31 =	sadd.s32 $0x80, s29;
	[sflag:s20] =	ssyncadd.s32 $0xFFFFC000  }
0x7a: {  	[tilespmem:s21], [sflag:$0x2] =	stream.indirect.gather [hbm4b:s4+s19], $0x80, s31, s19, $0xb8;
	[tilespmem:$0x1FC00] =	vst v63  }
0x7b: {  	s28 =	sadd.s32 $0x2C00, s25  }
0x7c: {  	[spmem:s2] =	stream.indirect.scatter.add.f32 [tilespmem:s18], [sflag:$0x3], $0x80, s28, s19, $0xb8;
	[tilespmem:$0x1FC00] =	vst v63  }
0x7d: {  	_ =	swait.ge [sflag:s16], $0x4000  }
0x7e: {  	[sflag:s16] =	ssyncset.done $0x0  }
0x7f: {  	[sflag:s16] =	ssyncadd.s32 $0xFFFFC000  }
0x80: {  	_ =	swait.ge [sflag:s22], $0x4000  }
0x81: {  	[sflag:s22] =	ssyncset.done $0x0  }
0x82: {  	s1 =	sadd.s32 $0x100, s29;
	[sflag:s22] =	ssyncadd.s32 $0xFFFFC000  }
0x83: {  	[tilespmem:s18], [sflag:$0x1] =	stream.indirect.gather [hbm4b:s4+s19], $0x80, s1, s19, $0xb8;
	[tilespmem:$0x1FC00] =	vst v63  }
0x84: {  	s29 =	sadd.s32 $0x2C80, s25  }
0x85: {  	[spmem:s2] =	stream.indirect.scatter.add.f32 [tilespmem:s21], [sflag:$0x3], $0x80, s29, s19, $0xb8;
	[tilespmem:$0x1FC00] =	vst v63  }
0x86: {  	_ =	swait.ge [sflag:s16], $0x4000  }
0x87: {  	[sflag:s16] =	ssyncset.done $0x0  }
0x88: {  	[sflag:s16] =	ssyncadd.s32 $0xFFFFC000  }
0x89: {  	_ =	swait.ge [sflag:s20], $0x4000  }
0x8a: {  	[sflag:s20] =	ssyncset.done $0x0  }
0x8b: {  	[sflag:s20] =	ssyncadd.s32 $0xFFFFC000  }
0x8c: {  	[spmem:s2] =	stream.indirect.scatter.add.f32 [tilespmem:s18], [sflag:$0x3], $0x80, s23, s19, $0xb8;
	[tilespmem:$0x1FC00] =	vst v63  }
0x8d: {  	_ =	swait.ge [sflag:s16], $0x4000  }
0x8e: {  	s24 =	sadd.s32 $0x1, s24;
	s30 =	sshll.u32 s0, $0x6;
	[sflag:s16] =	ssyncset.done $0x0  }
0x8f: {  	p0 =	sne.s32 s24, s11;
	s31 =	sshrl.u32 s7, $0x3;
	[sflag:s16] =	ssyncadd.s32 $0xFFFFC000  }
.Ltmp2:
0x90: {  	s1 =	sor.u32 $0x1C03, s30;
	[bflag:$0x0] =	sbarrier.arrive $0xFFFF;
	(pc) =	sbr.rel @p0 .LBB2_1-.Ltmp2, $4  }
0x91: {  	[hbm:s10], [sflag:s1] =	dma.local [spmem:s31], $0x2800  }
0x92: {  	_ =	swait.ge [sflag:s16], $0x2800  }
0x93: {  	[sflag:s16] =	ssyncset.done $0x0  }
0x94: {  	[sflag:s16] =	ssyncadd.s32 $0xFFFFD800  }
0x95: {  	_ =	sfence.sel $0x180000  }
0x96: {  	[bflag:$0x0] =	sbarrier.arrive $0xFFFF  }
0x97: {  	_ =	strace $0x9000004D  }
0x98: {  	[bflag:$0x2] =	sbarrier.arrive $0xFFFF  }
0x99: {  	p0 =	sne.s32 s0, $0x0;
	s0 =	rddreg [dreg:$0x3]  }
0x9a: {  	s0 =	sadd.s32 @!p0 $0x100000, s0  }
0x9b: {  	[sflag:s0] =	ssyncadd.tile.s32 @!p0 $0x1;
	_ =	shalt  }
.Lfunc_end2:
_tile_overlayer_lowered:
.L_overlay_start_2:
0x9c: {  	(tag) =	ssettag $0x2  }
0x9d: {  	s0 =	rddreg [dreg:$0x0];
	s2 =	stileid.u32  }
0x9e: {  	s1 =	rddreg [dreg:$0x1];
	p0 =	sne.s32 s2, $0x0  }
0x9f: {  	s3 =	rddreg [dreg:$0x2];
	[bflag:$0x3] =	sbarrier.arrive $0xFFFF;
	s2 =	simm.s32 @!p0 $0x1C03  }
0xa0: {  	[timem:s3], [sflag:s2] =	dma.local @!p0 [hbm:s0], s1  }
0xa1: {  	s0 =	simm.s32 @!p0 $0x3  }
0xa2: {  	_ =	swait.ge @!p0 [sflag:s0], s1  }
0xa3: {  	s1 =	ssub.s32 @!p0 $0x0, s1;
	[sflag:s0] =	ssyncset.done @!p0 $0x0  }
0xa4: {  	[sflag:s0] =	ssyncadd.s32 @!p0 s1  }
0xa5: {  	[bflag:$0x3] =	sbarrier.arrive $0xFFFF  }
0xa6: {  	_ =	shalt  }

// kernel: kernel.8.cloned.1.call-start
scs
__scs_entry_jumppad:
0x0: {  	(pc) =	sbr.rel $0x88, $3  }
0x1: {  	(tag) =	ssettag $0x0;
	lr =	simm.s32 $0x1  }
0x2: {  	[smem:$0x3F99] =	sst lr;
	_ =	strace $0xD0000000  }
0x3: {  	_ = 	snop  }
0x4: {  	_ = 	snop  }
0x5: {  	_ = 	snop  }
0x6: {  	_ = 	snop  }
0x7: {  	_ = 	snop  }
__scs_overlays_trampoline_lowered:
0x8: {  	[smem:$0x3FA8] =	sst s0  }
0x9: {  	[smem:$0x3FA9] =	sst s1  }
0xa: {  	[smem:$0x3FAA] =	sst s2  }
0xb: {  	[smem:$0x3FAB] =	sst s3  }
0xc: {  	[smem:$0x3FAC] =	sst s4  }
0xd: {  	[smem:$0x3FAD] =	sst s5  }
0xe: {  	[smem:$0x3FAE] =	sst s6  }
0xf: {  	[smem:$0x3FAF] =	sst s7  }
0x10: {  	[smem:$0x3FB0] =	sst s8  }
0x11: {  	[smem:$0x3FB1] =	sst s9;
	s0 =	simm.s32 @!p0 $0x0  }
0x12: {  	s1 =	sld [smem:$0x3F97];
	s0 =	simm.s32 @p0 $0x1  }
0x13: {  	[smem:$0x3FB2] =	sst s0;
	s0 =	simm.s32 @!p1 $0x0  }
0x14: {  	s2 =	sld [smem:$0x3F96];
	s0 =	simm.s32 @p1 $0x1  }
0x15: {  	[smem:$0x3FB3] =	sst s0;
	s0 =	simm.s32 @!p2 $0x0  }
0x16: {  	s3 =	sld [smem:$0x3FDB];
	s0 =	simm.s32 @p2 $0x1  }
0x17: {  	s4 =	simm.s32 $0x1BF5;
	[smem:$0x3FB5] =	sst s0  }
0x18: {  	s0 =	sld [smem:$0x3F98];
	_ =	swait.ge [sflag:s4], $0x0  }
0x19: {  	s7 =	sld [smem:$0x3F99]  }
0x1a: {  	s8 =	sadd.s32 $0xFFFFE003, lr  }
0x1b: {  	s9 =	sadd.s32 $0xFFFFFEF7, lr;
	s5 =	simm.s32 $0xFFFFFFFF;
	p2 =	slt.u32 s8, $0xFFFFF086  }
0x1c: {  	p1 =	slt.u32 s9, $0xF7A;
	s5 =	simm.s32 @!p2 $0x0  }
0x1d: {  	s5 =	simm.s32 @p1 $0x1;
	p0 =	seq.s32 s7, s2  }
0x1e: {  	s7 =	smul.u32 @!p0 $0xF7A, s2;
	p2 =	seq.s32 @!p0 s5, $0x0  }
0x1f: {  	s9 =	smul.u32 $0xF7A, s1;
	s8 =	simm.s32 @!p0 $0x1BF5;
	p2 =	por !p2, p0  }
0x20: {  	[sflag:s8] =	ssyncset.s32 @!p0 $0xFFFFF086;
	s6 =	sadd.s32 @!p0 s3, s7;
	s7 =	simm.s32 @!p0 $0x108  }
0x21: {  	s3 =	sadd.s32 s3, s9;
	s6 =	sadd.s32 @!p0 $0x88, s6;
	s7 =	simm.s32 @p2 $0x1082  }
0x22: {  	[simem:s7], [sflag:s8] =	dma.local @!p0 [hbm:s6], $0xF7A  }
0x23: {  	s9 =	sor.u32 $0xD0000000, s2;
	s6 =	simm.s32 $0x108;
	_ =	swait.ge @!p0 [sflag:s8], $0x0  }
0x24: {  	s3 =	sadd.s32 $0x88, s3;
	s6 =	simm.s32 @!p1 $0x1082;
	[sflag:s4] =	ssyncset.s32 $0xFFFFF086  }
0x25: {  	[simem:s6], [sflag:s4] =	dma.local [hbm:s3], $0xF7A  }
0x26: {  	[smem:$0x3F99] =	sst s1;
	(tag) =	ssettag s2;
	_ =	strace s9  }
0x27: {  	s1 =	sld [smem:$0x3FA9]  }
0x28: {  	s2 =	sld [smem:$0x3FAA]  }
0x29: {  	s4 =	sld [smem:$0x3FAC]  }
0x2a: {  	p0 =	seq.s32 s5, $0x0;
	s5 =	sld [smem:$0x3FAD]  }
0x2b: {  	s6 =	sld [smem:$0x3FAE]  }
0x2c: {  	s7 =	sld [smem:$0x3FAF]  }
0x2d: {  	s3 =	simm.s32 $0x108;
	s8 =	sld [smem:$0x3FB0]  }
0x2e: {  	s3 =	simm.s32 @!p0 $0x1082;
	s9 =	sld [smem:$0x3FB1]  }
0x2f: {  	lr =	sadd.s32 s0, s3;
	s0 =	sld [smem:$0x3FA8]  }
0x30: {  	s3 =	sld [smem:$0x3FAB]  }
0x31: {  	[smem:$0x3FB4] =	sst s10  }
0x32: {  	s10 =	sld [smem:$0x3FB2];
	_ =	sdelay $0x3  }
0x33: {  	p0 =	seq.s32 s10, $0x1;
	s10 =	sld [smem:$0x3FB4];
	_ =	sdelay $0x3  }
0x34: {  	[smem:$0x3FB4] =	sst s10  }
0x35: {  	s10 =	sld [smem:$0x3FB3];
	_ =	sdelay $0x3  }
0x36: {  	p1 =	seq.s32 s10, $0x1;
	s10 =	sld [smem:$0x3FB4];
	_ =	sdelay $0x3  }
0x37: {  	[smem:$0x3FB4] =	sst s10  }
0x38: {  	s10 =	sld [smem:$0x3FB5]  }
0x39: {  	_ = 	snop;
	(pc) =	sbr.ind lr, $3  }
0x3a: {  	_ = 	snop  }
0x3b: {  	_ = 	snop  }
0x3c: {  	p2 =	seq.s32 s10, $0x1;
	s10 =	sld [smem:$0x3FB4]  }
0x3d: {  	_ =	shalt  }
0x3e: {  	_ =	shalt  }
0x3f: {  	_ =	shalt  }
0x40: {  	_ =	shalt  }
0x41: {  	_ =	shalt  }
0x42: {  	_ =	shalt  }
0x43: {  	_ =	shalt  }
0x44: {  	_ =	shalt  }
0x45: {  	_ =	shalt  }
0x46: {  	_ =	shalt  }
0x47: {  	_ =	shalt  }
0x48: {  	_ =	shalt  }
0x49: {  	_ =	shalt  }
0x4a: {  	_ =	shalt  }
0x4b: {  	_ =	shalt  }
0x4c: {  	_ =	shalt  }
0x4d: {  	_ =	shalt  }
0x4e: {  	_ =	shalt  }
0x4f: {  	_ =	shalt  }
0x50: {  	_ =	shalt  }
0x51: {  	_ =	shalt  }
0x52: {  	_ =	shalt  }
0x53: {  	_ =	shalt  }
0x54: {  	_ =	shalt  }
0x55: {  	_ =	shalt  }
0x56: {  	_ =	shalt  }
0x57: {  	_ =	shalt  }
0x58: {  	_ =	shalt  }
0x59: {  	_ =	shalt  }
0x5a: {  	_ =	shalt  }
0x5b: {  	_ =	shalt  }
0x5c: {  	_ =	shalt  }
0x5d: {  	_ =	shalt  }
0x5e: {  	_ =	shalt  }
0x5f: {  	_ =	shalt  }
0x60: {  	_ =	shalt  }
0x61: {  	_ =	shalt  }
0x62: {  	_ =	shalt  }
0x63: {  	_ =	shalt  }
0x64: {  	_ =	shalt  }
0x65: {  	_ =	shalt  }
0x66: {  	_ =	shalt  }
0x67: {  	_ =	shalt  }
0x68: {  	_ =	shalt  }
0x69: {  	_ =	shalt  }
0x6a: {  	_ =	shalt  }
0x6b: {  	_ =	shalt  }
0x6c: {  	_ =	shalt  }
0x6d: {  	_ =	shalt  }
0x6e: {  	_ =	shalt  }
0x6f: {  	_ =	shalt  }
0x70: {  	_ =	shalt  }
0x71: {  	_ =	shalt  }
0x72: {  	_ =	shalt  }
0x73: {  	_ =	shalt  }
0x74: {  	_ =	shalt  }
0x75: {  	_ =	shalt  }
0x76: {  	_ =	shalt  }
0x77: {  	_ =	shalt  }
0x78: {  	_ =	shalt  }
0x79: {  	_ =	shalt  }
0x7a: {  	_ =	shalt  }
0x7b: {  	_ =	shalt  }
0x7c: {  	_ =	shalt  }
0x7d: {  	_ =	shalt  }
0x7e: {  	_ =	shalt  }
0x7f: {  	_ =	shalt  }
0x80: {  	_ =	shalt  }
0x81: {  	_ =	shalt  }
0x82: {  	_ =	shalt  }
0x83: {  	_ =	shalt  }
0x84: {  	_ =	shalt  }
0x85: {  	_ =	shalt  }
0x86: {  	_ =	shalt  }
0x87: {  	_ =	shalt  }
.Lfunc_end0:
.L_simem_size_0:
called_computation_lowered:
.L_overlay_start_0:
0x88: {  	s2 =	sld [smem:$0x3FD9]  }
0x89: {  	s3 =	sld [smem:$0x3FFE];
	_ =	sdelay $0x1  }
0x8a: {  	s1 =	srdreg.scid  }
0x8b: {  	s0 =	sand.u32 $0x1, s1  }
0x8c: {  	s17 =	sshll.u32 s0, $0xA;
	s2 =	sadd.s32 s3, s2  }
0x8d: {  	s2 =	sadd.s32 s2, s17  }
0x8e: {  	[smem:$0x3FC0] =	sst s2  }
0x8f: {  	_ = 	snop  }
0x90: {  	s2 =	sld [smem:$0x3FD0];
	(tm) =	ssettm $0x1  }
0x91: {  	s18 =	sld [smem:$0x3FFB];
	_ =	sdelay $0x3  }
0x92: {  	_ =	strace s18  }
0x93: {  	s3 =	sld [smem:$0x3FFC];
	_ =	sdelay $0x3  }
0x94: {  	_ =	strace s3  }
0x95: {  	s3 =	sld [smem:$0x3FFD];
	_ =	sdelay $0x3  }
0x96: {  	_ =	strace s3  }
0x97: {  	_ =	strace $0x8FFFFFFF  }
0x98: {  	s19 =	sld [smem:$0x3FDB];
	_ =	sdelay $0x1  }
0x99: {  	s4 =	simm.s32 $_scs_section_size  }
0x9a: {  	s5 =	simm.s32 $_size__tile_overlayer_lowered;
	s6 =	simm.s32 $_tile_overlayer_lowered  }
0x9b: {  	s22 =	simm.s32 $0x1BFF;
	s21 =	sshll.u32 s6, $0x1;
	s3 =	sadd.s32 s4, s19  }
0x9c: {  	s7 =	simm.s32 $0x0;
	s20 =	sshll.u32 s5, $0x1;
	s5 =	sadd.s32 s21, s3  }
0x9d: {  	[timem:s7], [sflag:s22] =	dma.local [hbm:s5], s20  }
0x9e: {  	_ =	swait.ge [sflag:s22], s20  }
0x9f: {  	s4 =	ssub.s32 $0x0, s20;
	[sflag:s22] =	ssyncset.done $0x0  }
0xa0: {  	[sflag:s22] =	ssyncadd.s32 s4;
	_ =	sdelay $0x1  }
0xa1: {  	s23 =	simm.s32 $0x1B8B  }
0xa2: {  	_ =	swait.ge [sflag:s23], $0x1  }
0xa3: {  	[sflag:s23] =	ssyncset.done $0x0  }
0xa4: {  	s25 =	simm.s32 $0x1B8E;
	s24 =	sld [smem:$0x3FFE];
	[sflag:s23] =	ssyncadd.s32 $0xFFFFFFFF  }
0xa5: {  	s26 =	simm.s32 $execute0_lowered;
	[smem:$0x3FD2] =	sst s25  }
0xa6: {  	s5 =	sshll.u32 s26, $0x1;
	_ =	strace $0x80000046;
	[dreg:$0x1] =	wrdreg $0xFFFFFFFF  }
0xa7: {  	s28 =	simm.s32 $_size_execute0_lowered;
	s3 =	sadd.s32 s3, s5;
	[dreg:$0x0] =	wrdreg $0x0  }
0xa8: {  	s5 =	sshll.u32 s28, $0x1;
	[dreg:$0x2] =	wrdreg s3  }
0xa9: {  	[dreg:$0x3] =	wrdreg s5  }
0xaa: {  	[dreg:$0x4] =	wrdreg $0xC0  }
0xab: {  	_ =	task [dreg:s7], $0x5FFFF  }
0xac: {  	[dreg:$0x1] =	wrdreg $0xFFFFFFFF  }
0xad: {  	[dreg:$0x0] =	wrdreg $0x60  }
0xae: {  	[dreg:$0x2] =	wrdreg s24  }
0xaf: {  	[dreg:$0x3] =	wrdreg s2  }
0xb0: {  	[dreg:$0x4] =	wrdreg $0x2F000  }
0xb1: {  	[dreg:$0x5] =	wrdreg $0x9  }
0xb2: {  	_ =	task.clear_ibuf [dreg:s7], $0x6FFFF;
	_ =	strace $0x90000046  }
0xb3: {  	s29 =	simm.s32 $0x9;
	_ =	strace $0x80000048  }
0xb4: {  	_ =	swait.ge [sflag:s29], $0x1  }
0xb5: {  	[sflag:s29] =	ssyncadd.s32 $0xFFFFFFFF  }
0xb6: {  	_ =	strace $0x90000048  }
0xb7: {  	_ =	sfence  }
0xb8: {  	s30 =	sld [smem:$0x0];
	_ =	sdelay $0x2  }
0xb9: {  	s31 =	sshll.u32 s1, $0xD;
	s1 =	sshrl.u32 s1, $0x2  }
0xba: {  	s3 =	sand.u32 $0x4000, s31;
	s1 =	sadd.s32 s1, s30  }
0xbb: {  	s0 =	sor.u32 s3, s0;
	s1 =	sshll.u32 s1, $0x11  }
0xbc: {  	s0 =	sor.u32 s1, s0  }
0xbd: {  	s0 =	sadd.s32 $0x8F2B, s0  }
0xbe: {  	[sflag:s0] =	ssyncadd.remote.s32 $0x1  }
0xbf: {  	_ =	sfence.sel $0xFFFF  }
0xc0: {  	[dreg:$0x0] =	wrdreg $0xFFFFFFFF;
	(pc) =	sbr.abs _section_cstart, $3  }
0xc1: {  	[dreg:$0x1] =	wrdreg $0xFFFFFFFF  }
0xc2: {  	_ =	task.clear_ibuf [dreg:s7], $0x2FFFF;
	_ =	strace $0x9FFFFFFF  }
0xc3: {  	(tm) =	ssettm $0x7FFFFFFF  }
tec
execute0_lowered:
.L_overlay_start_1:
0x0: {  	(tag) =	ssettag $0x1  }
0x1: {  	s4 =	rddreg [dreg:$0x0]  }
0x2: {  	s6 =	rddreg [dreg:$0x1];
	s1 =	srdreg.scid  }
0x3: {  	s0 =	stileid.u32;
	s2 =	rddreg [dreg:$0x2]  }
0x4: {  	s3 =	simm.s32 $0x0;
	s11 =	simm.s32 $0x2C00;
	s12 =	simm.s32 $0x1  }
0x5: {  	s15 =	simm.s32 $0x20;
	s16 =	simm.s32 $0x10;
	s17 =	simm.s32 $0x0  }
0x6: {  	s5 =	sand.u32 $0x1, s1;
	s1 =	rddreg [dreg:$0x3];
	s8 =	smul.u32 $0x500, s0  }
0x7: {  	s7 =	sshll.u32 s0, $0x1;
	[smem:$0x7FF] =	sst s3;
	s10 =	smul.u32 $0xA00, s0  }
0x8: {  	s13 =	sshll.u32 s0, $0x6;
	s7 =	sor.u32 s5, s7;
	_ =	strace $0x80000047  }
0x9: {  	s9 =	ssub.s32 $0x2, s5;
	s5 =	sshll.u32 s5, $0x7;
	s13 =	sor.u32 $0x1C02, s13  }
0xa: {  	s7 =	smul.u32 $0x580, s7;
	s29 =	sshrl.u32 s9, $0x1;
	s5 =	sor.u32 s5, s8  }
0xb: {  	s30 =	sshrl.u32 s10, $0x2;
	s8 =	simm.s32 $0x2;
	s10 =	simm.s32 $0x80  }
0xc: {  	s31 =	sshrl.u32 s5, $0x3;
	s5 =	sadd.s32 s30, s2;
	s4 =	sadd.s32 s7, s4  }
0xd: {  	s7 =	ssub.s32 s9, s29;
	s6 =	sadd.s32 s6, s31;
	s9 =	simm.s32 $0x2C80  }
0xe: {  	v0 =	vimm.f32 $1.000000000e+00;
	v1 =	vimm.f32 $0.0e+00;
	s14 =	sshrl.u32 s5, $0x3;
	s4 =	sadd.s32 $0xC200, s4;
	s7 =	smax.u32 s7, $0x1  }
.LBB2_1:
0xf: {  	[tilespmem:s3], [sflag:$0x2] =	stream.linear.gather [hbm4b:s4+s3], $0x2880, $0x38;
	[tilespmem:$0x3180] =	vst v63  }
0x10: {  	_ =	swait.ge [sflag:s8], $0x2880  }
0x11: {  	[sflag:s8] =	ssyncset.done $0x0  }
0x12: {  	[sflag:s8] =	ssyncadd.s32 $0xFFFFD780  }
0x13: {  	[tilespmem:$0x2C00] =	vst v0  }
0x14: {  	[tilespmem:$0x2C10] =	vst v0  }
0x15: {  	[tilespmem:$0x2C20] =	vst v0  }
0x16: {  	[tilespmem:$0x2C30] =	vst v0  }
0x17: {  	[tilespmem:$0x2C40] =	vst v0  }
0x18: {  	[tilespmem:$0x2C50] =	vst v0  }
0x19: {  	[tilespmem:$0x2C60] =	vst v0  }
0x1a: {  	[tilespmem:$0x2C70] =	vst v0  }
0x1b: {  	[tilespmem:$0x2C80] =	vst v1  }
0x1c: {  	[tilespmem:$0x2C90] =	vst v1  }
0x1d: {  	[tilespmem:$0x2CA0] =	vst v1  }
0x1e: {  	[tilespmem:$0x2CB0] =	vst v1  }
0x1f: {  	[tilespmem:$0x2CC0] =	vst v1  }
0x20: {  	[tilespmem:$0x2CD0] =	vst v1  }
0x21: {  	[tilespmem:$0x2CE0] =	vst v1  }
0x22: {  	[tilespmem:$0x2CF0] =	vst v1  }
0x23: {  	[tilespmem:$0x2D00] =	vst v1  }
0x24: {  	[tilespmem:$0x2D10] =	vst v1  }
0x25: {  	[tilespmem:$0x2D20] =	vst v1  }
0x26: {  	[tilespmem:$0x2D30] =	vst v1  }
0x27: {  	[tilespmem:$0x2D40] =	vst v1  }
0x28: {  	[tilespmem:$0x2D50] =	vst v1  }
0x29: {  	[tilespmem:$0x2D60] =	vst v1  }
0x2a: {  	[tilespmem:$0x2D70] =	vst v1  }
0x2b: {  	[tilespmem:$0x2D80] =	vst v1  }
0x2c: {  	[tilespmem:$0x2D90] =	vst v1  }
0x2d: {  	[tilespmem:$0x2DA0] =	vst v1  }
0x2e: {  	[tilespmem:$0x2DB0] =	vst v1  }
0x2f: {  	[tilespmem:$0x2DC0] =	vst v1  }
0x30: {  	[tilespmem:$0x2DD0] =	vst v1  }
0x31: {  	[tilespmem:$0x2DE0] =	vst v1  }
0x32: {  	[tilespmem:$0x2DF0] =	vst v1  }
0x33: {  	[tilespmem:$0x2E00] =	vst v1  }
0x34: {  	[tilespmem:$0x2E10] =	vst v1  }
0x35: {  	[tilespmem:$0x2E20] =	vst v1  }
0x36: {  	[tilespmem:$0x2E30] =	vst v1  }
0x37: {  	[tilespmem:$0x2E40] =	vst v1  }
0x38: {  	[tilespmem:$0x2E50] =	vst v1  }
0x39: {  	[tilespmem:$0x2E60] =	vst v1  }
0x3a: {  	[tilespmem:$0x2E70] =	vst v1  }
0x3b: {  	[tilespmem:$0x2E80] =	vst v1  }
0x3c: {  	[tilespmem:$0x2E90] =	vst v1  }
0x3d: {  	[tilespmem:$0x2EA0] =	vst v1  }
0x3e: {  	[tilespmem:$0x2EB0] =	vst v1  }
0x3f: {  	[tilespmem:$0x2EC0] =	vst v1  }
0x40: {  	[tilespmem:$0x2ED0] =	vst v1  }
0x41: {  	[tilespmem:$0x2EE0] =	vst v1  }
0x42: {  	[tilespmem:$0x2EF0] =	vst v1  }
0x43: {  	[spmem:s5] =	stream.linear.scatter [tilespmem:s9], [sflag:$0x2], $0x280, $0x38;
	[tilespmem:$0x3180] =	vst v63  }
0x44: {  	_ =	swait.ge [sflag:s8], $0x280  }
0x45: {  	[sflag:s8] =	ssyncset.done $0x0  }
0x46: {  	[sflag:s8] =	ssyncadd.s32 $0xFFFFFD80  }
0x47: {  	s18 =	simm.s32 $0x0;
	[bflag:$0x0] =	sbarrier.arrive $0xFFFF  }
.LBB2_2:
0x48: {  	p0 =	sne.s32 s18, $0xA000  }
.Ltmp0:
0x49: {  	_ = 	snop;
	(pc) =	sbr.rel @p0 .LBB2_2-.Ltmp0, $3  }
0x4a: {  	_ =	sdelay $0x1  }
0x4b: {  	s19 =	sshra.s32 s18, $0x2;
	s18 =	sadd.s32 $0x200, s18  }
0x4c: {  	[spmem:s2] =	stream.indirect.scatter.add.f32 [tilespmem:s11], [sflag:$0x1], $0x1, s19, s10, $0xb8;
	[tilespmem:$0x3180] =	vst v63  }
0x4d: {  	_ =	swait.ge [sflag:s12], $0x80  }
0x4e: {  	s18 =	simm.s32 $0x50;
	[sflag:s12] =	ssyncset.done $0x0  }
.LBB2_4:
0x4f: {  	p0 =	sne.s32 s18, $0x1;
	s18 =	sadd.s32 $0xFFFFFFFF, s18;
	[sflag:s12] =	ssyncadd.s32 $0xFFFFFF80  }
.Ltmp1:
0x50: {  	(pc) =	sbr.rel @p0 .LBB2_4-.Ltmp1, $3  }
0x51: {  	_ =	sdelay $0x1  }
0x52: {  	_ =	swait.ge [sflag:s12], $0x80  }
0x53: {  	[sflag:s12] =	ssyncset.done $0x0  }
0x54: {  	s17 =	sadd.s32 $0x1, s17  }
0x55: {  	[sflag:s12] =	ssyncadd.s32 $0xFFFFFF80;
	p0 =	sne.s32 s17, s7  }
.Ltmp2:
0x56: {  	[bflag:$0x0] =	sbarrier.arrive $0xFFFF;
	(pc) =	sbr.rel @p0 .LBB2_1-.Ltmp2, $4  }
0x57: {  	[hbm:s6@s15], [sflag:s13] =	dma.strided [spmem:s14@s16], $0x50, s12, $0x10   }
0x58: {  	_ =	swait.ge [sflag:s8], $0x50  }
0x59: {  	[sflag:s8] =	ssyncset.done $0x0  }
0x5a: {  	[sflag:s8] =	ssyncadd.s32 $0xFFFFFFB0  }
0x5b: {  	_ =	sfence.sel $0x180000  }
0x5c: {  	[bflag:$0x0] =	sbarrier.arrive $0xFFFF  }
0x5d: {  	p0 =	sne.s32 s0, $0x0;
	_ =	strace $0x90000047  }
0x5e: {  	s0 =	sadd.s32 @!p0 $0x100000, s1;
	[bflag:$0x2] =	sbarrier.arrive $0xFFFF  }
0x5f: {  	[sflag:s0] =	ssyncadd.tile.s32 @!p0 $0x1;
	_ =	shalt  }
.Lfunc_end2:
_tile_overlayer_lowered:
.L_overlay_start_2:
0x60: {  	(tag) =	ssettag $0x2  }
0x61: {  	s0 =	rddreg [dreg:$0x0];
	s2 =	stileid.u32  }
0x62: {  	s1 =	rddreg [dreg:$0x1];
	p0 =	sne.s32 s2, $0x0  }
0x63: {  	s3 =	rddreg [dreg:$0x2];
	[bflag:$0x3] =	sbarrier.arrive $0xFFFF;
	s2 =	simm.s32 @!p0 $0x1C02  }
0x64: {  	[timem:s3], [sflag:s2] =	dma.local @!p0 [hbm:s0], s1  }
0x65: {  	s0 =	simm.s32 @!p0 $0x2  }
0x66: {  	_ =	swait.ge @!p0 [sflag:s0], s1  }
0x67: {  	s1 =	ssub.s32 @!p0 $0x0, s1;
	[sflag:s0] =	ssyncset.done @!p0 $0x0  }
0x68: {  	[sflag:s0] =	ssyncadd.s32 @!p0 s1  }
0x69: {  	[bflag:$0x3] =	sbarrier.arrive $0xFFFF  }
0x6a: {  	_ =	shalt  }

</sc_bundles>
